<compile_context>
chip_gen: v7x
topology: tpu7x:2x2x1
jax: 0.10.2.dev20260603
libtpu: 0.0.44.dev20260713+nightly
codegen_flags: <defaults>
</compile_context>

<pallas_src>
import functools

import jax
import jax.numpy as jnp
from jax import lax
from jax.experimental import pallas as pl
from jax.experimental.pallas import tpu as pltpu
from jax.experimental.pallas import tpu_sc as plsc

B = 16
L = 2048
TOTAL = 16384
V = 8192
D = 128
NULL_ID = 0
START_ID = 2
END_ID = 3

NC = 2
NS = 16
LANES = 16
NW = NC * NS
PW = (B * L) // NW
FETCH = PW + 8
CHUNK = 64
NCH = PW // CHUNK
NBUF = 4


def _body(flat_hbm, cu_hbm, vocab_hbm, out_hbm,
          cu_v, tok_v, ids_v, rows_v, null_v, null_chunk_v,
          vocab_sp, gsem, ssem, stsem):
    sid = lax.axis_index("s")
    wid = lax.axis_index("c") * NS + sid
    b = wid // 2
    j0 = (wid % 2) * PW

    vshard = V // NS
    stage = pltpu.async_copy(vocab_hbm.at[pl.ds(sid * vshard, vshard)],
                             vocab_sp.at[pl.ds(sid * vshard, vshard)], stsem)

    pltpu.sync_copy(vocab_hbm.at[pl.ds(0, 1)], null_v)
    pltpu.sync_copy(null_v, vocab_sp.at[pl.ds(V + sid, 1)])

    pltpu.sync_copy(cu_hbm.at[pl.ds(0, 16)], cu_v)
    bvec = jnp.full((LANES,), b, jnp.int32)
    start = plsc.load_gather(cu_v, [bvec])[0]
    nxt = plsc.load_gather(cu_v, [jnp.minimum(bvec + 1, 15)])[0]
    seglen = jnp.where(b == B - 1, jnp.int32(TOTAL), nxt) - start

    s = start + j0 - 1
    sa = pl.multiple_of(jnp.maximum(0, jnp.minimum(s & ~7, TOTAL - FETCH)), 8)
    pltpu.sync_copy(flat_hbm.at[pl.ds(sa, FETCH)], tok_v)

    iota = jnp.arange(LANES, dtype=jnp.int32)

    def id_chunk(c, carry):
        for u in range(CHUNK // LANES):
            j = j0 + c * CHUNK + u * LANES + iota
            g = jnp.clip(start + j - 1, 0, TOTAL - 1)
            tok = plsc.load_gather(tok_v, [g - sa])
            pid = jnp.where(
                j == 0, jnp.int32(START_ID),
                jnp.where(j <= seglen, tok,
                          jnp.where(j == seglen + 1, jnp.int32(END_ID),
                                    jnp.int32(V) + sid)))
            ids_v[c, pl.ds(u * LANES, LANES)] = pid
        return carry

    def fill_null(r, carry):
        for k in range(D // LANES):
            null_chunk_v[r, pl.ds(k * LANES, LANES)] = \
                null_v[0, pl.ds(k * LANES, LANES)]
        return carry

    lax.fori_loop(0, CHUNK, fill_null, 0)

    lax.fori_loop(0, NCH, id_chunk, 0)

    stage.wait()
    plsc.subcore_barrier()

    def needs_gather(c):
        return (j0 + c * CHUNK) <= seglen + 1

    base = wid * PW
    gd = [None] * NBUF
    sd = [None] * NBUF
    for c in range(min(NBUF, NCH)):
        gd[c] = pltpu.make_async_copy(
            vocab_sp.at[ids_v.at[c]], rows_v.at[c], gsem)
        pl.when(needs_gather(c))(gd[c].start)
    for c in range(NCH):
        p = c % NBUF
        pl.when(needs_gather(c))(gd[p].wait)
        out_slc = out_hbm.at[pl.ds(base + c * CHUNK, CHUNK)]
        sd[p] = pltpu.make_async_copy(rows_v.at[p], out_slc, ssem)
        sd_null = pltpu.make_async_copy(null_chunk_v, out_slc, ssem)
        pl.when(needs_gather(c))(sd[p].start)
        pl.when(jnp.logical_not(needs_gather(c)))(sd_null.start)
        nc = c + NBUF
        if nc < NCH:
            sd[p].wait()
            gd[p] = pltpu.make_async_copy(
                vocab_sp.at[ids_v.at[nc]], rows_v.at[p], gsem)
            pl.when(needs_gather(nc))(gd[p].start)
    for c in range(NCH - NBUF, NCH):
        sd[c % NBUF].wait()


_tokenize = functools.partial(
    pl.kernel,
    out_type=jax.ShapeDtypeStruct((B * L, D), jnp.float32),
    mesh=plsc.VectorSubcoreMesh(core_axis_name="c", subcore_axis_name="s"),
    compiler_params=pltpu.CompilerParams(needs_layout_passes=False),
    scratch_types=[
        pltpu.VMEM((16,), jnp.int32),
        pltpu.VMEM((FETCH,), jnp.int32),
        pltpu.VMEM((NCH, CHUNK), jnp.int32),
        pltpu.VMEM((NBUF, CHUNK, D), jnp.float32),
        pltpu.VMEM((1, D), jnp.float32),
        pltpu.VMEM((CHUNK, D), jnp.float32),
        pltpu.VMEM_SHARED((V + NS, D), jnp.float32),
        pltpu.SemaphoreType.DMA,
        pltpu.SemaphoreType.DMA,
        pltpu.SemaphoreType.DMA,
    ],
)(_body)


@jax.jit
def kernel(flat_tokens, cu_seqlens, vocab_emb):
    out = _tokenize(flat_tokens, cu_seqlens.astype(jnp.int32), vocab_emb)
    return out.reshape(B, L, D)

# --- scband reference (transcript-rebuilt; emitter-appended) ---
"""Pipeline reference for scband-subword-tokenizer-47845935677987 (READ-ONLY COPY).

The authoritative reference and input builder live on the scoring server;
editing this copy changes nothing except your own understanding.
"""

import jax, jax.numpy as jnp
import numpy as np

B = 16
L = 2048  # fixed_seq_length
TOTAL = 16384  # total ragged tokens
V = 8192  # subword vocab size
D = 128  # lookup embedding dim (numeric proxy for string vocab gather)
NULL_ID = 0
START_ID = 2
END_ID = 3


def setup_inputs(seed: int = 0) -> dict:
    key = jax.random.key(seed)
    k1, k2, k3 = jax.random.split(key, 3)
    # flat ragged token ids (values >= 4 so reserved tokens never collide)
    flat_tokens = jax.random.randint(k1, (TOTAL,), 4, V, dtype=jnp.int32)
    # monotone row splits (cu_seqlens), B+1 entries, first=0 last=TOTAL
    inner = jnp.sort(jax.random.randint(k2, (B - 1,), 0, TOTAL + 1, dtype=jnp.int32))
    cu_seqlens = jnp.concatenate([
        jnp.zeros((1,), jnp.int32), inner, jnp.full((1,), TOTAL, jnp.int32)
    ])
    # numeric stand-in for self.vocab string table used by lookup(): tf.gather(self.vocab, token_ids)
    vocab_emb = jax.random.normal(k3, (V, D), dtype=jnp.float32)
    return {"flat_tokens": flat_tokens, "cu_seqlens": cu_seqlens, "vocab_emb": vocab_emb}


def reference(flat_tokens, cu_seqlens, vocab_emb):
    """Faithful numeric translation of tokenize_fixed + lookup.

    The TF module: (1) ragged-tokenizes strings (here: already-tokenized ragged
    ids given as flat_tokens + cu_seqlens), (2) add_start_end prepends [START]
    and appends [END] to every row, (3) .to_tensor(shape=[None, L]) pads with
    [NULL]=0 and truncates to L, (4) lookup gathers rows of the vocab table.
    """
    starts = cu_seqlens[:-1].astype(jnp.int32)            # [B]
    lens = (cu_seqlens[1:] - cu_seqlens[:-1]).astype(jnp.int32)  # [B]
    j = jnp.arange(L, dtype=jnp.int32)[None, :]           # [1, L]
    # position j in padded row maps to ragged element (j-1) of that row
    gidx = jnp.clip(starts[:, None] + j - 1, 0, TOTAL - 1)  # [B, L]
    tok = jnp.take(flat_tokens, gidx, axis=0)             # [B, L]
    lb = lens[:, None]
    padded_ids = jnp.where(
        j == 0, START_ID,
        jnp.where(j <= lb, tok,
                  jnp.where(j == lb + 1, END_ID, NULL_ID)))  # [B, L] int
    # lookup: tf.gather(self.vocab, token_ids) -> numeric gather from table
    out = jnp.take(vocab_emb, padded_ids, axis=0)         # [B, L, D]
    return out


if False:  # reference __main__ guard neutralized (emitter)
    inp = setup_inputs()
    out = reference(**inp)
    print(out.shape, out.dtype)

if __name__ == "__main__":
    import jax
    _d = setup_inputs()
    print(jax.jit(kernel)(*tuple(_d.values())))

</pallas_src>

<mosaic_0001>
#map = affine_map<(d0, d1) -> (0)>
#map1 = affine_map<(d0, d1) -> (0, 0)>
module attributes {stable_mosaic.version = 14 : i64} {
  func.func @_body(%arg0: i32, %arg1: i32, %arg2: memref<16384xi32, #tpu.memory_space<hbm>>, %arg3: memref<17xi32, #tpu.memory_space<hbm>>, %arg4: memref<8192x128xf32, #tpu.memory_space<hbm>>, %arg5: memref<32768x128xf32, #tpu.memory_space<hbm>>, %arg6: memref<16xi32, #tpu.memory_space<vmem>>, %arg7: memref<1032xi32, #tpu.memory_space<vmem>>, %arg8: memref<16x64xi32, #tpu.memory_space<vmem>>, %arg9: memref<4x64x128xf32, #tpu.memory_space<vmem>>, %arg10: memref<1x128xf32, #tpu.memory_space<vmem>>, %arg11: memref<64x128xf32, #tpu.memory_space<vmem>>, %arg12: memref<8208x128xf32, #tpu.memory_space<vmem_shared>>, %arg13: memref<!tpu.dma_semaphore, #tpu.memory_space<semaphore_mem>>, %arg14: memref<!tpu.dma_semaphore, #tpu.memory_space<semaphore_mem>>, %arg15: memref<!tpu.dma_semaphore, #tpu.memory_space<semaphore_mem>>) attributes {dimension_semantics = [#tpu.dimension_semantics<core_parallel>, #tpu.dimension_semantics<subcore_parallel>], iteration_bounds = array<i64: 2, 16>, scalar_prefetch = 0 : i64, scratch_operands = 10 : i64, tpu.core_type = #tpu.core_type<sc_vector_subcore>, window_params = [{transform_indices = #map}, {transform_indices = #map}, {transform_indices = #map1}, {transform_indices = #map1}]} {
    %mul3A = arith.constant 16 : i32
    %mul3A_0 = arith.muli %arg0, %mul3A : i32
    %add3A = arith.addi %mul3A_0, %arg1 : i32
    %jit3A = arith.constant 2 : i32
    %div3A = arith.divsi %add3A, %jit3A : i32
    %sign3A = arith.constant 0 : i32
    %sign3A_1 = arith.cmpi sgt, %add3A, %sign3A : i32
    %sign3A_2 = arith.extui %sign3A_1 : i1 to i32
    %sign3A_3 = arith.constant 0 : i32
    %sign3A_4 = arith.cmpi slt, %add3A, %sign3A_3 : i32
    %sign3A_5 = arith.extui %sign3A_4 : i1 to i32
    %sign3A_6 = arith.subi %sign3A_2, %sign3A_5 : i32
    %sign3A_7 = arith.constant 0 : i32
    %sign3A_8 = arith.cmpi sgt, %jit3A, %sign3A_7 : i32
    %sign3A_9 = arith.extui %sign3A_8 : i1 to i32
    %sign3A_10 = arith.constant 0 : i32
    %sign3A_11 = arith.cmpi slt, %jit3A, %sign3A_10 : i32
    %sign3A_12 = arith.extui %sign3A_11 : i1 to i32
    %sign3A_13 = arith.subi %sign3A_9, %sign3A_12 : i32
    %ne3A = arith.cmpi ne, %sign3A_6, %sign3A_13 : i32
    %rem3A = arith.remsi %add3A, %jit3A : i32
    %ne3A_14 = arith.constant 0 : i32
    %ne3A_15 = arith.cmpi ne, %rem3A, %ne3A_14 : i32
    %and3A = arith.andi %ne3A, %ne3A_15 : i1
    %sub3A = arith.constant 1 : i32
    %sub3A_16 = arith.subi %div3A, %sub3A : i32
    %select_n3A = arith.select %and3A, %sub3A_16, %div3A : i32
    %jit3A_17 = arith.constant 2 : i32
    %eq3A = arith.constant 0 : i32
    %eq3A_18 = arith.cmpi eq, %jit3A_17, %eq3A : i32
    %jit3A_19 = arith.constant 1 : i32
    %select_n3A_20 = arith.select %eq3A_18, %jit3A_19, %jit3A_17 : i32
    %rem3A_21 = arith.remsi %add3A, %select_n3A_20 : i32
    %ne3A_22 = arith.constant 0 : i32
    %ne3A_23 = arith.cmpi ne, %rem3A_21, %ne3A_22 : i32
    %lt3A = arith.constant 0 : i32
    %lt3A_24 = arith.cmpi slt, %rem3A_21, %lt3A : i32
    %lt3A_25 = arith.constant 0 : i32
    %lt3A_26 = arith.cmpi slt, %select_n3A_20, %lt3A_25 : i32
    %ne3A_27 = arith.xori %lt3A_24, %lt3A_26 : i1
    %and3A_28 = arith.andi %ne3A_27, %ne3A_23 : i1
    %add3A_29 = arith.addi %rem3A_21, %select_n3A_20 : i32
    %select_n3A_30 = arith.select %and3A_28, %add3A_29, %rem3A_21 : i32
    %mul3A_31 = arith.constant 1024 : i32
    %mul3A_32 = arith.muli %select_n3A_30, %mul3A_31 : i32
    %mul3A_33 = arith.constant 512 : i32
    %mul3A_34 = arith.muli %arg1, %mul3A_33 : i32
    %mul3A_35 = arith.constant 512 : i32
    %mul3A_36 = arith.muli %arg1, %mul3A_35 : i32
    %dma_start3A = arith.constant 0 : i32
    %dma_start3A_37 = tpu.memref_slice %arg12[%mul3A_36, %dma_start3A] : memref<8208x128xf32, #tpu.memory_space<vmem_shared>> -> memref<512x128xf32, #tpu.memory_space<vmem_shared>>
    %dma_start3A_38 = arith.constant 0 : i32
    %dma_start3A_39 = tpu.memref_slice %arg4[%mul3A_34, %dma_start3A_38] : memref<8192x128xf32, #tpu.memory_space<hbm>> -> memref<512x128xf32, #tpu.memory_space<hbm>>
    tpu.enqueue_dma source(%dma_start3A_39 : memref<512x128xf32, #tpu.memory_space<hbm>>) target(%dma_start3A_37 : memref<512x128xf32, #tpu.memory_space<vmem_shared>>) target_semaphore(%arg15 : memref<!tpu.dma_semaphore, #tpu.memory_space<semaphore_mem>>)
    "tpu.region"() ({
      %run_scoped3A = tpu.sem_alloc : memref<!tpu.dma_semaphore, #tpu.memory_space<semaphore_mem>>
      %dma_start3A_939 = arith.constant 0 : i32
      %dma_start3A_940 = arith.constant 0 : i32
      %dma_start3A_941 = tpu.memref_slice %arg4[%dma_start3A_939, %dma_start3A_940] : memref<8192x128xf32, #tpu.memory_space<hbm>> -> memref<1x128xf32, #tpu.memory_space<hbm>>
      %dma_start3A_942 = arith.constant 0 : i32
      %dma_start3A_943 = arith.constant 0 : i32
      %dma_start3A_944 = tpu.memref_slice %arg4[%dma_start3A_942, %dma_start3A_943] : memref<8192x128xf32, #tpu.memory_space<hbm>> -> memref<1x128xf32, #tpu.memory_space<hbm>>
      tpu.enqueue_dma source(%dma_start3A_944 : memref<1x128xf32, #tpu.memory_space<hbm>>) target(%arg10 : memref<1x128xf32, #tpu.memory_space<vmem>>) target_semaphore(%run_scoped3A : memref<!tpu.dma_semaphore, #tpu.memory_space<semaphore_mem>>)
      %dma_wait3A_945 = arith.constant 0 : i32
      %dma_wait3A_946 = arith.constant 0 : i32
      %dma_wait3A_947 = tpu.memref_slice %arg4[%dma_wait3A_945, %dma_wait3A_946] : memref<8192x128xf32, #tpu.memory_space<hbm>> -> memref<1x128xf32, #tpu.memory_space<hbm>>
      %dma_wait3A_948 = arith.constant 0 : i32
      %dma_wait3A_949 = arith.constant 0 : i32
      %dma_wait3A_950 = tpu.memref_slice %arg4[%dma_wait3A_948, %dma_wait3A_949] : memref<8192x128xf32, #tpu.memory_space<hbm>> -> memref<1x128xf32, #tpu.memory_space<hbm>>
      tpu.wait_dma2 semaphore(%run_scoped3A : memref<!tpu.dma_semaphore, #tpu.memory_space<semaphore_mem>>) src(%dma_wait3A_950 : memref<1x128xf32, #tpu.memory_space<hbm>>) dst(%arg10 : memref<1x128xf32, #tpu.memory_space<vmem>>)
      tpu.yield
    }) : () -> ()
    %add3A_40 = arith.constant 8192 : i32
    %add3A_41 = arith.addi %add3A_40, %arg1 : i32
    "tpu.region"() ({
      %run_scoped3A = tpu.sem_alloc : memref<!tpu.dma_semaphore, #tpu.memory_space<semaphore_mem>>
      %dma_start3A_939 = arith.constant 0 : i32
      %dma_start3A_940 = tpu.memref_slice %arg12[%add3A_41, %dma_start3A_939] : memref<8208x128xf32, #tpu.memory_space<vmem_shared>> -> memref<1x128xf32, #tpu.memory_space<vmem_shared>>
      %dma_start3A_941 = arith.constant 0 : i32
      %dma_start3A_942 = tpu.memref_slice %arg12[%add3A_41, %dma_start3A_941] : memref<8208x128xf32, #tpu.memory_space<vmem_shared>> -> memref<1x128xf32, #tpu.memory_space<vmem_shared>>
      tpu.enqueue_dma source(%arg10 : memref<1x128xf32, #tpu.memory_space<vmem>>) target(%dma_start3A_942 : memref<1x128xf32, #tpu.memory_space<vmem_shared>>) target_semaphore(%run_scoped3A : memref<!tpu.dma_semaphore, #tpu.memory_space<semaphore_mem>>)
      %dma_wait3A_943 = arith.constant 0 : i32
      %dma_wait3A_944 = tpu.memref_slice %arg12[%add3A_41, %dma_wait3A_943] : memref<8208x128xf32, #tpu.memory_space<vmem_shared>> -> memref<1x128xf32, #tpu.memory_space<vmem_shared>>
      %dma_wait3A_945 = arith.constant 0 : i32
      %dma_wait3A_946 = tpu.memref_slice %arg12[%add3A_41, %dma_wait3A_945] : memref<8208x128xf32, #tpu.memory_space<vmem_shared>> -> memref<1x128xf32, #tpu.memory_space<vmem_shared>>
      tpu.wait_dma2 semaphore(%run_scoped3A : memref<!tpu.dma_semaphore, #tpu.memory_space<semaphore_mem>>) src(%arg10 : memref<1x128xf32, #tpu.memory_space<vmem>>) dst(%dma_wait3A_946 : memref<1x128xf32, #tpu.memory_space<vmem_shared>>)
      tpu.yield
    }) : () -> ()
    "tpu.region"() ({
      %run_scoped3A = tpu.sem_alloc : memref<!tpu.dma_semaphore, #tpu.memory_space<semaphore_mem>>
      %dma_start3A_939 = arith.constant 0 : i32
      %dma_start3A_940 = tpu.memref_slice %arg3[%dma_start3A_939] : memref<17xi32, #tpu.memory_space<hbm>> -> memref<16xi32, #tpu.memory_space<hbm>>
      %dma_start3A_941 = arith.constant 0 : i32
      %dma_start3A_942 = tpu.memref_slice %arg3[%dma_start3A_941] : memref<17xi32, #tpu.memory_space<hbm>> -> memref<16xi32, #tpu.memory_space<hbm>>
      tpu.enqueue_dma source(%dma_start3A_942 : memref<16xi32, #tpu.memory_space<hbm>>) target(%arg6 : memref<16xi32, #tpu.memory_space<vmem>>) target_semaphore(%run_scoped3A : memref<!tpu.dma_semaphore, #tpu.memory_space<semaphore_mem>>)
      %dma_wait3A_943 = arith.constant 0 : i32
      %dma_wait3A_944 = tpu.memref_slice %arg3[%dma_wait3A_943] : memref<17xi32, #tpu.memory_space<hbm>> -> memref<16xi32, #tpu.memory_space<hbm>>
      %dma_wait3A_945 = arith.constant 0 : i32
      %dma_wait3A_946 = tpu.memref_slice %arg3[%dma_wait3A_945] : memref<17xi32, #tpu.memory_space<hbm>> -> memref<16xi32, #tpu.memory_space<hbm>>
      tpu.wait_dma2 semaphore(%run_scoped3A : memref<!tpu.dma_semaphore, #tpu.memory_space<semaphore_mem>>) src(%dma_wait3A_946 : memref<16xi32, #tpu.memory_space<hbm>>) dst(%arg6 : memref<16xi32, #tpu.memory_space<vmem>>)
      tpu.yield
    }) : () -> ()
    %broadcast_in_dim3A = vector.broadcast %select_n3A : i32 to vector<16xi32>
    %gather3A = tpu.vector_load_idx %arg6[%broadcast_in_dim3A] : memref<16xi32, #tpu.memory_space<vmem>>[vector<16xi32>], vector<16xi32>,
    %slice3A = vector.extract_strided_slice %gather3A {offsets = [0], sizes = [1], strides = [1]} : vector<16xi32> to vector<1xi32>
    %squeeze3A = vector.extract %slice3A[0] : i32 from vector<1xi32>
    %add3A_42 = arith.constant 1 : i32
    %add3A_43 = vector.broadcast %add3A_42 : i32 to vector<16xi32>
    %add3A_44 = arith.addi %broadcast_in_dim3A, %add3A_43 : vector<16xi32>
    %min3A = arith.constant 15 : i32
    %min3A_45 = vector.broadcast %min3A : i32 to vector<16xi32>
    %min3A_46 = arith.minsi %add3A_44, %min3A_45 : vector<16xi32>
    %gather3A_47 = tpu.vector_load_idx %arg6[%min3A_46] : memref<16xi32, #tpu.memory_space<vmem>>[vector<16xi32>], vector<16xi32>,
    %slice3A_48 = vector.extract_strided_slice %gather3A_47 {offsets = [0], sizes = [1], strides = [1]} : vector<16xi32> to vector<1xi32>
    %squeeze3A_49 = vector.extract %slice3A_48[0] : i32 from vector<1xi32>
    %eq3A_50 = arith.constant 15 : i32
    %eq3A_51 = arith.cmpi eq, %select_n3A, %eq3A_50 : i32
    %jit3A_52 = arith.constant 16384 : i32
    %select_n3A_53 = arith.select %eq3A_51, %jit3A_52, %squeeze3A_49 : i32
    %sub3A_54 = arith.subi %select_n3A_53, %squeeze3A : i32
    %add3A_55 = arith.addi %squeeze3A, %mul3A_32 : i32
    %sub3A_56 = arith.constant 1 : i32
    %sub3A_57 = arith.subi %add3A_55, %sub3A_56 : i32
    %and3A_58 = arith.constant -8 : i32
    %and3A_59 = arith.andi %sub3A_57, %and3A_58 : i32
    %min3A_60 = arith.constant 15352 : i32
    %min3A_61 = arith.minsi %and3A_59, %min3A_60 : i32
    %max3A = arith.constant 0 : i32
    %max3A_62 = arith.maxsi %max3A, %min3A_61 : i32
    %multiple_of3A = tpu.assume_multiple %max3A_62, 8 : i32
    "tpu.region"() ({
      %run_scoped3A = tpu.sem_alloc : memref<!tpu.dma_semaphore, #tpu.memory_space<semaphore_mem>>
      %dma_start3A_939 = tpu.memref_slice %arg2[%multiple_of3A] : memref<16384xi32, #tpu.memory_space<hbm>> -> memref<1032xi32, #tpu.memory_space<hbm>>
      %dma_start3A_940 = tpu.memref_slice %arg2[%multiple_of3A] : memref<16384xi32, #tpu.memory_space<hbm>> -> memref<1032xi32, #tpu.memory_space<hbm>>
      tpu.enqueue_dma source(%dma_start3A_940 : memref<1032xi32, #tpu.memory_space<hbm>>) target(%arg7 : memref<1032xi32, #tpu.memory_space<vmem>>) target_semaphore(%run_scoped3A : memref<!tpu.dma_semaphore, #tpu.memory_space<semaphore_mem>>)
      %dma_wait3A_941 = tpu.memref_slice %arg2[%multiple_of3A] : memref<16384xi32, #tpu.memory_space<hbm>> -> memref<1032xi32, #tpu.memory_space<hbm>>
      %dma_wait3A_942 = tpu.memref_slice %arg2[%multiple_of3A] : memref<16384xi32, #tpu.memory_space<hbm>> -> memref<1032xi32, #tpu.memory_space<hbm>>
      tpu.wait_dma2 semaphore(%run_scoped3A : memref<!tpu.dma_semaphore, #tpu.memory_space<semaphore_mem>>) src(%dma_wait3A_942 : memref<1032xi32, #tpu.memory_space<hbm>>) dst(%arg7 : memref<1032xi32, #tpu.memory_space<vmem>>)
      tpu.yield
    }) : () -> ()
    %iota3A = tpu.iota {dimensions = array<i32: 0>} : vector<16xi32>
    %scan3A = arith.constant 0 : i32
    %scan3A_63 = arith.constant 0 : i32
    %scan3A_64 = arith.constant 64 : i32
    %scan3A_65 = arith.addi %scan3A_63, %scan3A_64 : i32
    %scan3A_66 = arith.constant 1 : i32
    scf.for %scan3A_939 = %scan3A_63 to %scan3A_65 step %scan3A_66  : i32 {
      %get3A = arith.constant 0 : i32
      %get3A_940 = arith.index_cast %get3A : i32 to index
      %get3A_941 = arith.constant 0 : index
      %get3A_942 = tpu.vector_load %arg10[%get3A_940, %get3A_941] {strides = array<i32>} : memref<1x128xf32, #tpu.memory_space<vmem>>, vector<16xf32>,
      %swap3A = arith.index_cast %scan3A_939 : i32 to index
      %swap3A_943 = arith.constant 0 : index
      %swap3A_944 = tpu.vector_load %arg11[%swap3A, %swap3A_943] {strides = array<i32>} : memref<64x128xf32, #tpu.memory_space<vmem>>, vector<16xf32>,
      tpu.vector_store %arg11[%swap3A, %swap3A_943], %get3A_942 {strides = array<i32>} : memref<64x128xf32, #tpu.memory_space<vmem>>, vector<16xf32>,
      %get3A_945 = arith.constant 0 : i32
      %get3A_946 = arith.index_cast %get3A_945 : i32 to index
      %get3A_947 = arith.constant 16 : index
      %get3A_948 = tpu.vector_load %arg10[%get3A_946, %get3A_947] {strides = array<i32>} : memref<1x128xf32, #tpu.memory_space<vmem>>, vector<16xf32>,
      %swap3A_949 = arith.index_cast %scan3A_939 : i32 to index
      %swap3A_950 = arith.constant 16 : index
      %swap3A_951 = tpu.vector_load %arg11[%swap3A_949, %swap3A_950] {strides = array<i32>} : memref<64x128xf32, #tpu.memory_space<vmem>>, vector<16xf32>,
      tpu.vector_store %arg11[%swap3A_949, %swap3A_950], %get3A_948 {strides = array<i32>} : memref<64x128xf32, #tpu.memory_space<vmem>>, vector<16xf32>,
      %get3A_952 = arith.constant 0 : i32
      %get3A_953 = arith.index_cast %get3A_952 : i32 to index
      %get3A_954 = arith.constant 32 : index
      %get3A_955 = tpu.vector_load %arg10[%get3A_953, %get3A_954] {strides = array<i32>} : memref<1x128xf32, #tpu.memory_space<vmem>>, vector<16xf32>,
      %swap3A_956 = arith.index_cast %scan3A_939 : i32 to index
      %swap3A_957 = arith.constant 32 : index
      %swap3A_958 = tpu.vector_load %arg11[%swap3A_956, %swap3A_957] {strides = array<i32>} : memref<64x128xf32, #tpu.memory_space<vmem>>, vector<16xf32>,
      tpu.vector_store %arg11[%swap3A_956, %swap3A_957], %get3A_955 {strides = array<i32>} : memref<64x128xf32, #tpu.memory_space<vmem>>, vector<16xf32>,
      %get3A_959 = arith.constant 0 : i32
      %get3A_960 = arith.index_cast %get3A_959 : i32 to index
      %get3A_961 = arith.constant 48 : index
      %get3A_962 = tpu.vector_load %arg10[%get3A_960, %get3A_961] {strides = array<i32>} : memref<1x128xf32, #tpu.memory_space<vmem>>, vector<16xf32>,
      %swap3A_963 = arith.index_cast %scan3A_939 : i32 to index
      %swap3A_964 = arith.constant 48 : index
      %swap3A_965 = tpu.vector_load %arg11[%swap3A_963, %swap3A_964] {strides = array<i32>} : memref<64x128xf32, #tpu.memory_space<vmem>>, vector<16xf32>,
      tpu.vector_store %arg11[%swap3A_963, %swap3A_964], %get3A_962 {strides = array<i32>} : memref<64x128xf32, #tpu.memory_space<vmem>>, vector<16xf32>,
      %get3A_966 = arith.constant 0 : i32
      %get3A_967 = arith.index_cast %get3A_966 : i32 to index
      %get3A_968 = arith.constant 64 : index
      %get3A_969 = tpu.vector_load %arg10[%get3A_967, %get3A_968] {strides = array<i32>} : memref<1x128xf32, #tpu.memory_space<vmem>>, vector<16xf32>,
      %swap3A_970 = arith.index_cast %scan3A_939 : i32 to index
      %swap3A_971 = arith.constant 64 : index
      %swap3A_972 = tpu.vector_load %arg11[%swap3A_970, %swap3A_971] {strides = array<i32>} : memref<64x128xf32, #tpu.memory_space<vmem>>, vector<16xf32>,
      tpu.vector_store %arg11[%swap3A_970, %swap3A_971], %get3A_969 {strides = array<i32>} : memref<64x128xf32, #tpu.memory_space<vmem>>, vector<16xf32>,
      %get3A_973 = arith.constant 0 : i32
      %get3A_974 = arith.index_cast %get3A_973 : i32 to index
      %get3A_975 = arith.constant 80 : index
      %get3A_976 = tpu.vector_load %arg10[%get3A_974, %get3A_975] {strides = array<i32>} : memref<1x128xf32, #tpu.memory_space<vmem>>, vector<16xf32>,
      %swap3A_977 = arith.index_cast %scan3A_939 : i32 to index
      %swap3A_978 = arith.constant 80 : index
      %swap3A_979 = tpu.vector_load %arg11[%swap3A_977, %swap3A_978] {strides = array<i32>} : memref<64x128xf32, #tpu.memory_space<vmem>>, vector<16xf32>,
      tpu.vector_store %arg11[%swap3A_977, %swap3A_978], %get3A_976 {strides = array<i32>} : memref<64x128xf32, #tpu.memory_space<vmem>>, vector<16xf32>,
      %get3A_980 = arith.constant 0 : i32
      %get3A_981 = arith.index_cast %get3A_980 : i32 to index
      %get3A_982 = arith.constant 96 : index
      %get3A_983 = tpu.vector_load %arg10[%get3A_981, %get3A_982] {strides = array<i32>} : memref<1x128xf32, #tpu.memory_space<vmem>>, vector<16xf32>,
      %swap3A_984 = arith.index_cast %scan3A_939 : i32 to index
      %swap3A_985 = arith.constant 96 : index
      %swap3A_986 = tpu.vector_load %arg11[%swap3A_984, %swap3A_985] {strides = array<i32>} : memref<64x128xf32, #tpu.memory_space<vmem>>, vector<16xf32>,
      tpu.vector_store %arg11[%swap3A_984, %swap3A_985], %get3A_983 {strides = array<i32>} : memref<64x128xf32, #tpu.memory_space<vmem>>, vector<16xf32>,
      %get3A_987 = arith.constant 0 : i32
      %get3A_988 = arith.index_cast %get3A_987 : i32 to index
      %get3A_989 = arith.constant 112 : index
      %get3A_990 = tpu.vector_load %arg10[%get3A_988, %get3A_989] {strides = array<i32>} : memref<1x128xf32, #tpu.memory_space<vmem>>, vector<16xf32>,
      %swap3A_991 = arith.index_cast %scan3A_939 : i32 to index
      %swap3A_992 = arith.constant 112 : index
      %swap3A_993 = tpu.vector_load %arg11[%swap3A_991, %swap3A_992] {strides = array<i32>} : memref<64x128xf32, #tpu.memory_space<vmem>>, vector<16xf32>,
      tpu.vector_store %arg11[%swap3A_991, %swap3A_992], %get3A_990 {strides = array<i32>} : memref<64x128xf32, #tpu.memory_space<vmem>>, vector<16xf32>,
    }
    %scan3A_67 = arith.constant 64 : i32
    %scan3A_68 = arith.constant 0 : i32
    %scan3A_69 = arith.constant 0 : i32
    %scan3A_70 = arith.constant 16 : i32
    %scan3A_71 = arith.addi %scan3A_69, %scan3A_70 : i32
    %scan3A_72 = arith.constant 1 : i32
    scf.for %scan3A_939 = %scan3A_69 to %scan3A_71 step %scan3A_72  : i32 {
      %mul3A_940 = arith.constant 64 : i32
      %mul3A_941 = arith.muli %scan3A_939, %mul3A_940 : i32
      %add3A_942 = arith.addi %mul3A_32, %mul3A_941 : i32
      %add3A_943 = arith.constant 0 : i32
      %add3A_944 = arith.addi %add3A_942, %add3A_943 : i32
      %add3A_945 = vector.broadcast %add3A_944 : i32 to vector<16xi32>
      %add3A_946 = arith.addi %add3A_945, %iota3A : vector<16xi32>
      %add3A_947 = vector.broadcast %squeeze3A : i32 to vector<16xi32>
      %add3A_948 = arith.addi %add3A_947, %add3A_946 : vector<16xi32>
      %sub3A_949 = arith.constant 1 : i32
      %sub3A_950 = vector.broadcast %sub3A_949 : i32 to vector<16xi32>
      %sub3A_951 = arith.subi %add3A_948, %sub3A_950 : vector<16xi32>
      %jit3A_952 = arith.constant 0 : i32
      %jit3A_953 = arith.constant 16383 : i32
      %max3A_954 = vector.broadcast %jit3A_952 : i32 to vector<16xi32>
      %max3A_955 = arith.maxsi %max3A_954, %sub3A_951 : vector<16xi32>
      %min3A_956 = vector.broadcast %jit3A_953 : i32 to vector<16xi32>
      %min3A_957 = arith.minsi %min3A_956, %max3A_955 : vector<16xi32>
      %sub3A_958 = vector.broadcast %multiple_of3A : i32 to vector<16xi32>
      %sub3A_959 = arith.subi %min3A_957, %sub3A_958 : vector<16xi32>
      %gather3A_960 = tpu.vector_load_idx %arg7[%sub3A_959] : memref<1032xi32, #tpu.memory_space<vmem>>[vector<16xi32>], vector<16xi32>,
      %eq3A_961 = arith.constant 0 : i32
      %eq3A_962 = vector.broadcast %eq3A_961 : i32 to vector<16xi32>
      %eq3A_963 = arith.cmpi eq, %add3A_946, %eq3A_962 : vector<16xi32>
      %le3A_964 = vector.broadcast %sub3A_54 : i32 to vector<16xi32>
      %le3A_965 = arith.cmpi sle, %add3A_946, %le3A_964 : vector<16xi32>
      %add3A_966 = arith.constant 1 : i32
      %add3A_967 = arith.addi %sub3A_54, %add3A_966 : i32
      %eq3A_968 = vector.broadcast %add3A_967 : i32 to vector<16xi32>
      %eq3A_969 = arith.cmpi eq, %add3A_946, %eq3A_968 : vector<16xi32>
      %add3A_970 = arith.constant 8192 : i32
      %add3A_971 = arith.addi %add3A_970, %arg1 : i32
      %jit3A_972 = arith.constant 3 : i32
      %broadcast_in_dim3A_973 = vector.broadcast %jit3A_972 : i32 to vector<16xi32>
      %broadcast_in_dim3A_974 = vector.broadcast %add3A_971 : i32 to vector<16xi32>
      %select_n3A_975 = arith.select %eq3A_969, %broadcast_in_dim3A_973, %broadcast_in_dim3A_974 : vector<16xi1>, vector<16xi32>
      %select_n3A_976 = arith.select %le3A_965, %gather3A_960, %select_n3A_975 : vector<16xi1>, vector<16xi32>
      %jit3A_977 = arith.constant 2 : i32
      %broadcast_in_dim3A_978 = vector.broadcast %jit3A_977 : i32 to vector<16xi32>
      %select_n3A_979 = arith.select %eq3A_963, %broadcast_in_dim3A_978, %select_n3A_976 : vector<16xi1>, vector<16xi32>
      %swap3A = arith.index_cast %scan3A_939 : i32 to index
      %swap3A_980 = arith.constant 0 : index
      %swap3A_981 = tpu.vector_load %arg8[%swap3A, %swap3A_980] {strides = array<i32>} : memref<16x64xi32, #tpu.memory_space<vmem>>, vector<16xi32>,
      tpu.vector_store %arg8[%swap3A, %swap3A_980], %select_n3A_979 {strides = array<i32>} : memref<16x64xi32, #tpu.memory_space<vmem>>, vector<16xi32>,
      %mul3A_982 = arith.constant 64 : i32
      %mul3A_983 = arith.muli %scan3A_939, %mul3A_982 : i32
      %add3A_984 = arith.addi %mul3A_32, %mul3A_983 : i32
      %add3A_985 = arith.constant 16 : i32
      %add3A_986 = arith.addi %add3A_984, %add3A_985 : i32
      %add3A_987 = vector.broadcast %add3A_986 : i32 to vector<16xi32>
      %add3A_988 = arith.addi %add3A_987, %iota3A : vector<16xi32>
      %add3A_989 = vector.broadcast %squeeze3A : i32 to vector<16xi32>
      %add3A_990 = arith.addi %add3A_989, %add3A_988 : vector<16xi32>
      %sub3A_991 = arith.constant 1 : i32
      %sub3A_992 = vector.broadcast %sub3A_991 : i32 to vector<16xi32>
      %sub3A_993 = arith.subi %add3A_990, %sub3A_992 : vector<16xi32>
      %jit3A_994 = arith.constant 0 : i32
      %jit3A_995 = arith.constant 16383 : i32
      %max3A_996 = vector.broadcast %jit3A_994 : i32 to vector<16xi32>
      %max3A_997 = arith.maxsi %max3A_996, %sub3A_993 : vector<16xi32>
      %min3A_998 = vector.broadcast %jit3A_995 : i32 to vector<16xi32>
      %min3A_999 = arith.minsi %min3A_998, %max3A_997 : vector<16xi32>
      %sub3A_1000 = vector.broadcast %multiple_of3A : i32 to vector<16xi32>
      %sub3A_1001 = arith.subi %min3A_999, %sub3A_1000 : vector<16xi32>
      %gather3A_1002 = tpu.vector_load_idx %arg7[%sub3A_1001] : memref<1032xi32, #tpu.memory_space<vmem>>[vector<16xi32>], vector<16xi32>,
      %eq3A_1003 = arith.constant 0 : i32
      %eq3A_1004 = vector.broadcast %eq3A_1003 : i32 to vector<16xi32>
      %eq3A_1005 = arith.cmpi eq, %add3A_988, %eq3A_1004 : vector<16xi32>
      %le3A_1006 = vector.broadcast %sub3A_54 : i32 to vector<16xi32>
      %le3A_1007 = arith.cmpi sle, %add3A_988, %le3A_1006 : vector<16xi32>
      %add3A_1008 = arith.constant 1 : i32
      %add3A_1009 = arith.addi %sub3A_54, %add3A_1008 : i32
      %eq3A_1010 = vector.broadcast %add3A_1009 : i32 to vector<16xi32>
      %eq3A_1011 = arith.cmpi eq, %add3A_988, %eq3A_1010 : vector<16xi32>
      %add3A_1012 = arith.constant 8192 : i32
      %add3A_1013 = arith.addi %add3A_1012, %arg1 : i32
      %jit3A_1014 = arith.constant 3 : i32
      %broadcast_in_dim3A_1015 = vector.broadcast %jit3A_1014 : i32 to vector<16xi32>
      %broadcast_in_dim3A_1016 = vector.broadcast %add3A_1013 : i32 to vector<16xi32>
      %select_n3A_1017 = arith.select %eq3A_1011, %broadcast_in_dim3A_1015, %broadcast_in_dim3A_1016 : vector<16xi1>, vector<16xi32>
      %select_n3A_1018 = arith.select %le3A_1007, %gather3A_1002, %select_n3A_1017 : vector<16xi1>, vector<16xi32>
      %jit3A_1019 = arith.constant 2 : i32
      %broadcast_in_dim3A_1020 = vector.broadcast %jit3A_1019 : i32 to vector<16xi32>
      %select_n3A_1021 = arith.select %eq3A_1005, %broadcast_in_dim3A_1020, %select_n3A_1018 : vector<16xi1>, vector<16xi32>
      %swap3A_1022 = arith.index_cast %scan3A_939 : i32 to index
      %swap3A_1023 = arith.constant 16 : index
      %swap3A_1024 = tpu.vector_load %arg8[%swap3A_1022, %swap3A_1023] {strides = array<i32>} : memref<16x64xi32, #tpu.memory_space<vmem>>, vector<16xi32>,
      tpu.vector_store %arg8[%swap3A_1022, %swap3A_1023], %select_n3A_1021 {strides = array<i32>} : memref<16x64xi32, #tpu.memory_space<vmem>>, vector<16xi32>,
      %mul3A_1025 = arith.constant 64 : i32
      %mul3A_1026 = arith.muli %scan3A_939, %mul3A_1025 : i32
      %add3A_1027 = arith.addi %mul3A_32, %mul3A_1026 : i32
      %add3A_1028 = arith.constant 32 : i32
      %add3A_1029 = arith.addi %add3A_1027, %add3A_1028 : i32
      %add3A_1030 = vector.broadcast %add3A_1029 : i32 to vector<16xi32>
      %add3A_1031 = arith.addi %add3A_1030, %iota3A : vector<16xi32>
      %add3A_1032 = vector.broadcast %squeeze3A : i32 to vector<16xi32>
      %add3A_1033 = arith.addi %add3A_1032, %add3A_1031 : vector<16xi32>
      %sub3A_1034 = arith.constant 1 : i32
      %sub3A_1035 = vector.broadcast %sub3A_1034 : i32 to vector<16xi32>
      %sub3A_1036 = arith.subi %add3A_1033, %sub3A_1035 : vector<16xi32>
      %jit3A_1037 = arith.constant 0 : i32
      %jit3A_1038 = arith.constant 16383 : i32
      %max3A_1039 = vector.broadcast %jit3A_1037 : i32 to vector<16xi32>
      %max3A_1040 = arith.maxsi %max3A_1039, %sub3A_1036 : vector<16xi32>
      %min3A_1041 = vector.broadcast %jit3A_1038 : i32 to vector<16xi32>
      %min3A_1042 = arith.minsi %min3A_1041, %max3A_1040 : vector<16xi32>
      %sub3A_1043 = vector.broadcast %multiple_of3A : i32 to vector<16xi32>
      %sub3A_1044 = arith.subi %min3A_1042, %sub3A_1043 : vector<16xi32>
      %gather3A_1045 = tpu.vector_load_idx %arg7[%sub3A_1044] : memref<1032xi32, #tpu.memory_space<vmem>>[vector<16xi32>], vector<16xi32>,
      %eq3A_1046 = arith.constant 0 : i32
      %eq3A_1047 = vector.broadcast %eq3A_1046 : i32 to vector<16xi32>
      %eq3A_1048 = arith.cmpi eq, %add3A_1031, %eq3A_1047 : vector<16xi32>
      %le3A_1049 = vector.broadcast %sub3A_54 : i32 to vector<16xi32>
      %le3A_1050 = arith.cmpi sle, %add3A_1031, %le3A_1049 : vector<16xi32>
      %add3A_1051 = arith.constant 1 : i32
      %add3A_1052 = arith.addi %sub3A_54, %add3A_1051 : i32
      %eq3A_1053 = vector.broadcast %add3A_1052 : i32 to vector<16xi32>
      %eq3A_1054 = arith.cmpi eq, %add3A_1031, %eq3A_1053 : vector<16xi32>
      %add3A_1055 = arith.constant 8192 : i32
      %add3A_1056 = arith.addi %add3A_1055, %arg1 : i32
      %jit3A_1057 = arith.constant 3 : i32
      %broadcast_in_dim3A_1058 = vector.broadcast %jit3A_1057 : i32 to vector<16xi32>
      %broadcast_in_dim3A_1059 = vector.broadcast %add3A_1056 : i32 to vector<16xi32>
      %select_n3A_1060 = arith.select %eq3A_1054, %broadcast_in_dim3A_1058, %broadcast_in_dim3A_1059 : vector<16xi1>, vector<16xi32>
      %select_n3A_1061 = arith.select %le3A_1050, %gather3A_1045, %select_n3A_1060 : vector<16xi1>, vector<16xi32>
      %jit3A_1062 = arith.constant 2 : i32
      %broadcast_in_dim3A_1063 = vector.broadcast %jit3A_1062 : i32 to vector<16xi32>
      %select_n3A_1064 = arith.select %eq3A_1048, %broadcast_in_dim3A_1063, %select_n3A_1061 : vector<16xi1>, vector<16xi32>
      %swap3A_1065 = arith.index_cast %scan3A_939 : i32 to index
      %swap3A_1066 = arith.constant 32 : index
      %swap3A_1067 = tpu.vector_load %arg8[%swap3A_1065, %swap3A_1066] {strides = array<i32>} : memref<16x64xi32, #tpu.memory_space<vmem>>, vector<16xi32>,
      tpu.vector_store %arg8[%swap3A_1065, %swap3A_1066], %select_n3A_1064 {strides = array<i32>} : memref<16x64xi32, #tpu.memory_space<vmem>>, vector<16xi32>,
      %mul3A_1068 = arith.constant 64 : i32
      %mul3A_1069 = arith.muli %scan3A_939, %mul3A_1068 : i32
      %add3A_1070 = arith.addi %mul3A_32, %mul3A_1069 : i32
      %add3A_1071 = arith.constant 48 : i32
      %add3A_1072 = arith.addi %add3A_1070, %add3A_1071 : i32
      %add3A_1073 = vector.broadcast %add3A_1072 : i32 to vector<16xi32>
      %add3A_1074 = arith.addi %add3A_1073, %iota3A : vector<16xi32>
      %add3A_1075 = vector.broadcast %squeeze3A : i32 to vector<16xi32>
      %add3A_1076 = arith.addi %add3A_1075, %add3A_1074 : vector<16xi32>
      %sub3A_1077 = arith.constant 1 : i32
      %sub3A_1078 = vector.broadcast %sub3A_1077 : i32 to vector<16xi32>
      %sub3A_1079 = arith.subi %add3A_1076, %sub3A_1078 : vector<16xi32>
      %jit3A_1080 = arith.constant 0 : i32
      %jit3A_1081 = arith.constant 16383 : i32
      %max3A_1082 = vector.broadcast %jit3A_1080 : i32 to vector<16xi32>
      %max3A_1083 = arith.maxsi %max3A_1082, %sub3A_1079 : vector<16xi32>
      %min3A_1084 = vector.broadcast %jit3A_1081 : i32 to vector<16xi32>
      %min3A_1085 = arith.minsi %min3A_1084, %max3A_1083 : vector<16xi32>
      %sub3A_1086 = vector.broadcast %multiple_of3A : i32 to vector<16xi32>
      %sub3A_1087 = arith.subi %min3A_1085, %sub3A_1086 : vector<16xi32>
      %gather3A_1088 = tpu.vector_load_idx %arg7[%sub3A_1087] : memref<1032xi32, #tpu.memory_space<vmem>>[vector<16xi32>], vector<16xi32>,
      %eq3A_1089 = arith.constant 0 : i32
      %eq3A_1090 = vector.broadcast %eq3A_1089 : i32 to vector<16xi32>
      %eq3A_1091 = arith.cmpi eq, %add3A_1074, %eq3A_1090 : vector<16xi32>
      %le3A_1092 = vector.broadcast %sub3A_54 : i32 to vector<16xi32>
      %le3A_1093 = arith.cmpi sle, %add3A_1074, %le3A_1092 : vector<16xi32>
      %add3A_1094 = arith.constant 1 : i32
      %add3A_1095 = arith.addi %sub3A_54, %add3A_1094 : i32
      %eq3A_1096 = vector.broadcast %add3A_1095 : i32 to vector<16xi32>
      %eq3A_1097 = arith.cmpi eq, %add3A_1074, %eq3A_1096 : vector<16xi32>
      %add3A_1098 = arith.constant 8192 : i32
      %add3A_1099 = arith.addi %add3A_1098, %arg1 : i32
      %jit3A_1100 = arith.constant 3 : i32
      %broadcast_in_dim3A_1101 = vector.broadcast %jit3A_1100 : i32 to vector<16xi32>
      %broadcast_in_dim3A_1102 = vector.broadcast %add3A_1099 : i32 to vector<16xi32>
      %select_n3A_1103 = arith.select %eq3A_1097, %broadcast_in_dim3A_1101, %broadcast_in_dim3A_1102 : vector<16xi1>, vector<16xi32>
      %select_n3A_1104 = arith.select %le3A_1093, %gather3A_1088, %select_n3A_1103 : vector<16xi1>, vector<16xi32>
      %jit3A_1105 = arith.constant 2 : i32
      %broadcast_in_dim3A_1106 = vector.broadcast %jit3A_1105 : i32 to vector<16xi32>
      %select_n3A_1107 = arith.select %eq3A_1091, %broadcast_in_dim3A_1106, %select_n3A_1104 : vector<16xi1>, vector<16xi32>
      %swap3A_1108 = arith.index_cast %scan3A_939 : i32 to index
      %swap3A_1109 = arith.constant 48 : index
      %swap3A_1110 = tpu.vector_load %arg8[%swap3A_1108, %swap3A_1109] {strides = array<i32>} : memref<16x64xi32, #tpu.memory_space<vmem>>, vector<16xi32>,
      tpu.vector_store %arg8[%swap3A_1108, %swap3A_1109], %select_n3A_1107 {strides = array<i32>} : memref<16x64xi32, #tpu.memory_space<vmem>>, vector<16xi32>,
    }
    %scan3A_73 = arith.constant 16 : i32
    %dma_wait3A = arith.constant 0 : i32
    %dma_wait3A_74 = tpu.memref_slice %arg12[%mul3A_36, %dma_wait3A] : memref<8208x128xf32, #tpu.memory_space<vmem_shared>> -> memref<512x128xf32, #tpu.memory_space<vmem_shared>>
    %dma_wait3A_75 = arith.constant 0 : i32
    %dma_wait3A_76 = tpu.memref_slice %arg4[%mul3A_34, %dma_wait3A_75] : memref<8192x128xf32, #tpu.memory_space<hbm>> -> memref<512x128xf32, #tpu.memory_space<hbm>>
    tpu.wait_dma2 semaphore(%arg15 : memref<!tpu.dma_semaphore, #tpu.memory_space<semaphore_mem>>) src(%dma_wait3A_76 : memref<512x128xf32, #tpu.memory_space<hbm>>) dst(%dma_wait3A_74 : memref<512x128xf32, #tpu.memory_space<vmem_shared>>)
    %barrier3A = arith.constant 0 : index
    tpu.barrier barrier_id(%barrier3A)
    %mul3A_77 = arith.constant 1024 : i32
    %mul3A_78 = arith.muli %add3A, %mul3A_77 : i32
    %add3A_79 = arith.constant 0 : i32
    %add3A_80 = arith.addi %mul3A_32, %add3A_79 : i32
    %add3A_81 = arith.constant 1 : i32
    %add3A_82 = arith.addi %sub3A_54, %add3A_81 : i32
    %le3A = arith.cmpi sle, %add3A_80, %add3A_82 : i32
    %convert_element_type3A = arith.extui %le3A : i1 to i32
    %cond3A = arith.constant 0 : i32
    %cond3A_83 = arith.constant 0 : i32
    %cond3A_84 = arith.constant 0 : i32
    %cond3A_85 = arith.cmpi ne, %convert_element_type3A, %cond3A_84 : i32
    scf.if %cond3A_85 {
      %dma_start3A_939 = arith.constant 0 : i32
      %dma_start3A_940 = arith.constant 0 : i32
      %dma_start3A_941 = tpu.memref_slice %arg9[%cond3A_83, %dma_start3A_939, %dma_start3A_940] : memref<4x64x128xf32, #tpu.memory_space<vmem>> -> memref<1x64x128xf32, #tpu.memory_space<vmem>>
      %dma_start3A_942 = tpu.memref_squeeze %dma_start3A_941 : memref<1x64x128xf32, #tpu.memory_space<vmem>> -> memref<64x128xf32, #tpu.memory_space<vmem>>
      %dma_start3A_943 = arith.constant 0 : i32
      %dma_start3A_944 = tpu.memref_slice %arg8[%cond3A, %dma_start3A_943] : memref<16x64xi32, #tpu.memory_space<vmem>> -> memref<1x64xi32, #tpu.memory_space<vmem>>
      %dma_start3A_945 = tpu.memref_squeeze %dma_start3A_944 : memref<1x64xi32, #tpu.memory_space<vmem>> -> memref<64xi32, #tpu.memory_space<vmem>>
      %dma_start3A_946 = arith.constant 0 : i32
      %dma_start3A_947 = arith.constant 0 : i32
      %dma_start3A_948 = tpu.memref_slice %arg12[%dma_start3A_946, %dma_start3A_947] : memref<8208x128xf32, #tpu.memory_space<vmem_shared>> -> memref<8208x128xf32, #tpu.memory_space<vmem_shared>>
      tpu.enqueue_indirect_dma source(%dma_start3A_948 : memref<8208x128xf32, #tpu.memory_space<vmem_shared>>) target(%dma_start3A_942 : memref<64x128xf32, #tpu.memory_space<vmem>>) offsets(%dma_start3A_945 : memref<64xi32, #tpu.memory_space<vmem>>) semaphore(%arg13 : memref<!tpu.dma_semaphore, #tpu.memory_space<semaphore_mem>>)
    } else {
    }
    %add3A_86 = arith.constant 64 : i32
    %add3A_87 = arith.addi %mul3A_32, %add3A_86 : i32
    %add3A_88 = arith.constant 1 : i32
    %add3A_89 = arith.addi %sub3A_54, %add3A_88 : i32
    %le3A_90 = arith.cmpi sle, %add3A_87, %add3A_89 : i32
    %convert_element_type3A_91 = arith.extui %le3A_90 : i1 to i32
    %cond3A_92 = arith.constant 1 : i32
    %cond3A_93 = arith.constant 1 : i32
    %cond3A_94 = arith.constant 0 : i32
    %cond3A_95 = arith.cmpi ne, %convert_element_type3A_91, %cond3A_94 : i32
    scf.if %cond3A_95 {
      %dma_start3A_939 = arith.constant 0 : i32
      %dma_start3A_940 = arith.constant 0 : i32
      %dma_start3A_941 = tpu.memref_slice %arg9[%cond3A_93, %dma_start3A_939, %dma_start3A_940] : memref<4x64x128xf32, #tpu.memory_space<vmem>> -> memref<1x64x128xf32, #tpu.memory_space<vmem>>
      %dma_start3A_942 = tpu.memref_squeeze %dma_start3A_941 : memref<1x64x128xf32, #tpu.memory_space<vmem>> -> memref<64x128xf32, #tpu.memory_space<vmem>>
      %dma_start3A_943 = arith.constant 0 : i32
      %dma_start3A_944 = tpu.memref_slice %arg8[%cond3A_92, %dma_start3A_943] : memref<16x64xi32, #tpu.memory_space<vmem>> -> memref<1x64xi32, #tpu.memory_space<vmem>>
      %dma_start3A_945 = tpu.memref_squeeze %dma_start3A_944 : memref<1x64xi32, #tpu.memory_space<vmem>> -> memref<64xi32, #tpu.memory_space<vmem>>
      %dma_start3A_946 = arith.constant 0 : i32
      %dma_start3A_947 = arith.constant 0 : i32
      %dma_start3A_948 = tpu.memref_slice %arg12[%dma_start3A_946, %dma_start3A_947] : memref<8208x128xf32, #tpu.memory_space<vmem_shared>> -> memref<8208x128xf32, #tpu.memory_space<vmem_shared>>
      tpu.enqueue_indirect_dma source(%dma_start3A_948 : memref<8208x128xf32, #tpu.memory_space<vmem_shared>>) target(%dma_start3A_942 : memref<64x128xf32, #tpu.memory_space<vmem>>) offsets(%dma_start3A_945 : memref<64xi32, #tpu.memory_space<vmem>>) semaphore(%arg13 : memref<!tpu.dma_semaphore, #tpu.memory_space<semaphore_mem>>)
    } else {
    }
    %add3A_96 = arith.constant 128 : i32
    %add3A_97 = arith.addi %mul3A_32, %add3A_96 : i32
    %add3A_98 = arith.constant 1 : i32
    %add3A_99 = arith.addi %sub3A_54, %add3A_98 : i32
    %le3A_100 = arith.cmpi sle, %add3A_97, %add3A_99 : i32
    %convert_element_type3A_101 = arith.extui %le3A_100 : i1 to i32
    %cond3A_102 = arith.constant 2 : i32
    %cond3A_103 = arith.constant 2 : i32
    %cond3A_104 = arith.constant 0 : i32
    %cond3A_105 = arith.cmpi ne, %convert_element_type3A_101, %cond3A_104 : i32
    scf.if %cond3A_105 {
      %dma_start3A_939 = arith.constant 0 : i32
      %dma_start3A_940 = arith.constant 0 : i32
      %dma_start3A_941 = tpu.memref_slice %arg9[%cond3A_103, %dma_start3A_939, %dma_start3A_940] : memref<4x64x128xf32, #tpu.memory_space<vmem>> -> memref<1x64x128xf32, #tpu.memory_space<vmem>>
      %dma_start3A_942 = tpu.memref_squeeze %dma_start3A_941 : memref<1x64x128xf32, #tpu.memory_space<vmem>> -> memref<64x128xf32, #tpu.memory_space<vmem>>
      %dma_start3A_943 = arith.constant 0 : i32
      %dma_start3A_944 = tpu.memref_slice %arg8[%cond3A_102, %dma_start3A_943] : memref<16x64xi32, #tpu.memory_space<vmem>> -> memref<1x64xi32, #tpu.memory_space<vmem>>
      %dma_start3A_945 = tpu.memref_squeeze %dma_start3A_944 : memref<1x64xi32, #tpu.memory_space<vmem>> -> memref<64xi32, #tpu.memory_space<vmem>>
      %dma_start3A_946 = arith.constant 0 : i32
      %dma_start3A_947 = arith.constant 0 : i32
      %dma_start3A_948 = tpu.memref_slice %arg12[%dma_start3A_946, %dma_start3A_947] : memref<8208x128xf32, #tpu.memory_space<vmem_shared>> -> memref<8208x128xf32, #tpu.memory_space<vmem_shared>>
      tpu.enqueue_indirect_dma source(%dma_start3A_948 : memref<8208x128xf32, #tpu.memory_space<vmem_shared>>) target(%dma_start3A_942 : memref<64x128xf32, #tpu.memory_space<vmem>>) offsets(%dma_start3A_945 : memref<64xi32, #tpu.memory_space<vmem>>) semaphore(%arg13 : memref<!tpu.dma_semaphore, #tpu.memory_space<semaphore_mem>>)
    } else {
    }
    %add3A_106 = arith.constant 192 : i32
    %add3A_107 = arith.addi %mul3A_32, %add3A_106 : i32
    %add3A_108 = arith.constant 1 : i32
    %add3A_109 = arith.addi %sub3A_54, %add3A_108 : i32
    %le3A_110 = arith.cmpi sle, %add3A_107, %add3A_109 : i32
    %convert_element_type3A_111 = arith.extui %le3A_110 : i1 to i32
    %cond3A_112 = arith.constant 3 : i32
    %cond3A_113 = arith.constant 3 : i32
    %cond3A_114 = arith.constant 0 : i32
    %cond3A_115 = arith.cmpi ne, %convert_element_type3A_111, %cond3A_114 : i32
    scf.if %cond3A_115 {
      %dma_start3A_939 = arith.constant 0 : i32
      %dma_start3A_940 = arith.constant 0 : i32
      %dma_start3A_941 = tpu.memref_slice %arg9[%cond3A_113, %dma_start3A_939, %dma_start3A_940] : memref<4x64x128xf32, #tpu.memory_space<vmem>> -> memref<1x64x128xf32, #tpu.memory_space<vmem>>
      %dma_start3A_942 = tpu.memref_squeeze %dma_start3A_941 : memref<1x64x128xf32, #tpu.memory_space<vmem>> -> memref<64x128xf32, #tpu.memory_space<vmem>>
      %dma_start3A_943 = arith.constant 0 : i32
      %dma_start3A_944 = tpu.memref_slice %arg8[%cond3A_112, %dma_start3A_943] : memref<16x64xi32, #tpu.memory_space<vmem>> -> memref<1x64xi32, #tpu.memory_space<vmem>>
      %dma_start3A_945 = tpu.memref_squeeze %dma_start3A_944 : memref<1x64xi32, #tpu.memory_space<vmem>> -> memref<64xi32, #tpu.memory_space<vmem>>
      %dma_start3A_946 = arith.constant 0 : i32
      %dma_start3A_947 = arith.constant 0 : i32
      %dma_start3A_948 = tpu.memref_slice %arg12[%dma_start3A_946, %dma_start3A_947] : memref<8208x128xf32, #tpu.memory_space<vmem_shared>> -> memref<8208x128xf32, #tpu.memory_space<vmem_shared>>
      tpu.enqueue_indirect_dma source(%dma_start3A_948 : memref<8208x128xf32, #tpu.memory_space<vmem_shared>>) target(%dma_start3A_942 : memref<64x128xf32, #tpu.memory_space<vmem>>) offsets(%dma_start3A_945 : memref<64xi32, #tpu.memory_space<vmem>>) semaphore(%arg13 : memref<!tpu.dma_semaphore, #tpu.memory_space<semaphore_mem>>)
    } else {
    }
    %add3A_116 = arith.constant 0 : i32
    %add3A_117 = arith.addi %mul3A_32, %add3A_116 : i32
    %add3A_118 = arith.constant 1 : i32
    %add3A_119 = arith.addi %sub3A_54, %add3A_118 : i32
    %le3A_120 = arith.cmpi sle, %add3A_117, %add3A_119 : i32
    %convert_element_type3A_121 = arith.extui %le3A_120 : i1 to i32
    %cond3A_122 = arith.constant 0 : i32
    %cond3A_123 = arith.constant 0 : i32
    %cond3A_124 = arith.constant 0 : i32
    %cond3A_125 = arith.cmpi ne, %convert_element_type3A_121, %cond3A_124 : i32
    scf.if %cond3A_125 {
      %dma_wait3A_939 = arith.constant 0 : i32
      %dma_wait3A_940 = arith.constant 0 : i32
      %dma_wait3A_941 = tpu.memref_slice %arg9[%cond3A_123, %dma_wait3A_939, %dma_wait3A_940] : memref<4x64x128xf32, #tpu.memory_space<vmem>> -> memref<1x64x128xf32, #tpu.memory_space<vmem>>
      %dma_wait3A_942 = tpu.memref_squeeze %dma_wait3A_941 : memref<1x64x128xf32, #tpu.memory_space<vmem>> -> memref<64x128xf32, #tpu.memory_space<vmem>>
      %dma_wait3A_943 = arith.constant 0 : i32
      %dma_wait3A_944 = tpu.memref_slice %arg8[%cond3A_122, %dma_wait3A_943] : memref<16x64xi32, #tpu.memory_space<vmem>> -> memref<1x64xi32, #tpu.memory_space<vmem>>
      %dma_wait3A_945 = tpu.memref_squeeze %dma_wait3A_944 : memref<1x64xi32, #tpu.memory_space<vmem>> -> memref<64xi32, #tpu.memory_space<vmem>>
      %dma_wait3A_946 = arith.constant 0 : i32
      %dma_wait3A_947 = arith.constant 0 : i32
      %dma_wait3A_948 = tpu.memref_slice %arg12[%dma_wait3A_946, %dma_wait3A_947] : memref<8208x128xf32, #tpu.memory_space<vmem_shared>> -> memref<8208x128xf32, #tpu.memory_space<vmem_shared>>
      tpu.wait_indirect_dma semaphore(%arg13 : memref<!tpu.dma_semaphore, #tpu.memory_space<semaphore_mem>>) src(%dma_wait3A_948 : memref<8208x128xf32, #tpu.memory_space<vmem_shared>>) dst(%dma_wait3A_942 : memref<64x128xf32, #tpu.memory_space<vmem>>)
    } else {
    }
    %add3A_126 = arith.constant 0 : i32
    %add3A_127 = arith.addi %mul3A_78, %add3A_126 : i32
    %add3A_128 = arith.constant 0 : i32
    %add3A_129 = arith.addi %mul3A_32, %add3A_128 : i32
    %add3A_130 = arith.constant 1 : i32
    %add3A_131 = arith.addi %sub3A_54, %add3A_130 : i32
    %le3A_132 = arith.cmpi sle, %add3A_129, %add3A_131 : i32
    %convert_element_type3A_133 = arith.extui %le3A_132 : i1 to i32
    %cond3A_134 = arith.constant 0 : i32
    %cond3A_135 = arith.constant 0 : i32
    %cond3A_136 = arith.cmpi ne, %convert_element_type3A_133, %cond3A_135 : i32
    scf.if %cond3A_136 {
      %dma_start3A_939 = arith.constant 0 : i32
      %dma_start3A_940 = arith.constant 0 : i32
      %dma_start3A_941 = tpu.memref_slice %arg9[%cond3A_134, %dma_start3A_939, %dma_start3A_940] : memref<4x64x128xf32, #tpu.memory_space<vmem>> -> memref<1x64x128xf32, #tpu.memory_space<vmem>>
      %dma_start3A_942 = tpu.memref_squeeze %dma_start3A_941 : memref<1x64x128xf32, #tpu.memory_space<vmem>> -> memref<64x128xf32, #tpu.memory_space<vmem>>
      %dma_start3A_943 = arith.constant 0 : i32
      %dma_start3A_944 = tpu.memref_slice %arg5[%add3A_127, %dma_start3A_943] : memref<32768x128xf32, #tpu.memory_space<hbm>> -> memref<64x128xf32, #tpu.memory_space<hbm>>
      %dma_start3A_945 = arith.constant 0 : i32
      %dma_start3A_946 = tpu.memref_slice %arg5[%add3A_127, %dma_start3A_945] : memref<32768x128xf32, #tpu.memory_space<hbm>> -> memref<64x128xf32, #tpu.memory_space<hbm>>
      %dma_start3A_947 = arith.constant 0 : i32
      %dma_start3A_948 = arith.constant 0 : i32
      %dma_start3A_949 = tpu.memref_slice %arg9[%cond3A_134, %dma_start3A_947, %dma_start3A_948] : memref<4x64x128xf32, #tpu.memory_space<vmem>> -> memref<1x64x128xf32, #tpu.memory_space<vmem>>
      %dma_start3A_950 = tpu.memref_squeeze %dma_start3A_949 : memref<1x64x128xf32, #tpu.memory_space<vmem>> -> memref<64x128xf32, #tpu.memory_space<vmem>>
      tpu.enqueue_dma source(%dma_start3A_950 : memref<64x128xf32, #tpu.memory_space<vmem>>) target(%dma_start3A_946 : memref<64x128xf32, #tpu.memory_space<hbm>>) target_semaphore(%arg14 : memref<!tpu.dma_semaphore, #tpu.memory_space<semaphore_mem>>)
    } else {
    }
    %add3A_137 = arith.constant 0 : i32
    %add3A_138 = arith.addi %mul3A_32, %add3A_137 : i32
    %add3A_139 = arith.constant 1 : i32
    %add3A_140 = arith.addi %sub3A_54, %add3A_139 : i32
    %le3A_141 = arith.cmpi sle, %add3A_138, %add3A_140 : i32
    %not3A = arith.constant true
    %not3A_142 = arith.xori %le3A_141, %not3A : i1
    %convert_element_type3A_143 = arith.extui %not3A_142 : i1 to i32
    %cond3A_144 = arith.constant 0 : i32
    %cond3A_145 = arith.cmpi ne, %convert_element_type3A_143, %cond3A_144 : i32
    scf.if %cond3A_145 {
      %dma_start3A_939 = arith.constant 0 : i32
      %dma_start3A_940 = tpu.memref_slice %arg5[%add3A_127, %dma_start3A_939] : memref<32768x128xf32, #tpu.memory_space<hbm>> -> memref<64x128xf32, #tpu.memory_space<hbm>>
      %dma_start3A_941 = arith.constant 0 : i32
      %dma_start3A_942 = tpu.memref_slice %arg5[%add3A_127, %dma_start3A_941] : memref<32768x128xf32, #tpu.memory_space<hbm>> -> memref<64x128xf32, #tpu.memory_space<hbm>>
      tpu.enqueue_dma source(%arg11 : memref<64x128xf32, #tpu.memory_space<vmem>>) target(%dma_start3A_942 : memref<64x128xf32, #tpu.memory_space<hbm>>) target_semaphore(%arg14 : memref<!tpu.dma_semaphore, #tpu.memory_space<semaphore_mem>>)
    } else {
    }
    %dma_wait3A_146 = arith.constant 0 : i32
    %dma_wait3A_147 = arith.constant 0 : i32
    %dma_wait3A_148 = arith.constant 0 : i32
    %dma_wait3A_149 = tpu.memref_slice %arg9[%dma_wait3A_146, %dma_wait3A_147, %dma_wait3A_148] : memref<4x64x128xf32, #tpu.memory_space<vmem>> -> memref<1x64x128xf32, #tpu.memory_space<vmem>>
    %dma_wait3A_150 = tpu.memref_squeeze %dma_wait3A_149 : memref<1x64x128xf32, #tpu.memory_space<vmem>> -> memref<64x128xf32, #tpu.memory_space<vmem>>
    %dma_wait3A_151 = arith.constant 0 : i32
    %dma_wait3A_152 = tpu.memref_slice %arg5[%add3A_127, %dma_wait3A_151] : memref<32768x128xf32, #tpu.memory_space<hbm>> -> memref<64x128xf32, #tpu.memory_space<hbm>>
    %dma_wait3A_153 = arith.constant 0 : i32
    %dma_wait3A_154 = tpu.memref_slice %arg5[%add3A_127, %dma_wait3A_153] : memref<32768x128xf32, #tpu.memory_space<hbm>> -> memref<64x128xf32, #tpu.memory_space<hbm>>
    %dma_wait3A_155 = arith.constant 0 : i32
    %dma_wait3A_156 = arith.constant 0 : i32
    %dma_wait3A_157 = tpu.memref_slice %arg9[%dma_wait3A_146, %dma_wait3A_155, %dma_wait3A_156] : memref<4x64x128xf32, #tpu.memory_space<vmem>> -> memref<1x64x128xf32, #tpu.memory_space<vmem>>
    %dma_wait3A_158 = tpu.memref_squeeze %dma_wait3A_157 : memref<1x64x128xf32, #tpu.memory_space<vmem>> -> memref<64x128xf32, #tpu.memory_space<vmem>>
    tpu.wait_dma2 semaphore(%arg14 : memref<!tpu.dma_semaphore, #tpu.memory_space<semaphore_mem>>) src(%dma_wait3A_158 : memref<64x128xf32, #tpu.memory_space<vmem>>) dst(%dma_wait3A_154 : memref<64x128xf32, #tpu.memory_space<hbm>>)
    %add3A_159 = arith.constant 256 : i32
    %add3A_160 = arith.addi %mul3A_32, %add3A_159 : i32
    %add3A_161 = arith.constant 1 : i32
    %add3A_162 = arith.addi %sub3A_54, %add3A_161 : i32
    %le3A_163 = arith.cmpi sle, %add3A_160, %add3A_162 : i32
    %convert_element_type3A_164 = arith.extui %le3A_163 : i1 to i32
    %cond3A_165 = arith.constant 4 : i32
    %cond3A_166 = arith.constant 0 : i32
    %cond3A_167 = arith.constant 0 : i32
    %cond3A_168 = arith.cmpi ne, %convert_element_type3A_164, %cond3A_167 : i32
    scf.if %cond3A_168 {
      %dma_start3A_939 = arith.constant 0 : i32
      %dma_start3A_940 = arith.constant 0 : i32
      %dma_start3A_941 = tpu.memref_slice %arg9[%cond3A_166, %dma_start3A_939, %dma_start3A_940] : memref<4x64x128xf32, #tpu.memory_space<vmem>> -> memref<1x64x128xf32, #tpu.memory_space<vmem>>
      %dma_start3A_942 = tpu.memref_squeeze %dma_start3A_941 : memref<1x64x128xf32, #tpu.memory_space<vmem>> -> memref<64x128xf32, #tpu.memory_space<vmem>>
      %dma_start3A_943 = arith.constant 0 : i32
      %dma_start3A_944 = tpu.memref_slice %arg8[%cond3A_165, %dma_start3A_943] : memref<16x64xi32, #tpu.memory_space<vmem>> -> memref<1x64xi32, #tpu.memory_space<vmem>>
      %dma_start3A_945 = tpu.memref_squeeze %dma_start3A_944 : memref<1x64xi32, #tpu.memory_space<vmem>> -> memref<64xi32, #tpu.memory_space<vmem>>
      %dma_start3A_946 = arith.constant 0 : i32
      %dma_start3A_947 = arith.constant 0 : i32
      %dma_start3A_948 = tpu.memref_slice %arg12[%dma_start3A_946, %dma_start3A_947] : memref<8208x128xf32, #tpu.memory_space<vmem_shared>> -> memref<8208x128xf32, #tpu.memory_space<vmem_shared>>
      tpu.enqueue_indirect_dma source(%dma_start3A_948 : memref<8208x128xf32, #tpu.memory_space<vmem_shared>>) target(%dma_start3A_942 : memref<64x128xf32, #tpu.memory_space<vmem>>) offsets(%dma_start3A_945 : memref<64xi32, #tpu.memory_space<vmem>>) semaphore(%arg13 : memref<!tpu.dma_semaphore, #tpu.memory_space<semaphore_mem>>)
    } else {
    }
    %add3A_169 = arith.constant 64 : i32
    %add3A_170 = arith.addi %mul3A_32, %add3A_169 : i32
    %add3A_171 = arith.constant 1 : i32
    %add3A_172 = arith.addi %sub3A_54, %add3A_171 : i32
    %le3A_173 = arith.cmpi sle, %add3A_170, %add3A_172 : i32
    %convert_element_type3A_174 = arith.extui %le3A_173 : i1 to i32
    %cond3A_175 = arith.constant 1 : i32
    %cond3A_176 = arith.constant 1 : i32
    %cond3A_177 = arith.constant 0 : i32
    %cond3A_178 = arith.cmpi ne, %convert_element_type3A_174, %cond3A_177 : i32
    scf.if %cond3A_178 {
      %dma_wait3A_939 = arith.constant 0 : i32
      %dma_wait3A_940 = arith.constant 0 : i32
      %dma_wait3A_941 = tpu.memref_slice %arg9[%cond3A_176, %dma_wait3A_939, %dma_wait3A_940] : memref<4x64x128xf32, #tpu.memory_space<vmem>> -> memref<1x64x128xf32, #tpu.memory_space<vmem>>
      %dma_wait3A_942 = tpu.memref_squeeze %dma_wait3A_941 : memref<1x64x128xf32, #tpu.memory_space<vmem>> -> memref<64x128xf32, #tpu.memory_space<vmem>>
      %dma_wait3A_943 = arith.constant 0 : i32
      %dma_wait3A_944 = tpu.memref_slice %arg8[%cond3A_175, %dma_wait3A_943] : memref<16x64xi32, #tpu.memory_space<vmem>> -> memref<1x64xi32, #tpu.memory_space<vmem>>
      %dma_wait3A_945 = tpu.memref_squeeze %dma_wait3A_944 : memref<1x64xi32, #tpu.memory_space<vmem>> -> memref<64xi32, #tpu.memory_space<vmem>>
      %dma_wait3A_946 = arith.constant 0 : i32
      %dma_wait3A_947 = arith.constant 0 : i32
      %dma_wait3A_948 = tpu.memref_slice %arg12[%dma_wait3A_946, %dma_wait3A_947] : memref<8208x128xf32, #tpu.memory_space<vmem_shared>> -> memref<8208x128xf32, #tpu.memory_space<vmem_shared>>
      tpu.wait_indirect_dma semaphore(%arg13 : memref<!tpu.dma_semaphore, #tpu.memory_space<semaphore_mem>>) src(%dma_wait3A_948 : memref<8208x128xf32, #tpu.memory_space<vmem_shared>>) dst(%dma_wait3A_942 : memref<64x128xf32, #tpu.memory_space<vmem>>)
    } else {
    }
    %add3A_179 = arith.constant 64 : i32
    %add3A_180 = arith.addi %mul3A_78, %add3A_179 : i32
    %add3A_181 = arith.constant 64 : i32
    %add3A_182 = arith.addi %mul3A_32, %add3A_181 : i32
    %add3A_183 = arith.constant 1 : i32
    %add3A_184 = arith.addi %sub3A_54, %add3A_183 : i32
    %le3A_185 = arith.cmpi sle, %add3A_182, %add3A_184 : i32
    %convert_element_type3A_186 = arith.extui %le3A_185 : i1 to i32
    %cond3A_187 = arith.constant 1 : i32
    %cond3A_188 = arith.constant 0 : i32
    %cond3A_189 = arith.cmpi ne, %convert_element_type3A_186, %cond3A_188 : i32
    scf.if %cond3A_189 {
      %dma_start3A_939 = arith.constant 0 : i32
      %dma_start3A_940 = arith.constant 0 : i32
      %dma_start3A_941 = tpu.memref_slice %arg9[%cond3A_187, %dma_start3A_939, %dma_start3A_940] : memref<4x64x128xf32, #tpu.memory_space<vmem>> -> memref<1x64x128xf32, #tpu.memory_space<vmem>>
      %dma_start3A_942 = tpu.memref_squeeze %dma_start3A_941 : memref<1x64x128xf32, #tpu.memory_space<vmem>> -> memref<64x128xf32, #tpu.memory_space<vmem>>
      %dma_start3A_943 = arith.constant 0 : i32
      %dma_start3A_944 = tpu.memref_slice %arg5[%add3A_180, %dma_start3A_943] : memref<32768x128xf32, #tpu.memory_space<hbm>> -> memref<64x128xf32, #tpu.memory_space<hbm>>
      %dma_start3A_945 = arith.constant 0 : i32
      %dma_start3A_946 = tpu.memref_slice %arg5[%add3A_180, %dma_start3A_945] : memref<32768x128xf32, #tpu.memory_space<hbm>> -> memref<64x128xf32, #tpu.memory_space<hbm>>
      %dma_start3A_947 = arith.constant 0 : i32
      %dma_start3A_948 = arith.constant 0 : i32
      %dma_start3A_949 = tpu.memref_slice %arg9[%cond3A_187, %dma_start3A_947, %dma_start3A_948] : memref<4x64x128xf32, #tpu.memory_space<vmem>> -> memref<1x64x128xf32, #tpu.memory_space<vmem>>
      %dma_start3A_950 = tpu.memref_squeeze %dma_start3A_949 : memref<1x64x128xf32, #tpu.memory_space<vmem>> -> memref<64x128xf32, #tpu.memory_space<vmem>>
      tpu.enqueue_dma source(%dma_start3A_950 : memref<64x128xf32, #tpu.memory_space<vmem>>) target(%dma_start3A_946 : memref<64x128xf32, #tpu.memory_space<hbm>>) target_semaphore(%arg14 : memref<!tpu.dma_semaphore, #tpu.memory_space<semaphore_mem>>)
    } else {
    }
    %add3A_190 = arith.constant 64 : i32
    %add3A_191 = arith.addi %mul3A_32, %add3A_190 : i32
    %add3A_192 = arith.constant 1 : i32
    %add3A_193 = arith.addi %sub3A_54, %add3A_192 : i32
    %le3A_194 = arith.cmpi sle, %add3A_191, %add3A_193 : i32
    %not3A_195 = arith.constant true
    %not3A_196 = arith.xori %le3A_194, %not3A_195 : i1
    %convert_element_type3A_197 = arith.extui %not3A_196 : i1 to i32
    %cond3A_198 = arith.constant 0 : i32
    %cond3A_199 = arith.cmpi ne, %convert_element_type3A_197, %cond3A_198 : i32
    scf.if %cond3A_199 {
      %dma_start3A_939 = arith.constant 0 : i32
      %dma_start3A_940 = tpu.memref_slice %arg5[%add3A_180, %dma_start3A_939] : memref<32768x128xf32, #tpu.memory_space<hbm>> -> memref<64x128xf32, #tpu.memory_space<hbm>>
      %dma_start3A_941 = arith.constant 0 : i32
      %dma_start3A_942 = tpu.memref_slice %arg5[%add3A_180, %dma_start3A_941] : memref<32768x128xf32, #tpu.memory_space<hbm>> -> memref<64x128xf32, #tpu.memory_space<hbm>>
      tpu.enqueue_dma source(%arg11 : memref<64x128xf32, #tpu.memory_space<vmem>>) target(%dma_start3A_942 : memref<64x128xf32, #tpu.memory_space<hbm>>) target_semaphore(%arg14 : memref<!tpu.dma_semaphore, #tpu.memory_space<semaphore_mem>>)
    } else {
    }
    %dma_wait3A_200 = arith.constant 1 : i32
    %dma_wait3A_201 = arith.constant 0 : i32
    %dma_wait3A_202 = arith.constant 0 : i32
    %dma_wait3A_203 = tpu.memref_slice %arg9[%dma_wait3A_200, %dma_wait3A_201, %dma_wait3A_202] : memref<4x64x128xf32, #tpu.memory_space<vmem>> -> memref<1x64x128xf32, #tpu.memory_space<vmem>>
    %dma_wait3A_204 = tpu.memref_squeeze %dma_wait3A_203 : memref<1x64x128xf32, #tpu.memory_space<vmem>> -> memref<64x128xf32, #tpu.memory_space<vmem>>
    %dma_wait3A_205 = arith.constant 0 : i32
    %dma_wait3A_206 = tpu.memref_slice %arg5[%add3A_180, %dma_wait3A_205] : memref<32768x128xf32, #tpu.memory_space<hbm>> -> memref<64x128xf32, #tpu.memory_space<hbm>>
    %dma_wait3A_207 = arith.constant 0 : i32
    %dma_wait3A_208 = tpu.memref_slice %arg5[%add3A_180, %dma_wait3A_207] : memref<32768x128xf32, #tpu.memory_space<hbm>> -> memref<64x128xf32, #tpu.memory_space<hbm>>
    %dma_wait3A_209 = arith.constant 0 : i32
    %dma_wait3A_210 = arith.constant 0 : i32
    %dma_wait3A_211 = tpu.memref_slice %arg9[%dma_wait3A_200, %dma_wait3A_209, %dma_wait3A_210] : memref<4x64x128xf32, #tpu.memory_space<vmem>> -> memref<1x64x128xf32, #tpu.memory_space<vmem>>
    %dma_wait3A_212 = tpu.memref_squeeze %dma_wait3A_211 : memref<1x64x128xf32, #tpu.memory_space<vmem>> -> memref<64x128xf32, #tpu.memory_space<vmem>>
    tpu.wait_dma2 semaphore(%arg14 : memref<!tpu.dma_semaphore, #tpu.memory_space<semaphore_mem>>) src(%dma_wait3A_212 : memref<64x128xf32, #tpu.memory_space<vmem>>) dst(%dma_wait3A_208 : memref<64x128xf32, #tpu.memory_space<hbm>>)
    %add3A_213 = arith.constant 320 : i32
    %add3A_214 = arith.addi %mul3A_32, %add3A_213 : i32
    %add3A_215 = arith.constant 1 : i32
    %add3A_216 = arith.addi %sub3A_54, %add3A_215 : i32
    %le3A_217 = arith.cmpi sle, %add3A_214, %add3A_216 : i32
    %convert_element_type3A_218 = arith.extui %le3A_217 : i1 to i32
    %cond3A_219 = arith.constant 5 : i32
    %cond3A_220 = arith.constant 1 : i32
    %cond3A_221 = arith.constant 0 : i32
    %cond3A_222 = arith.cmpi ne, %convert_element_type3A_218, %cond3A_221 : i32
    scf.if %cond3A_222 {
      %dma_start3A_939 = arith.constant 0 : i32
      %dma_start3A_940 = arith.constant 0 : i32
      %dma_start3A_941 = tpu.memref_slice %arg9[%cond3A_220, %dma_start3A_939, %dma_start3A_940] : memref<4x64x128xf32, #tpu.memory_space<vmem>> -> memref<1x64x128xf32, #tpu.memory_space<vmem>>
      %dma_start3A_942 = tpu.memref_squeeze %dma_start3A_941 : memref<1x64x128xf32, #tpu.memory_space<vmem>> -> memref<64x128xf32, #tpu.memory_space<vmem>>
      %dma_start3A_943 = arith.constant 0 : i32
      %dma_start3A_944 = tpu.memref_slice %arg8[%cond3A_219, %dma_start3A_943] : memref<16x64xi32, #tpu.memory_space<vmem>> -> memref<1x64xi32, #tpu.memory_space<vmem>>
      %dma_start3A_945 = tpu.memref_squeeze %dma_start3A_944 : memref<1x64xi32, #tpu.memory_space<vmem>> -> memref<64xi32, #tpu.memory_space<vmem>>
      %dma_start3A_946 = arith.constant 0 : i32
      %dma_start3A_947 = arith.constant 0 : i32
      %dma_start3A_948 = tpu.memref_slice %arg12[%dma_start3A_946, %dma_start3A_947] : memref<8208x128xf32, #tpu.memory_space<vmem_shared>> -> memref<8208x128xf32, #tpu.memory_space<vmem_shared>>
      tpu.enqueue_indirect_dma source(%dma_start3A_948 : memref<8208x128xf32, #tpu.memory_space<vmem_shared>>) target(%dma_start3A_942 : memref<64x128xf32, #tpu.memory_space<vmem>>) offsets(%dma_start3A_945 : memref<64xi32, #tpu.memory_space<vmem>>) semaphore(%arg13 : memref<!tpu.dma_semaphore, #tpu.memory_space<semaphore_mem>>)
    } else {
    }
    %add3A_223 = arith.constant 128 : i32
    %add3A_224 = arith.addi %mul3A_32, %add3A_223 : i32
    %add3A_225 = arith.constant 1 : i32
    %add3A_226 = arith.addi %sub3A_54, %add3A_225 : i32
    %le3A_227 = arith.cmpi sle, %add3A_224, %add3A_226 : i32
    %convert_element_type3A_228 = arith.extui %le3A_227 : i1 to i32
    %cond3A_229 = arith.constant 2 : i32
    %cond3A_230 = arith.constant 2 : i32
    %cond3A_231 = arith.constant 0 : i32
    %cond3A_232 = arith.cmpi ne, %convert_element_type3A_228, %cond3A_231 : i32
    scf.if %cond3A_232 {
      %dma_wait3A_939 = arith.constant 0 : i32
      %dma_wait3A_940 = arith.constant 0 : i32
      %dma_wait3A_941 = tpu.memref_slice %arg9[%cond3A_230, %dma_wait3A_939, %dma_wait3A_940] : memref<4x64x128xf32, #tpu.memory_space<vmem>> -> memref<1x64x128xf32, #tpu.memory_space<vmem>>
      %dma_wait3A_942 = tpu.memref_squeeze %dma_wait3A_941 : memref<1x64x128xf32, #tpu.memory_space<vmem>> -> memref<64x128xf32, #tpu.memory_space<vmem>>
      %dma_wait3A_943 = arith.constant 0 : i32
      %dma_wait3A_944 = tpu.memref_slice %arg8[%cond3A_229, %dma_wait3A_943] : memref<16x64xi32, #tpu.memory_space<vmem>> -> memref<1x64xi32, #tpu.memory_space<vmem>>
      %dma_wait3A_945 = tpu.memref_squeeze %dma_wait3A_944 : memref<1x64xi32, #tpu.memory_space<vmem>> -> memref<64xi32, #tpu.memory_space<vmem>>
      %dma_wait3A_946 = arith.constant 0 : i32
      %dma_wait3A_947 = arith.constant 0 : i32
      %dma_wait3A_948 = tpu.memref_slice %arg12[%dma_wait3A_946, %dma_wait3A_947] : memref<8208x128xf32, #tpu.memory_space<vmem_shared>> -> memref<8208x128xf32, #tpu.memory_space<vmem_shared>>
      tpu.wait_indirect_dma semaphore(%arg13 : memref<!tpu.dma_semaphore, #tpu.memory_space<semaphore_mem>>) src(%dma_wait3A_948 : memref<8208x128xf32, #tpu.memory_space<vmem_shared>>) dst(%dma_wait3A_942 : memref<64x128xf32, #tpu.memory_space<vmem>>)
    } else {
    }
    %add3A_233 = arith.constant 128 : i32
    %add3A_234 = arith.addi %mul3A_78, %add3A_233 : i32
    %add3A_235 = arith.constant 128 : i32
    %add3A_236 = arith.addi %mul3A_32, %add3A_235 : i32
    %add3A_237 = arith.constant 1 : i32
    %add3A_238 = arith.addi %sub3A_54, %add3A_237 : i32
    %le3A_239 = arith.cmpi sle, %add3A_236, %add3A_238 : i32
    %convert_element_type3A_240 = arith.extui %le3A_239 : i1 to i32
    %cond3A_241 = arith.constant 2 : i32
    %cond3A_242 = arith.constant 0 : i32
    %cond3A_243 = arith.cmpi ne, %convert_element_type3A_240, %cond3A_242 : i32
    scf.if %cond3A_243 {
      %dma_start3A_939 = arith.constant 0 : i32
      %dma_start3A_940 = arith.constant 0 : i32
      %dma_start3A_941 = tpu.memref_slice %arg9[%cond3A_241, %dma_start3A_939, %dma_start3A_940] : memref<4x64x128xf32, #tpu.memory_space<vmem>> -> memref<1x64x128xf32, #tpu.memory_space<vmem>>
      %dma_start3A_942 = tpu.memref_squeeze %dma_start3A_941 : memref<1x64x128xf32, #tpu.memory_space<vmem>> -> memref<64x128xf32, #tpu.memory_space<vmem>>
      %dma_start3A_943 = arith.constant 0 : i32
      %dma_start3A_944 = tpu.memref_slice %arg5[%add3A_234, %dma_start3A_943] : memref<32768x128xf32, #tpu.memory_space<hbm>> -> memref<64x128xf32, #tpu.memory_space<hbm>>
      %dma_start3A_945 = arith.constant 0 : i32
      %dma_start3A_946 = tpu.memref_slice %arg5[%add3A_234, %dma_start3A_945] : memref<32768x128xf32, #tpu.memory_space<hbm>> -> memref<64x128xf32, #tpu.memory_space<hbm>>
      %dma_start3A_947 = arith.constant 0 : i32
      %dma_start3A_948 = arith.constant 0 : i32
      %dma_start3A_949 = tpu.memref_slice %arg9[%cond3A_241, %dma_start3A_947, %dma_start3A_948] : memref<4x64x128xf32, #tpu.memory_space<vmem>> -> memref<1x64x128xf32, #tpu.memory_space<vmem>>
      %dma_start3A_950 = tpu.memref_squeeze %dma_start3A_949 : memref<1x64x128xf32, #tpu.memory_space<vmem>> -> memref<64x128xf32, #tpu.memory_space<vmem>>
      tpu.enqueue_dma source(%dma_start3A_950 : memref<64x128xf32, #tpu.memory_space<vmem>>) target(%dma_start3A_946 : memref<64x128xf32, #tpu.memory_space<hbm>>) target_semaphore(%arg14 : memref<!tpu.dma_semaphore, #tpu.memory_space<semaphore_mem>>)
    } else {
    }
    %add3A_244 = arith.constant 128 : i32
    %add3A_245 = arith.addi %mul3A_32, %add3A_244 : i32
    %add3A_246 = arith.constant 1 : i32
    %add3A_247 = arith.addi %sub3A_54, %add3A_246 : i32
    %le3A_248 = arith.cmpi sle, %add3A_245, %add3A_247 : i32
    %not3A_249 = arith.constant true
    %not3A_250 = arith.xori %le3A_248, %not3A_249 : i1
    %convert_element_type3A_251 = arith.extui %not3A_250 : i1 to i32
    %cond3A_252 = arith.constant 0 : i32
    %cond3A_253 = arith.cmpi ne, %convert_element_type3A_251, %cond3A_252 : i32
    scf.if %cond3A_253 {
      %dma_start3A_939 = arith.constant 0 : i32
      %dma_start3A_940 = tpu.memref_slice %arg5[%add3A_234, %dma_start3A_939] : memref<32768x128xf32, #tpu.memory_space<hbm>> -> memref<64x128xf32, #tpu.memory_space<hbm>>
      %dma_start3A_941 = arith.constant 0 : i32
      %dma_start3A_942 = tpu.memref_slice %arg5[%add3A_234, %dma_start3A_941] : memref<32768x128xf32, #tpu.memory_space<hbm>> -> memref<64x128xf32, #tpu.memory_space<hbm>>
      tpu.enqueue_dma source(%arg11 : memref<64x128xf32, #tpu.memory_space<vmem>>) target(%dma_start3A_942 : memref<64x128xf32, #tpu.memory_space<hbm>>) target_semaphore(%arg14 : memref<!tpu.dma_semaphore, #tpu.memory_space<semaphore_mem>>)
    } else {
    }
    %dma_wait3A_254 = arith.constant 2 : i32
    %dma_wait3A_255 = arith.constant 0 : i32
    %dma_wait3A_256 = arith.constant 0 : i32
    %dma_wait3A_257 = tpu.memref_slice %arg9[%dma_wait3A_254, %dma_wait3A_255, %dma_wait3A_256] : memref<4x64x128xf32, #tpu.memory_space<vmem>> -> memref<1x64x128xf32, #tpu.memory_space<vmem>>
    %dma_wait3A_258 = tpu.memref_squeeze %dma_wait3A_257 : memref<1x64x128xf32, #tpu.memory_space<vmem>> -> memref<64x128xf32, #tpu.memory_space<vmem>>
    %dma_wait3A_259 = arith.constant 0 : i32
    %dma_wait3A_260 = tpu.memref_slice %arg5[%add3A_234, %dma_wait3A_259] : memref<32768x128xf32, #tpu.memory_space<hbm>> -> memref<64x128xf32, #tpu.memory_space<hbm>>
    %dma_wait3A_261 = arith.constant 0 : i32
    %dma_wait3A_262 = tpu.memref_slice %arg5[%add3A_234, %dma_wait3A_261] : memref<32768x128xf32, #tpu.memory_space<hbm>> -> memref<64x128xf32, #tpu.memory_space<hbm>>
    %dma_wait3A_263 = arith.constant 0 : i32
    %dma_wait3A_264 = arith.constant 0 : i32
    %dma_wait3A_265 = tpu.memref_slice %arg9[%dma_wait3A_254, %dma_wait3A_263, %dma_wait3A_264] : memref<4x64x128xf32, #tpu.memory_space<vmem>> -> memref<1x64x128xf32, #tpu.memory_space<vmem>>
    %dma_wait3A_266 = tpu.memref_squeeze %dma_wait3A_265 : memref<1x64x128xf32, #tpu.memory_space<vmem>> -> memref<64x128xf32, #tpu.memory_space<vmem>>
    tpu.wait_dma2 semaphore(%arg14 : memref<!tpu.dma_semaphore, #tpu.memory_space<semaphore_mem>>) src(%dma_wait3A_266 : memref<64x128xf32, #tpu.memory_space<vmem>>) dst(%dma_wait3A_262 : memref<64x128xf32, #tpu.memory_space<hbm>>)
    %add3A_267 = arith.constant 384 : i32
    %add3A_268 = arith.addi %mul3A_32, %add3A_267 : i32
    %add3A_269 = arith.constant 1 : i32
    %add3A_270 = arith.addi %sub3A_54, %add3A_269 : i32
    %le3A_271 = arith.cmpi sle, %add3A_268, %add3A_270 : i32
    %convert_element_type3A_272 = arith.extui %le3A_271 : i1 to i32
    %cond3A_273 = arith.constant 6 : i32
    %cond3A_274 = arith.constant 2 : i32
    %cond3A_275 = arith.constant 0 : i32
    %cond3A_276 = arith.cmpi ne, %convert_element_type3A_272, %cond3A_275 : i32
    scf.if %cond3A_276 {
      %dma_start3A_939 = arith.constant 0 : i32
      %dma_start3A_940 = arith.constant 0 : i32
      %dma_start3A_941 = tpu.memref_slice %arg9[%cond3A_274, %dma_start3A_939, %dma_start3A_940] : memref<4x64x128xf32, #tpu.memory_space<vmem>> -> memref<1x64x128xf32, #tpu.memory_space<vmem>>
      %dma_start3A_942 = tpu.memref_squeeze %dma_start3A_941 : memref<1x64x128xf32, #tpu.memory_space<vmem>> -> memref<64x128xf32, #tpu.memory_space<vmem>>
      %dma_start3A_943 = arith.constant 0 : i32
      %dma_start3A_944 = tpu.memref_slice %arg8[%cond3A_273, %dma_start3A_943] : memref<16x64xi32, #tpu.memory_space<vmem>> -> memref<1x64xi32, #tpu.memory_space<vmem>>
      %dma_start3A_945 = tpu.memref_squeeze %dma_start3A_944 : memref<1x64xi32, #tpu.memory_space<vmem>> -> memref<64xi32, #tpu.memory_space<vmem>>
      %dma_start3A_946 = arith.constant 0 : i32
      %dma_start3A_947 = arith.constant 0 : i32
      %dma_start3A_948 = tpu.memref_slice %arg12[%dma_start3A_946, %dma_start3A_947] : memref<8208x128xf32, #tpu.memory_space<vmem_shared>> -> memref<8208x128xf32, #tpu.memory_space<vmem_shared>>
      tpu.enqueue_indirect_dma source(%dma_start3A_948 : memref<8208x128xf32, #tpu.memory_space<vmem_shared>>) target(%dma_start3A_942 : memref<64x128xf32, #tpu.memory_space<vmem>>) offsets(%dma_start3A_945 : memref<64xi32, #tpu.memory_space<vmem>>) semaphore(%arg13 : memref<!tpu.dma_semaphore, #tpu.memory_space<semaphore_mem>>)
    } else {
    }
    %add3A_277 = arith.constant 192 : i32
    %add3A_278 = arith.addi %mul3A_32, %add3A_277 : i32
    %add3A_279 = arith.constant 1 : i32
    %add3A_280 = arith.addi %sub3A_54, %add3A_279 : i32
    %le3A_281 = arith.cmpi sle, %add3A_278, %add3A_280 : i32
    %convert_element_type3A_282 = arith.extui %le3A_281 : i1 to i32
    %cond3A_283 = arith.constant 3 : i32
    %cond3A_284 = arith.constant 3 : i32
    %cond3A_285 = arith.constant 0 : i32
    %cond3A_286 = arith.cmpi ne, %convert_element_type3A_282, %cond3A_285 : i32
    scf.if %cond3A_286 {
      %dma_wait3A_939 = arith.constant 0 : i32
      %dma_wait3A_940 = arith.constant 0 : i32
      %dma_wait3A_941 = tpu.memref_slice %arg9[%cond3A_284, %dma_wait3A_939, %dma_wait3A_940] : memref<4x64x128xf32, #tpu.memory_space<vmem>> -> memref<1x64x128xf32, #tpu.memory_space<vmem>>
      %dma_wait3A_942 = tpu.memref_squeeze %dma_wait3A_941 : memref<1x64x128xf32, #tpu.memory_space<vmem>> -> memref<64x128xf32, #tpu.memory_space<vmem>>
      %dma_wait3A_943 = arith.constant 0 : i32
      %dma_wait3A_944 = tpu.memref_slice %arg8[%cond3A_283, %dma_wait3A_943] : memref<16x64xi32, #tpu.memory_space<vmem>> -> memref<1x64xi32, #tpu.memory_space<vmem>>
      %dma_wait3A_945 = tpu.memref_squeeze %dma_wait3A_944 : memref<1x64xi32, #tpu.memory_space<vmem>> -> memref<64xi32, #tpu.memory_space<vmem>>
      %dma_wait3A_946 = arith.constant 0 : i32
      %dma_wait3A_947 = arith.constant 0 : i32
      %dma_wait3A_948 = tpu.memref_slice %arg12[%dma_wait3A_946, %dma_wait3A_947] : memref<8208x128xf32, #tpu.memory_space<vmem_shared>> -> memref<8208x128xf32, #tpu.memory_space<vmem_shared>>
      tpu.wait_indirect_dma semaphore(%arg13 : memref<!tpu.dma_semaphore, #tpu.memory_space<semaphore_mem>>) src(%dma_wait3A_948 : memref<8208x128xf32, #tpu.memory_space<vmem_shared>>) dst(%dma_wait3A_942 : memref<64x128xf32, #tpu.memory_space<vmem>>)
    } else {
    }
    %add3A_287 = arith.constant 192 : i32
    %add3A_288 = arith.addi %mul3A_78, %add3A_287 : i32
    %add3A_289 = arith.constant 192 : i32
    %add3A_290 = arith.addi %mul3A_32, %add3A_289 : i32
    %add3A_291 = arith.constant 1 : i32
    %add3A_292 = arith.addi %sub3A_54, %add3A_291 : i32
    %le3A_293 = arith.cmpi sle, %add3A_290, %add3A_292 : i32
    %convert_element_type3A_294 = arith.extui %le3A_293 : i1 to i32
    %cond3A_295 = arith.constant 3 : i32
    %cond3A_296 = arith.constant 0 : i32
    %cond3A_297 = arith.cmpi ne, %convert_element_type3A_294, %cond3A_296 : i32
    scf.if %cond3A_297 {
      %dma_start3A_939 = arith.constant 0 : i32
      %dma_start3A_940 = arith.constant 0 : i32
      %dma_start3A_941 = tpu.memref_slice %arg9[%cond3A_295, %dma_start3A_939, %dma_start3A_940] : memref<4x64x128xf32, #tpu.memory_space<vmem>> -> memref<1x64x128xf32, #tpu.memory_space<vmem>>
      %dma_start3A_942 = tpu.memref_squeeze %dma_start3A_941 : memref<1x64x128xf32, #tpu.memory_space<vmem>> -> memref<64x128xf32, #tpu.memory_space<vmem>>
      %dma_start3A_943 = arith.constant 0 : i32
      %dma_start3A_944 = tpu.memref_slice %arg5[%add3A_288, %dma_start3A_943] : memref<32768x128xf32, #tpu.memory_space<hbm>> -> memref<64x128xf32, #tpu.memory_space<hbm>>
      %dma_start3A_945 = arith.constant 0 : i32
      %dma_start3A_946 = tpu.memref_slice %arg5[%add3A_288, %dma_start3A_945] : memref<32768x128xf32, #tpu.memory_space<hbm>> -> memref<64x128xf32, #tpu.memory_space<hbm>>
      %dma_start3A_947 = arith.constant 0 : i32
      %dma_start3A_948 = arith.constant 0 : i32
      %dma_start3A_949 = tpu.memref_slice %arg9[%cond3A_295, %dma_start3A_947, %dma_start3A_948] : memref<4x64x128xf32, #tpu.memory_space<vmem>> -> memref<1x64x128xf32, #tpu.memory_space<vmem>>
      %dma_start3A_950 = tpu.memref_squeeze %dma_start3A_949 : memref<1x64x128xf32, #tpu.memory_space<vmem>> -> memref<64x128xf32, #tpu.memory_space<vmem>>
      tpu.enqueue_dma source(%dma_start3A_950 : memref<64x128xf32, #tpu.memory_space<vmem>>) target(%dma_start3A_946 : memref<64x128xf32, #tpu.memory_space<hbm>>) target_semaphore(%arg14 : memref<!tpu.dma_semaphore, #tpu.memory_space<semaphore_mem>>)
    } else {
    }
    %add3A_298 = arith.constant 192 : i32
    %add3A_299 = arith.addi %mul3A_32, %add3A_298 : i32
    %add3A_300 = arith.constant 1 : i32
    %add3A_301 = arith.addi %sub3A_54, %add3A_300 : i32
    %le3A_302 = arith.cmpi sle, %add3A_299, %add3A_301 : i32
    %not3A_303 = arith.constant true
    %not3A_304 = arith.xori %le3A_302, %not3A_303 : i1
    %convert_element_type3A_305 = arith.extui %not3A_304 : i1 to i32
    %cond3A_306 = arith.constant 0 : i32
    %cond3A_307 = arith.cmpi ne, %convert_element_type3A_305, %cond3A_306 : i32
    scf.if %cond3A_307 {
      %dma_start3A_939 = arith.constant 0 : i32
      %dma_start3A_940 = tpu.memref_slice %arg5[%add3A_288, %dma_start3A_939] : memref<32768x128xf32, #tpu.memory_space<hbm>> -> memref<64x128xf32, #tpu.memory_space<hbm>>
      %dma_start3A_941 = arith.constant 0 : i32
      %dma_start3A_942 = tpu.memref_slice %arg5[%add3A_288, %dma_start3A_941] : memref<32768x128xf32, #tpu.memory_space<hbm>> -> memref<64x128xf32, #tpu.memory_space<hbm>>
      tpu.enqueue_dma source(%arg11 : memref<64x128xf32, #tpu.memory_space<vmem>>) target(%dma_start3A_942 : memref<64x128xf32, #tpu.memory_space<hbm>>) target_semaphore(%arg14 : memref<!tpu.dma_semaphore, #tpu.memory_space<semaphore_mem>>)
    } else {
    }
    %dma_wait3A_308 = arith.constant 3 : i32
    %dma_wait3A_309 = arith.constant 0 : i32
    %dma_wait3A_310 = arith.constant 0 : i32
    %dma_wait3A_311 = tpu.memref_slice %arg9[%dma_wait3A_308, %dma_wait3A_309, %dma_wait3A_310] : memref<4x64x128xf32, #tpu.memory_space<vmem>> -> memref<1x64x128xf32, #tpu.memory_space<vmem>>
    %dma_wait3A_312 = tpu.memref_squeeze %dma_wait3A_311 : memref<1x64x128xf32, #tpu.memory_space<vmem>> -> memref<64x128xf32, #tpu.memory_space<vmem>>
    %dma_wait3A_313 = arith.constant 0 : i32
    %dma_wait3A_314 = tpu.memref_slice %arg5[%add3A_288, %dma_wait3A_313] : memref<32768x128xf32, #tpu.memory_space<hbm>> -> memref<64x128xf32, #tpu.memory_space<hbm>>
    %dma_wait3A_315 = arith.constant 0 : i32
    %dma_wait3A_316 = tpu.memref_slice %arg5[%add3A_288, %dma_wait3A_315] : memref<32768x128xf32, #tpu.memory_space<hbm>> -> memref<64x128xf32, #tpu.memory_space<hbm>>
    %dma_wait3A_317 = arith.constant 0 : i32
    %dma_wait3A_318 = arith.constant 0 : i32
    %dma_wait3A_319 = tpu.memref_slice %arg9[%dma_wait3A_308, %dma_wait3A_317, %dma_wait3A_318] : memref<4x64x128xf32, #tpu.memory_space<vmem>> -> memref<1x64x128xf32, #tpu.memory_space<vmem>>
    %dma_wait3A_320 = tpu.memref_squeeze %dma_wait3A_319 : memref<1x64x128xf32, #tpu.memory_space<vmem>> -> memref<64x128xf32, #tpu.memory_space<vmem>>
    tpu.wait_dma2 semaphore(%arg14 : memref<!tpu.dma_semaphore, #tpu.memory_space<semaphore_mem>>) src(%dma_wait3A_320 : memref<64x128xf32, #tpu.memory_space<vmem>>) dst(%dma_wait3A_316 : memref<64x128xf32, #tpu.memory_space<hbm>>)
    %add3A_321 = arith.constant 448 : i32
    %add3A_322 = arith.addi %mul3A_32, %add3A_321 : i32
    %add3A_323 = arith.constant 1 : i32
    %add3A_324 = arith.addi %sub3A_54, %add3A_323 : i32
    %le3A_325 = arith.cmpi sle, %add3A_322, %add3A_324 : i32
    %convert_element_type3A_326 = arith.extui %le3A_325 : i1 to i32
    %cond3A_327 = arith.constant 7 : i32
    %cond3A_328 = arith.constant 3 : i32
    %cond3A_329 = arith.constant 0 : i32
    %cond3A_330 = arith.cmpi ne, %convert_element_type3A_326, %cond3A_329 : i32
    scf.if %cond3A_330 {
      %dma_start3A_939 = arith.constant 0 : i32
      %dma_start3A_940 = arith.constant 0 : i32
      %dma_start3A_941 = tpu.memref_slice %arg9[%cond3A_328, %dma_start3A_939, %dma_start3A_940] : memref<4x64x128xf32, #tpu.memory_space<vmem>> -> memref<1x64x128xf32, #tpu.memory_space<vmem>>
      %dma_start3A_942 = tpu.memref_squeeze %dma_start3A_941 : memref<1x64x128xf32, #tpu.memory_space<vmem>> -> memref<64x128xf32, #tpu.memory_space<vmem>>
      %dma_start3A_943 = arith.constant 0 : i32
      %dma_start3A_944 = tpu.memref_slice %arg8[%cond3A_327, %dma_start3A_943] : memref<16x64xi32, #tpu.memory_space<vmem>> -> memref<1x64xi32, #tpu.memory_space<vmem>>
      %dma_start3A_945 = tpu.memref_squeeze %dma_start3A_944 : memref<1x64xi32, #tpu.memory_space<vmem>> -> memref<64xi32, #tpu.memory_space<vmem>>
      %dma_start3A_946 = arith.constant 0 : i32
      %dma_start3A_947 = arith.constant 0 : i32
      %dma_start3A_948 = tpu.memref_slice %arg12[%dma_start3A_946, %dma_start3A_947] : memref<8208x128xf32, #tpu.memory_space<vmem_shared>> -> memref<8208x128xf32, #tpu.memory_space<vmem_shared>>
      tpu.enqueue_indirect_dma source(%dma_start3A_948 : memref<8208x128xf32, #tpu.memory_space<vmem_shared>>) target(%dma_start3A_942 : memref<64x128xf32, #tpu.memory_space<vmem>>) offsets(%dma_start3A_945 : memref<64xi32, #tpu.memory_space<vmem>>) semaphore(%arg13 : memref<!tpu.dma_semaphore, #tpu.memory_space<semaphore_mem>>)
    } else {
    }
    %add3A_331 = arith.constant 256 : i32
    %add3A_332 = arith.addi %mul3A_32, %add3A_331 : i32
    %add3A_333 = arith.constant 1 : i32
    %add3A_334 = arith.addi %sub3A_54, %add3A_333 : i32
    %le3A_335 = arith.cmpi sle, %add3A_332, %add3A_334 : i32
    %convert_element_type3A_336 = arith.extui %le3A_335 : i1 to i32
    %cond3A_337 = arith.constant 4 : i32
    %cond3A_338 = arith.constant 0 : i32
    %cond3A_339 = arith.constant 0 : i32
    %cond3A_340 = arith.cmpi ne, %convert_element_type3A_336, %cond3A_339 : i32
    scf.if %cond3A_340 {
      %dma_wait3A_939 = arith.constant 0 : i32
      %dma_wait3A_940 = arith.constant 0 : i32
      %dma_wait3A_941 = tpu.memref_slice %arg9[%cond3A_338, %dma_wait3A_939, %dma_wait3A_940] : memref<4x64x128xf32, #tpu.memory_space<vmem>> -> memref<1x64x128xf32, #tpu.memory_space<vmem>>
      %dma_wait3A_942 = tpu.memref_squeeze %dma_wait3A_941 : memref<1x64x128xf32, #tpu.memory_space<vmem>> -> memref<64x128xf32, #tpu.memory_space<vmem>>
      %dma_wait3A_943 = arith.constant 0 : i32
      %dma_wait3A_944 = tpu.memref_slice %arg8[%cond3A_337, %dma_wait3A_943] : memref<16x64xi32, #tpu.memory_space<vmem>> -> memref<1x64xi32, #tpu.memory_space<vmem>>
      %dma_wait3A_945 = tpu.memref_squeeze %dma_wait3A_944 : memref<1x64xi32, #tpu.memory_space<vmem>> -> memref<64xi32, #tpu.memory_space<vmem>>
      %dma_wait3A_946 = arith.constant 0 : i32
      %dma_wait3A_947 = arith.constant 0 : i32
      %dma_wait3A_948 = tpu.memref_slice %arg12[%dma_wait3A_946, %dma_wait3A_947] : memref<8208x128xf32, #tpu.memory_space<vmem_shared>> -> memref<8208x128xf32, #tpu.memory_space<vmem_shared>>
      tpu.wait_indirect_dma semaphore(%arg13 : memref<!tpu.dma_semaphore, #tpu.memory_space<semaphore_mem>>) src(%dma_wait3A_948 : memref<8208x128xf32, #tpu.memory_space<vmem_shared>>) dst(%dma_wait3A_942 : memref<64x128xf32, #tpu.memory_space<vmem>>)
    } else {
    }
    %add3A_341 = arith.constant 256 : i32
    %add3A_342 = arith.addi %mul3A_78, %add3A_341 : i32
    %add3A_343 = arith.constant 256 : i32
    %add3A_344 = arith.addi %mul3A_32, %add3A_343 : i32
    %add3A_345 = arith.constant 1 : i32
    %add3A_346 = arith.addi %sub3A_54, %add3A_345 : i32
    %le3A_347 = arith.cmpi sle, %add3A_344, %add3A_346 : i32
    %convert_element_type3A_348 = arith.extui %le3A_347 : i1 to i32
    %cond3A_349 = arith.constant 0 : i32
    %cond3A_350 = arith.constant 0 : i32
    %cond3A_351 = arith.cmpi ne, %convert_element_type3A_348, %cond3A_350 : i32
    scf.if %cond3A_351 {
      %dma_start3A_939 = arith.constant 0 : i32
      %dma_start3A_940 = arith.constant 0 : i32
      %dma_start3A_941 = tpu.memref_slice %arg9[%cond3A_349, %dma_start3A_939, %dma_start3A_940] : memref<4x64x128xf32, #tpu.memory_space<vmem>> -> memref<1x64x128xf32, #tpu.memory_space<vmem>>
      %dma_start3A_942 = tpu.memref_squeeze %dma_start3A_941 : memref<1x64x128xf32, #tpu.memory_space<vmem>> -> memref<64x128xf32, #tpu.memory_space<vmem>>
      %dma_start3A_943 = arith.constant 0 : i32
      %dma_start3A_944 = tpu.memref_slice %arg5[%add3A_342, %dma_start3A_943] : memref<32768x128xf32, #tpu.memory_space<hbm>> -> memref<64x128xf32, #tpu.memory_space<hbm>>
      %dma_start3A_945 = arith.constant 0 : i32
      %dma_start3A_946 = tpu.memref_slice %arg5[%add3A_342, %dma_start3A_945] : memref<32768x128xf32, #tpu.memory_space<hbm>> -> memref<64x128xf32, #tpu.memory_space<hbm>>
      %dma_start3A_947 = arith.constant 0 : i32
      %dma_start3A_948 = arith.constant 0 : i32
      %dma_start3A_949 = tpu.memref_slice %arg9[%cond3A_349, %dma_start3A_947, %dma_start3A_948] : memref<4x64x128xf32, #tpu.memory_space<vmem>> -> memref<1x64x128xf32, #tpu.memory_space<vmem>>
      %dma_start3A_950 = tpu.memref_squeeze %dma_start3A_949 : memref<1x64x128xf32, #tpu.memory_space<vmem>> -> memref<64x128xf32, #tpu.memory_space<vmem>>
      tpu.enqueue_dma source(%dma_start3A_950 : memref<64x128xf32, #tpu.memory_space<vmem>>) target(%dma_start3A_946 : memref<64x128xf32, #tpu.memory_space<hbm>>) target_semaphore(%arg14 : memref<!tpu.dma_semaphore, #tpu.memory_space<semaphore_mem>>)
    } else {
    }
    %add3A_352 = arith.constant 256 : i32
    %add3A_353 = arith.addi %mul3A_32, %add3A_352 : i32
    %add3A_354 = arith.constant 1 : i32
    %add3A_355 = arith.addi %sub3A_54, %add3A_354 : i32
    %le3A_356 = arith.cmpi sle, %add3A_353, %add3A_355 : i32
    %not3A_357 = arith.constant true
    %not3A_358 = arith.xori %le3A_356, %not3A_357 : i1
    %convert_element_type3A_359 = arith.extui %not3A_358 : i1 to i32
    %cond3A_360 = arith.constant 0 : i32
    %cond3A_361 = arith.cmpi ne, %convert_element_type3A_359, %cond3A_360 : i32
    scf.if %cond3A_361 {
      %dma_start3A_939 = arith.constant 0 : i32
      %dma_start3A_940 = tpu.memref_slice %arg5[%add3A_342, %dma_start3A_939] : memref<32768x128xf32, #tpu.memory_space<hbm>> -> memref<64x128xf32, #tpu.memory_space<hbm>>
      %dma_start3A_941 = arith.constant 0 : i32
      %dma_start3A_942 = tpu.memref_slice %arg5[%add3A_342, %dma_start3A_941] : memref<32768x128xf32, #tpu.memory_space<hbm>> -> memref<64x128xf32, #tpu.memory_space<hbm>>
      tpu.enqueue_dma source(%arg11 : memref<64x128xf32, #tpu.memory_space<vmem>>) target(%dma_start3A_942 : memref<64x128xf32, #tpu.memory_space<hbm>>) target_semaphore(%arg14 : memref<!tpu.dma_semaphore, #tpu.memory_space<semaphore_mem>>)
    } else {
    }
    %dma_wait3A_362 = arith.constant 0 : i32
    %dma_wait3A_363 = arith.constant 0 : i32
    %dma_wait3A_364 = arith.constant 0 : i32
    %dma_wait3A_365 = tpu.memref_slice %arg9[%dma_wait3A_362, %dma_wait3A_363, %dma_wait3A_364] : memref<4x64x128xf32, #tpu.memory_space<vmem>> -> memref<1x64x128xf32, #tpu.memory_space<vmem>>
    %dma_wait3A_366 = tpu.memref_squeeze %dma_wait3A_365 : memref<1x64x128xf32, #tpu.memory_space<vmem>> -> memref<64x128xf32, #tpu.memory_space<vmem>>
    %dma_wait3A_367 = arith.constant 0 : i32
    %dma_wait3A_368 = tpu.memref_slice %arg5[%add3A_342, %dma_wait3A_367] : memref<32768x128xf32, #tpu.memory_space<hbm>> -> memref<64x128xf32, #tpu.memory_space<hbm>>
    %dma_wait3A_369 = arith.constant 0 : i32
    %dma_wait3A_370 = tpu.memref_slice %arg5[%add3A_342, %dma_wait3A_369] : memref<32768x128xf32, #tpu.memory_space<hbm>> -> memref<64x128xf32, #tpu.memory_space<hbm>>
    %dma_wait3A_371 = arith.constant 0 : i32
    %dma_wait3A_372 = arith.constant 0 : i32
    %dma_wait3A_373 = tpu.memref_slice %arg9[%dma_wait3A_362, %dma_wait3A_371, %dma_wait3A_372] : memref<4x64x128xf32, #tpu.memory_space<vmem>> -> memref<1x64x128xf32, #tpu.memory_space<vmem>>
    %dma_wait3A_374 = tpu.memref_squeeze %dma_wait3A_373 : memref<1x64x128xf32, #tpu.memory_space<vmem>> -> memref<64x128xf32, #tpu.memory_space<vmem>>
    tpu.wait_dma2 semaphore(%arg14 : memref<!tpu.dma_semaphore, #tpu.memory_space<semaphore_mem>>) src(%dma_wait3A_374 : memref<64x128xf32, #tpu.memory_space<vmem>>) dst(%dma_wait3A_370 : memref<64x128xf32, #tpu.memory_space<hbm>>)
    %add3A_375 = arith.constant 512 : i32
    %add3A_376 = arith.addi %mul3A_32, %add3A_375 : i32
    %add3A_377 = arith.constant 1 : i32
    %add3A_378 = arith.addi %sub3A_54, %add3A_377 : i32
    %le3A_379 = arith.cmpi sle, %add3A_376, %add3A_378 : i32
    %convert_element_type3A_380 = arith.extui %le3A_379 : i1 to i32
    %cond3A_381 = arith.constant 8 : i32
    %cond3A_382 = arith.constant 0 : i32
    %cond3A_383 = arith.constant 0 : i32
    %cond3A_384 = arith.cmpi ne, %convert_element_type3A_380, %cond3A_383 : i32
    scf.if %cond3A_384 {
      %dma_start3A_939 = arith.constant 0 : i32
      %dma_start3A_940 = arith.constant 0 : i32
      %dma_start3A_941 = tpu.memref_slice %arg9[%cond3A_382, %dma_start3A_939, %dma_start3A_940] : memref<4x64x128xf32, #tpu.memory_space<vmem>> -> memref<1x64x128xf32, #tpu.memory_space<vmem>>
      %dma_start3A_942 = tpu.memref_squeeze %dma_start3A_941 : memref<1x64x128xf32, #tpu.memory_space<vmem>> -> memref<64x128xf32, #tpu.memory_space<vmem>>
      %dma_start3A_943 = arith.constant 0 : i32
      %dma_start3A_944 = tpu.memref_slice %arg8[%cond3A_381, %dma_start3A_943] : memref<16x64xi32, #tpu.memory_space<vmem>> -> memref<1x64xi32, #tpu.memory_space<vmem>>
      %dma_start3A_945 = tpu.memref_squeeze %dma_start3A_944 : memref<1x64xi32, #tpu.memory_space<vmem>> -> memref<64xi32, #tpu.memory_space<vmem>>
      %dma_start3A_946 = arith.constant 0 : i32
      %dma_start3A_947 = arith.constant 0 : i32
      %dma_start3A_948 = tpu.memref_slice %arg12[%dma_start3A_946, %dma_start3A_947] : memref<8208x128xf32, #tpu.memory_space<vmem_shared>> -> memref<8208x128xf32, #tpu.memory_space<vmem_shared>>
      tpu.enqueue_indirect_dma source(%dma_start3A_948 : memref<8208x128xf32, #tpu.memory_space<vmem_shared>>) target(%dma_start3A_942 : memref<64x128xf32, #tpu.memory_space<vmem>>) offsets(%dma_start3A_945 : memref<64xi32, #tpu.memory_space<vmem>>) semaphore(%arg13 : memref<!tpu.dma_semaphore, #tpu.memory_space<semaphore_mem>>)
    } else {
    }
    %add3A_385 = arith.constant 320 : i32
    %add3A_386 = arith.addi %mul3A_32, %add3A_385 : i32
    %add3A_387 = arith.constant 1 : i32
    %add3A_388 = arith.addi %sub3A_54, %add3A_387 : i32
    %le3A_389 = arith.cmpi sle, %add3A_386, %add3A_388 : i32
    %convert_element_type3A_390 = arith.extui %le3A_389 : i1 to i32
    %cond3A_391 = arith.constant 5 : i32
    %cond3A_392 = arith.constant 1 : i32
    %cond3A_393 = arith.constant 0 : i32
    %cond3A_394 = arith.cmpi ne, %convert_element_type3A_390, %cond3A_393 : i32
    scf.if %cond3A_394 {
      %dma_wait3A_939 = arith.constant 0 : i32
      %dma_wait3A_940 = arith.constant 0 : i32
      %dma_wait3A_941 = tpu.memref_slice %arg9[%cond3A_392, %dma_wait3A_939, %dma_wait3A_940] : memref<4x64x128xf32, #tpu.memory_space<vmem>> -> memref<1x64x128xf32, #tpu.memory_space<vmem>>
      %dma_wait3A_942 = tpu.memref_squeeze %dma_wait3A_941 : memref<1x64x128xf32, #tpu.memory_space<vmem>> -> memref<64x128xf32, #tpu.memory_space<vmem>>
      %dma_wait3A_943 = arith.constant 0 : i32
      %dma_wait3A_944 = tpu.memref_slice %arg8[%cond3A_391, %dma_wait3A_943] : memref<16x64xi32, #tpu.memory_space<vmem>> -> memref<1x64xi32, #tpu.memory_space<vmem>>
      %dma_wait3A_945 = tpu.memref_squeeze %dma_wait3A_944 : memref<1x64xi32, #tpu.memory_space<vmem>> -> memref<64xi32, #tpu.memory_space<vmem>>
      %dma_wait3A_946 = arith.constant 0 : i32
      %dma_wait3A_947 = arith.constant 0 : i32
      %dma_wait3A_948 = tpu.memref_slice %arg12[%dma_wait3A_946, %dma_wait3A_947] : memref<8208x128xf32, #tpu.memory_space<vmem_shared>> -> memref<8208x128xf32, #tpu.memory_space<vmem_shared>>
      tpu.wait_indirect_dma semaphore(%arg13 : memref<!tpu.dma_semaphore, #tpu.memory_space<semaphore_mem>>) src(%dma_wait3A_948 : memref<8208x128xf32, #tpu.memory_space<vmem_shared>>) dst(%dma_wait3A_942 : memref<64x128xf32, #tpu.memory_space<vmem>>)
    } else {
    }
    %add3A_395 = arith.constant 320 : i32
    %add3A_396 = arith.addi %mul3A_78, %add3A_395 : i32
    %add3A_397 = arith.constant 320 : i32
    %add3A_398 = arith.addi %mul3A_32, %add3A_397 : i32
    %add3A_399 = arith.constant 1 : i32
    %add3A_400 = arith.addi %sub3A_54, %add3A_399 : i32
    %le3A_401 = arith.cmpi sle, %add3A_398, %add3A_400 : i32
    %convert_element_type3A_402 = arith.extui %le3A_401 : i1 to i32
    %cond3A_403 = arith.constant 1 : i32
    %cond3A_404 = arith.constant 0 : i32
    %cond3A_405 = arith.cmpi ne, %convert_element_type3A_402, %cond3A_404 : i32
    scf.if %cond3A_405 {
      %dma_start3A_939 = arith.constant 0 : i32
      %dma_start3A_940 = arith.constant 0 : i32
      %dma_start3A_941 = tpu.memref_slice %arg9[%cond3A_403, %dma_start3A_939, %dma_start3A_940] : memref<4x64x128xf32, #tpu.memory_space<vmem>> -> memref<1x64x128xf32, #tpu.memory_space<vmem>>
      %dma_start3A_942 = tpu.memref_squeeze %dma_start3A_941 : memref<1x64x128xf32, #tpu.memory_space<vmem>> -> memref<64x128xf32, #tpu.memory_space<vmem>>
      %dma_start3A_943 = arith.constant 0 : i32
      %dma_start3A_944 = tpu.memref_slice %arg5[%add3A_396, %dma_start3A_943] : memref<32768x128xf32, #tpu.memory_space<hbm>> -> memref<64x128xf32, #tpu.memory_space<hbm>>
      %dma_start3A_945 = arith.constant 0 : i32
      %dma_start3A_946 = tpu.memref_slice %arg5[%add3A_396, %dma_start3A_945] : memref<32768x128xf32, #tpu.memory_space<hbm>> -> memref<64x128xf32, #tpu.memory_space<hbm>>
      %dma_start3A_947 = arith.constant 0 : i32
      %dma_start3A_948 = arith.constant 0 : i32
      %dma_start3A_949 = tpu.memref_slice %arg9[%cond3A_403, %dma_start3A_947, %dma_start3A_948] : memref<4x64x128xf32, #tpu.memory_space<vmem>> -> memref<1x64x128xf32, #tpu.memory_space<vmem>>
      %dma_start3A_950 = tpu.memref_squeeze %dma_start3A_949 : memref<1x64x128xf32, #tpu.memory_space<vmem>> -> memref<64x128xf32, #tpu.memory_space<vmem>>
      tpu.enqueue_dma source(%dma_start3A_950 : memref<64x128xf32, #tpu.memory_space<vmem>>) target(%dma_start3A_946 : memref<64x128xf32, #tpu.memory_space<hbm>>) target_semaphore(%arg14 : memref<!tpu.dma_semaphore, #tpu.memory_space<semaphore_mem>>)
    } else {
    }
    %add3A_406 = arith.constant 320 : i32
    %add3A_407 = arith.addi %mul3A_32, %add3A_406 : i32
    %add3A_408 = arith.constant 1 : i32
    %add3A_409 = arith.addi %sub3A_54, %add3A_408 : i32
    %le3A_410 = arith.cmpi sle, %add3A_407, %add3A_409 : i32
    %not3A_411 = arith.constant true
    %not3A_412 = arith.xori %le3A_410, %not3A_411 : i1
    %convert_element_type3A_413 = arith.extui %not3A_412 : i1 to i32
    %cond3A_414 = arith.constant 0 : i32
    %cond3A_415 = arith.cmpi ne, %convert_element_type3A_413, %cond3A_414 : i32
    scf.if %cond3A_415 {
      %dma_start3A_939 = arith.constant 0 : i32
      %dma_start3A_940 = tpu.memref_slice %arg5[%add3A_396, %dma_start3A_939] : memref<32768x128xf32, #tpu.memory_space<hbm>> -> memref<64x128xf32, #tpu.memory_space<hbm>>
      %dma_start3A_941 = arith.constant 0 : i32
      %dma_start3A_942 = tpu.memref_slice %arg5[%add3A_396, %dma_start3A_941] : memref<32768x128xf32, #tpu.memory_space<hbm>> -> memref<64x128xf32, #tpu.memory_space<hbm>>
      tpu.enqueue_dma source(%arg11 : memref<64x128xf32, #tpu.memory_space<vmem>>) target(%dma_start3A_942 : memref<64x128xf32, #tpu.memory_space<hbm>>) target_semaphore(%arg14 : memref<!tpu.dma_semaphore, #tpu.memory_space<semaphore_mem>>)
    } else {
    }
    %dma_wait3A_416 = arith.constant 1 : i32
    %dma_wait3A_417 = arith.constant 0 : i32
    %dma_wait3A_418 = arith.constant 0 : i32
    %dma_wait3A_419 = tpu.memref_slice %arg9[%dma_wait3A_416, %dma_wait3A_417, %dma_wait3A_418] : memref<4x64x128xf32, #tpu.memory_space<vmem>> -> memref<1x64x128xf32, #tpu.memory_space<vmem>>
    %dma_wait3A_420 = tpu.memref_squeeze %dma_wait3A_419 : memref<1x64x128xf32, #tpu.memory_space<vmem>> -> memref<64x128xf32, #tpu.memory_space<vmem>>
    %dma_wait3A_421 = arith.constant 0 : i32
    %dma_wait3A_422 = tpu.memref_slice %arg5[%add3A_396, %dma_wait3A_421] : memref<32768x128xf32, #tpu.memory_space<hbm>> -> memref<64x128xf32, #tpu.memory_space<hbm>>
    %dma_wait3A_423 = arith.constant 0 : i32
    %dma_wait3A_424 = tpu.memref_slice %arg5[%add3A_396, %dma_wait3A_423] : memref<32768x128xf32, #tpu.memory_space<hbm>> -> memref<64x128xf32, #tpu.memory_space<hbm>>
    %dma_wait3A_425 = arith.constant 0 : i32
    %dma_wait3A_426 = arith.constant 0 : i32
    %dma_wait3A_427 = tpu.memref_slice %arg9[%dma_wait3A_416, %dma_wait3A_425, %dma_wait3A_426] : memref<4x64x128xf32, #tpu.memory_space<vmem>> -> memref<1x64x128xf32, #tpu.memory_space<vmem>>
    %dma_wait3A_428 = tpu.memref_squeeze %dma_wait3A_427 : memref<1x64x128xf32, #tpu.memory_space<vmem>> -> memref<64x128xf32, #tpu.memory_space<vmem>>
    tpu.wait_dma2 semaphore(%arg14 : memref<!tpu.dma_semaphore, #tpu.memory_space<semaphore_mem>>) src(%dma_wait3A_428 : memref<64x128xf32, #tpu.memory_space<vmem>>) dst(%dma_wait3A_424 : memref<64x128xf32, #tpu.memory_space<hbm>>)
    %add3A_429 = arith.constant 576 : i32
    %add3A_430 = arith.addi %mul3A_32, %add3A_429 : i32
    %add3A_431 = arith.constant 1 : i32
    %add3A_432 = arith.addi %sub3A_54, %add3A_431 : i32
    %le3A_433 = arith.cmpi sle, %add3A_430, %add3A_432 : i32
    %convert_element_type3A_434 = arith.extui %le3A_433 : i1 to i32
    %cond3A_435 = arith.constant 9 : i32
    %cond3A_436 = arith.constant 1 : i32
    %cond3A_437 = arith.constant 0 : i32
    %cond3A_438 = arith.cmpi ne, %convert_element_type3A_434, %cond3A_437 : i32
    scf.if %cond3A_438 {
      %dma_start3A_939 = arith.constant 0 : i32
      %dma_start3A_940 = arith.constant 0 : i32
      %dma_start3A_941 = tpu.memref_slice %arg9[%cond3A_436, %dma_start3A_939, %dma_start3A_940] : memref<4x64x128xf32, #tpu.memory_space<vmem>> -> memref<1x64x128xf32, #tpu.memory_space<vmem>>
      %dma_start3A_942 = tpu.memref_squeeze %dma_start3A_941 : memref<1x64x128xf32, #tpu.memory_space<vmem>> -> memref<64x128xf32, #tpu.memory_space<vmem>>
      %dma_start3A_943 = arith.constant 0 : i32
      %dma_start3A_944 = tpu.memref_slice %arg8[%cond3A_435, %dma_start3A_943] : memref<16x64xi32, #tpu.memory_space<vmem>> -> memref<1x64xi32, #tpu.memory_space<vmem>>
      %dma_start3A_945 = tpu.memref_squeeze %dma_start3A_944 : memref<1x64xi32, #tpu.memory_space<vmem>> -> memref<64xi32, #tpu.memory_space<vmem>>
      %dma_start3A_946 = arith.constant 0 : i32
      %dma_start3A_947 = arith.constant 0 : i32
      %dma_start3A_948 = tpu.memref_slice %arg12[%dma_start3A_946, %dma_start3A_947] : memref<8208x128xf32, #tpu.memory_space<vmem_shared>> -> memref<8208x128xf32, #tpu.memory_space<vmem_shared>>
      tpu.enqueue_indirect_dma source(%dma_start3A_948 : memref<8208x128xf32, #tpu.memory_space<vmem_shared>>) target(%dma_start3A_942 : memref<64x128xf32, #tpu.memory_space<vmem>>) offsets(%dma_start3A_945 : memref<64xi32, #tpu.memory_space<vmem>>) semaphore(%arg13 : memref<!tpu.dma_semaphore, #tpu.memory_space<semaphore_mem>>)
    } else {
    }
    %add3A_439 = arith.constant 384 : i32
    %add3A_440 = arith.addi %mul3A_32, %add3A_439 : i32
    %add3A_441 = arith.constant 1 : i32
    %add3A_442 = arith.addi %sub3A_54, %add3A_441 : i32
    %le3A_443 = arith.cmpi sle, %add3A_440, %add3A_442 : i32
    %convert_element_type3A_444 = arith.extui %le3A_443 : i1 to i32
    %cond3A_445 = arith.constant 6 : i32
    %cond3A_446 = arith.constant 2 : i32
    %cond3A_447 = arith.constant 0 : i32
    %cond3A_448 = arith.cmpi ne, %convert_element_type3A_444, %cond3A_447 : i32
    scf.if %cond3A_448 {
      %dma_wait3A_939 = arith.constant 0 : i32
      %dma_wait3A_940 = arith.constant 0 : i32
      %dma_wait3A_941 = tpu.memref_slice %arg9[%cond3A_446, %dma_wait3A_939, %dma_wait3A_940] : memref<4x64x128xf32, #tpu.memory_space<vmem>> -> memref<1x64x128xf32, #tpu.memory_space<vmem>>
      %dma_wait3A_942 = tpu.memref_squeeze %dma_wait3A_941 : memref<1x64x128xf32, #tpu.memory_space<vmem>> -> memref<64x128xf32, #tpu.memory_space<vmem>>
      %dma_wait3A_943 = arith.constant 0 : i32
      %dma_wait3A_944 = tpu.memref_slice %arg8[%cond3A_445, %dma_wait3A_943] : memref<16x64xi32, #tpu.memory_space<vmem>> -> memref<1x64xi32, #tpu.memory_space<vmem>>
      %dma_wait3A_945 = tpu.memref_squeeze %dma_wait3A_944 : memref<1x64xi32, #tpu.memory_space<vmem>> -> memref<64xi32, #tpu.memory_space<vmem>>
      %dma_wait3A_946 = arith.constant 0 : i32
      %dma_wait3A_947 = arith.constant 0 : i32
      %dma_wait3A_948 = tpu.memref_slice %arg12[%dma_wait3A_946, %dma_wait3A_947] : memref<8208x128xf32, #tpu.memory_space<vmem_shared>> -> memref<8208x128xf32, #tpu.memory_space<vmem_shared>>
      tpu.wait_indirect_dma semaphore(%arg13 : memref<!tpu.dma_semaphore, #tpu.memory_space<semaphore_mem>>) src(%dma_wait3A_948 : memref<8208x128xf32, #tpu.memory_space<vmem_shared>>) dst(%dma_wait3A_942 : memref<64x128xf32, #tpu.memory_space<vmem>>)
    } else {
    }
    %add3A_449 = arith.constant 384 : i32
    %add3A_450 = arith.addi %mul3A_78, %add3A_449 : i32
    %add3A_451 = arith.constant 384 : i32
    %add3A_452 = arith.addi %mul3A_32, %add3A_451 : i32
    %add3A_453 = arith.constant 1 : i32
    %add3A_454 = arith.addi %sub3A_54, %add3A_453 : i32
    %le3A_455 = arith.cmpi sle, %add3A_452, %add3A_454 : i32
    %convert_element_type3A_456 = arith.extui %le3A_455 : i1 to i32
    %cond3A_457 = arith.constant 2 : i32
    %cond3A_458 = arith.constant 0 : i32
    %cond3A_459 = arith.cmpi ne, %convert_element_type3A_456, %cond3A_458 : i32
    scf.if %cond3A_459 {
      %dma_start3A_939 = arith.constant 0 : i32
      %dma_start3A_940 = arith.constant 0 : i32
      %dma_start3A_941 = tpu.memref_slice %arg9[%cond3A_457, %dma_start3A_939, %dma_start3A_940] : memref<4x64x128xf32, #tpu.memory_space<vmem>> -> memref<1x64x128xf32, #tpu.memory_space<vmem>>
      %dma_start3A_942 = tpu.memref_squeeze %dma_start3A_941 : memref<1x64x128xf32, #tpu.memory_space<vmem>> -> memref<64x128xf32, #tpu.memory_space<vmem>>
      %dma_start3A_943 = arith.constant 0 : i32
      %dma_start3A_944 = tpu.memref_slice %arg5[%add3A_450, %dma_start3A_943] : memref<32768x128xf32, #tpu.memory_space<hbm>> -> memref<64x128xf32, #tpu.memory_space<hbm>>
      %dma_start3A_945 = arith.constant 0 : i32
      %dma_start3A_946 = tpu.memref_slice %arg5[%add3A_450, %dma_start3A_945] : memref<32768x128xf32, #tpu.memory_space<hbm>> -> memref<64x128xf32, #tpu.memory_space<hbm>>
      %dma_start3A_947 = arith.constant 0 : i32
      %dma_start3A_948 = arith.constant 0 : i32
      %dma_start3A_949 = tpu.memref_slice %arg9[%cond3A_457, %dma_start3A_947, %dma_start3A_948] : memref<4x64x128xf32, #tpu.memory_space<vmem>> -> memref<1x64x128xf32, #tpu.memory_space<vmem>>
      %dma_start3A_950 = tpu.memref_squeeze %dma_start3A_949 : memref<1x64x128xf32, #tpu.memory_space<vmem>> -> memref<64x128xf32, #tpu.memory_space<vmem>>
      tpu.enqueue_dma source(%dma_start3A_950 : memref<64x128xf32, #tpu.memory_space<vmem>>) target(%dma_start3A_946 : memref<64x128xf32, #tpu.memory_space<hbm>>) target_semaphore(%arg14 : memref<!tpu.dma_semaphore, #tpu.memory_space<semaphore_mem>>)
    } else {
    }
    %add3A_460 = arith.constant 384 : i32
    %add3A_461 = arith.addi %mul3A_32, %add3A_460 : i32
    %add3A_462 = arith.constant 1 : i32
    %add3A_463 = arith.addi %sub3A_54, %add3A_462 : i32
    %le3A_464 = arith.cmpi sle, %add3A_461, %add3A_463 : i32
    %not3A_465 = arith.constant true
    %not3A_466 = arith.xori %le3A_464, %not3A_465 : i1
    %convert_element_type3A_467 = arith.extui %not3A_466 : i1 to i32
    %cond3A_468 = arith.constant 0 : i32
    %cond3A_469 = arith.cmpi ne, %convert_element_type3A_467, %cond3A_468 : i32
    scf.if %cond3A_469 {
      %dma_start3A_939 = arith.constant 0 : i32
      %dma_start3A_940 = tpu.memref_slice %arg5[%add3A_450, %dma_start3A_939] : memref<32768x128xf32, #tpu.memory_space<hbm>> -> memref<64x128xf32, #tpu.memory_space<hbm>>
      %dma_start3A_941 = arith.constant 0 : i32
      %dma_start3A_942 = tpu.memref_slice %arg5[%add3A_450, %dma_start3A_941] : memref<32768x128xf32, #tpu.memory_space<hbm>> -> memref<64x128xf32, #tpu.memory_space<hbm>>
      tpu.enqueue_dma source(%arg11 : memref<64x128xf32, #tpu.memory_space<vmem>>) target(%dma_start3A_942 : memref<64x128xf32, #tpu.memory_space<hbm>>) target_semaphore(%arg14 : memref<!tpu.dma_semaphore, #tpu.memory_space<semaphore_mem>>)
    } else {
    }
    %dma_wait3A_470 = arith.constant 2 : i32
    %dma_wait3A_471 = arith.constant 0 : i32
    %dma_wait3A_472 = arith.constant 0 : i32
    %dma_wait3A_473 = tpu.memref_slice %arg9[%dma_wait3A_470, %dma_wait3A_471, %dma_wait3A_472] : memref<4x64x128xf32, #tpu.memory_space<vmem>> -> memref<1x64x128xf32, #tpu.memory_space<vmem>>
    %dma_wait3A_474 = tpu.memref_squeeze %dma_wait3A_473 : memref<1x64x128xf32, #tpu.memory_space<vmem>> -> memref<64x128xf32, #tpu.memory_space<vmem>>
    %dma_wait3A_475 = arith.constant 0 : i32
    %dma_wait3A_476 = tpu.memref_slice %arg5[%add3A_450, %dma_wait3A_475] : memref<32768x128xf32, #tpu.memory_space<hbm>> -> memref<64x128xf32, #tpu.memory_space<hbm>>
    %dma_wait3A_477 = arith.constant 0 : i32
    %dma_wait3A_478 = tpu.memref_slice %arg5[%add3A_450, %dma_wait3A_477] : memref<32768x128xf32, #tpu.memory_space<hbm>> -> memref<64x128xf32, #tpu.memory_space<hbm>>
    %dma_wait3A_479 = arith.constant 0 : i32
    %dma_wait3A_480 = arith.constant 0 : i32
    %dma_wait3A_481 = tpu.memref_slice %arg9[%dma_wait3A_470, %dma_wait3A_479, %dma_wait3A_480] : memref<4x64x128xf32, #tpu.memory_space<vmem>> -> memref<1x64x128xf32, #tpu.memory_space<vmem>>
    %dma_wait3A_482 = tpu.memref_squeeze %dma_wait3A_481 : memref<1x64x128xf32, #tpu.memory_space<vmem>> -> memref<64x128xf32, #tpu.memory_space<vmem>>
    tpu.wait_dma2 semaphore(%arg14 : memref<!tpu.dma_semaphore, #tpu.memory_space<semaphore_mem>>) src(%dma_wait3A_482 : memref<64x128xf32, #tpu.memory_space<vmem>>) dst(%dma_wait3A_478 : memref<64x128xf32, #tpu.memory_space<hbm>>)
    %add3A_483 = arith.constant 640 : i32
    %add3A_484 = arith.addi %mul3A_32, %add3A_483 : i32
    %add3A_485 = arith.constant 1 : i32
    %add3A_486 = arith.addi %sub3A_54, %add3A_485 : i32
    %le3A_487 = arith.cmpi sle, %add3A_484, %add3A_486 : i32
    %convert_element_type3A_488 = arith.extui %le3A_487 : i1 to i32
    %cond3A_489 = arith.constant 10 : i32
    %cond3A_490 = arith.constant 2 : i32
    %cond3A_491 = arith.constant 0 : i32
    %cond3A_492 = arith.cmpi ne, %convert_element_type3A_488, %cond3A_491 : i32
    scf.if %cond3A_492 {
      %dma_start3A_939 = arith.constant 0 : i32
      %dma_start3A_940 = arith.constant 0 : i32
      %dma_start3A_941 = tpu.memref_slice %arg9[%cond3A_490, %dma_start3A_939, %dma_start3A_940] : memref<4x64x128xf32, #tpu.memory_space<vmem>> -> memref<1x64x128xf32, #tpu.memory_space<vmem>>
      %dma_start3A_942 = tpu.memref_squeeze %dma_start3A_941 : memref<1x64x128xf32, #tpu.memory_space<vmem>> -> memref<64x128xf32, #tpu.memory_space<vmem>>
      %dma_start3A_943 = arith.constant 0 : i32
      %dma_start3A_944 = tpu.memref_slice %arg8[%cond3A_489, %dma_start3A_943] : memref<16x64xi32, #tpu.memory_space<vmem>> -> memref<1x64xi32, #tpu.memory_space<vmem>>
      %dma_start3A_945 = tpu.memref_squeeze %dma_start3A_944 : memref<1x64xi32, #tpu.memory_space<vmem>> -> memref<64xi32, #tpu.memory_space<vmem>>
      %dma_start3A_946 = arith.constant 0 : i32
      %dma_start3A_947 = arith.constant 0 : i32
      %dma_start3A_948 = tpu.memref_slice %arg12[%dma_start3A_946, %dma_start3A_947] : memref<8208x128xf32, #tpu.memory_space<vmem_shared>> -> memref<8208x128xf32, #tpu.memory_space<vmem_shared>>
      tpu.enqueue_indirect_dma source(%dma_start3A_948 : memref<8208x128xf32, #tpu.memory_space<vmem_shared>>) target(%dma_start3A_942 : memref<64x128xf32, #tpu.memory_space<vmem>>) offsets(%dma_start3A_945 : memref<64xi32, #tpu.memory_space<vmem>>) semaphore(%arg13 : memref<!tpu.dma_semaphore, #tpu.memory_space<semaphore_mem>>)
    } else {
    }
    %add3A_493 = arith.constant 448 : i32
    %add3A_494 = arith.addi %mul3A_32, %add3A_493 : i32
    %add3A_495 = arith.constant 1 : i32
    %add3A_496 = arith.addi %sub3A_54, %add3A_495 : i32
    %le3A_497 = arith.cmpi sle, %add3A_494, %add3A_496 : i32
    %convert_element_type3A_498 = arith.extui %le3A_497 : i1 to i32
    %cond3A_499 = arith.constant 7 : i32
    %cond3A_500 = arith.constant 3 : i32
    %cond3A_501 = arith.constant 0 : i32
    %cond3A_502 = arith.cmpi ne, %convert_element_type3A_498, %cond3A_501 : i32
    scf.if %cond3A_502 {
      %dma_wait3A_939 = arith.constant 0 : i32
      %dma_wait3A_940 = arith.constant 0 : i32
      %dma_wait3A_941 = tpu.memref_slice %arg9[%cond3A_500, %dma_wait3A_939, %dma_wait3A_940] : memref<4x64x128xf32, #tpu.memory_space<vmem>> -> memref<1x64x128xf32, #tpu.memory_space<vmem>>
      %dma_wait3A_942 = tpu.memref_squeeze %dma_wait3A_941 : memref<1x64x128xf32, #tpu.memory_space<vmem>> -> memref<64x128xf32, #tpu.memory_space<vmem>>
      %dma_wait3A_943 = arith.constant 0 : i32
      %dma_wait3A_944 = tpu.memref_slice %arg8[%cond3A_499, %dma_wait3A_943] : memref<16x64xi32, #tpu.memory_space<vmem>> -> memref<1x64xi32, #tpu.memory_space<vmem>>
      %dma_wait3A_945 = tpu.memref_squeeze %dma_wait3A_944 : memref<1x64xi32, #tpu.memory_space<vmem>> -> memref<64xi32, #tpu.memory_space<vmem>>
      %dma_wait3A_946 = arith.constant 0 : i32
      %dma_wait3A_947 = arith.constant 0 : i32
      %dma_wait3A_948 = tpu.memref_slice %arg12[%dma_wait3A_946, %dma_wait3A_947] : memref<8208x128xf32, #tpu.memory_space<vmem_shared>> -> memref<8208x128xf32, #tpu.memory_space<vmem_shared>>
      tpu.wait_indirect_dma semaphore(%arg13 : memref<!tpu.dma_semaphore, #tpu.memory_space<semaphore_mem>>) src(%dma_wait3A_948 : memref<8208x128xf32, #tpu.memory_space<vmem_shared>>) dst(%dma_wait3A_942 : memref<64x128xf32, #tpu.memory_space<vmem>>)
    } else {
    }
    %add3A_503 = arith.constant 448 : i32
    %add3A_504 = arith.addi %mul3A_78, %add3A_503 : i32
    %add3A_505 = arith.constant 448 : i32
    %add3A_506 = arith.addi %mul3A_32, %add3A_505 : i32
    %add3A_507 = arith.constant 1 : i32
    %add3A_508 = arith.addi %sub3A_54, %add3A_507 : i32
    %le3A_509 = arith.cmpi sle, %add3A_506, %add3A_508 : i32
    %convert_element_type3A_510 = arith.extui %le3A_509 : i1 to i32
    %cond3A_511 = arith.constant 3 : i32
    %cond3A_512 = arith.constant 0 : i32
    %cond3A_513 = arith.cmpi ne, %convert_element_type3A_510, %cond3A_512 : i32
    scf.if %cond3A_513 {
      %dma_start3A_939 = arith.constant 0 : i32
      %dma_start3A_940 = arith.constant 0 : i32
      %dma_start3A_941 = tpu.memref_slice %arg9[%cond3A_511, %dma_start3A_939, %dma_start3A_940] : memref<4x64x128xf32, #tpu.memory_space<vmem>> -> memref<1x64x128xf32, #tpu.memory_space<vmem>>
      %dma_start3A_942 = tpu.memref_squeeze %dma_start3A_941 : memref<1x64x128xf32, #tpu.memory_space<vmem>> -> memref<64x128xf32, #tpu.memory_space<vmem>>
      %dma_start3A_943 = arith.constant 0 : i32
      %dma_start3A_944 = tpu.memref_slice %arg5[%add3A_504, %dma_start3A_943] : memref<32768x128xf32, #tpu.memory_space<hbm>> -> memref<64x128xf32, #tpu.memory_space<hbm>>
      %dma_start3A_945 = arith.constant 0 : i32
      %dma_start3A_946 = tpu.memref_slice %arg5[%add3A_504, %dma_start3A_945] : memref<32768x128xf32, #tpu.memory_space<hbm>> -> memref<64x128xf32, #tpu.memory_space<hbm>>
      %dma_start3A_947 = arith.constant 0 : i32
      %dma_start3A_948 = arith.constant 0 : i32
      %dma_start3A_949 = tpu.memref_slice %arg9[%cond3A_511, %dma_start3A_947, %dma_start3A_948] : memref<4x64x128xf32, #tpu.memory_space<vmem>> -> memref<1x64x128xf32, #tpu.memory_space<vmem>>
      %dma_start3A_950 = tpu.memref_squeeze %dma_start3A_949 : memref<1x64x128xf32, #tpu.memory_space<vmem>> -> memref<64x128xf32, #tpu.memory_space<vmem>>
      tpu.enqueue_dma source(%dma_start3A_950 : memref<64x128xf32, #tpu.memory_space<vmem>>) target(%dma_start3A_946 : memref<64x128xf32, #tpu.memory_space<hbm>>) target_semaphore(%arg14 : memref<!tpu.dma_semaphore, #tpu.memory_space<semaphore_mem>>)
    } else {
    }
    %add3A_514 = arith.constant 448 : i32
    %add3A_515 = arith.addi %mul3A_32, %add3A_514 : i32
    %add3A_516 = arith.constant 1 : i32
    %add3A_517 = arith.addi %sub3A_54, %add3A_516 : i32
    %le3A_518 = arith.cmpi sle, %add3A_515, %add3A_517 : i32
    %not3A_519 = arith.constant true
    %not3A_520 = arith.xori %le3A_518, %not3A_519 : i1
    %convert_element_type3A_521 = arith.extui %not3A_520 : i1 to i32
    %cond3A_522 = arith.constant 0 : i32
    %cond3A_523 = arith.cmpi ne, %convert_element_type3A_521, %cond3A_522 : i32
    scf.if %cond3A_523 {
      %dma_start3A_939 = arith.constant 0 : i32
      %dma_start3A_940 = tpu.memref_slice %arg5[%add3A_504, %dma_start3A_939] : memref<32768x128xf32, #tpu.memory_space<hbm>> -> memref<64x128xf32, #tpu.memory_space<hbm>>
      %dma_start3A_941 = arith.constant 0 : i32
      %dma_start3A_942 = tpu.memref_slice %arg5[%add3A_504, %dma_start3A_941] : memref<32768x128xf32, #tpu.memory_space<hbm>> -> memref<64x128xf32, #tpu.memory_space<hbm>>
      tpu.enqueue_dma source(%arg11 : memref<64x128xf32, #tpu.memory_space<vmem>>) target(%dma_start3A_942 : memref<64x128xf32, #tpu.memory_space<hbm>>) target_semaphore(%arg14 : memref<!tpu.dma_semaphore, #tpu.memory_space<semaphore_mem>>)
    } else {
    }
    %dma_wait3A_524 = arith.constant 3 : i32
    %dma_wait3A_525 = arith.constant 0 : i32
    %dma_wait3A_526 = arith.constant 0 : i32
    %dma_wait3A_527 = tpu.memref_slice %arg9[%dma_wait3A_524, %dma_wait3A_525, %dma_wait3A_526] : memref<4x64x128xf32, #tpu.memory_space<vmem>> -> memref<1x64x128xf32, #tpu.memory_space<vmem>>
    %dma_wait3A_528 = tpu.memref_squeeze %dma_wait3A_527 : memref<1x64x128xf32, #tpu.memory_space<vmem>> -> memref<64x128xf32, #tpu.memory_space<vmem>>
    %dma_wait3A_529 = arith.constant 0 : i32
    %dma_wait3A_530 = tpu.memref_slice %arg5[%add3A_504, %dma_wait3A_529] : memref<32768x128xf32, #tpu.memory_space<hbm>> -> memref<64x128xf32, #tpu.memory_space<hbm>>
    %dma_wait3A_531 = arith.constant 0 : i32
    %dma_wait3A_532 = tpu.memref_slice %arg5[%add3A_504, %dma_wait3A_531] : memref<32768x128xf32, #tpu.memory_space<hbm>> -> memref<64x128xf32, #tpu.memory_space<hbm>>
    %dma_wait3A_533 = arith.constant 0 : i32
    %dma_wait3A_534 = arith.constant 0 : i32
    %dma_wait3A_535 = tpu.memref_slice %arg9[%dma_wait3A_524, %dma_wait3A_533, %dma_wait3A_534] : memref<4x64x128xf32, #tpu.memory_space<vmem>> -> memref<1x64x128xf32, #tpu.memory_space<vmem>>
    %dma_wait3A_536 = tpu.memref_squeeze %dma_wait3A_535 : memref<1x64x128xf32, #tpu.memory_space<vmem>> -> memref<64x128xf32, #tpu.memory_space<vmem>>
    tpu.wait_dma2 semaphore(%arg14 : memref<!tpu.dma_semaphore, #tpu.memory_space<semaphore_mem>>) src(%dma_wait3A_536 : memref<64x128xf32, #tpu.memory_space<vmem>>) dst(%dma_wait3A_532 : memref<64x128xf32, #tpu.memory_space<hbm>>)
    %add3A_537 = arith.constant 704 : i32
    %add3A_538 = arith.addi %mul3A_32, %add3A_537 : i32
    %add3A_539 = arith.constant 1 : i32
    %add3A_540 = arith.addi %sub3A_54, %add3A_539 : i32
    %le3A_541 = arith.cmpi sle, %add3A_538, %add3A_540 : i32
    %convert_element_type3A_542 = arith.extui %le3A_541 : i1 to i32
    %cond3A_543 = arith.constant 11 : i32
    %cond3A_544 = arith.constant 3 : i32
    %cond3A_545 = arith.constant 0 : i32
    %cond3A_546 = arith.cmpi ne, %convert_element_type3A_542, %cond3A_545 : i32
    scf.if %cond3A_546 {
      %dma_start3A_939 = arith.constant 0 : i32
      %dma_start3A_940 = arith.constant 0 : i32
      %dma_start3A_941 = tpu.memref_slice %arg9[%cond3A_544, %dma_start3A_939, %dma_start3A_940] : memref<4x64x128xf32, #tpu.memory_space<vmem>> -> memref<1x64x128xf32, #tpu.memory_space<vmem>>
      %dma_start3A_942 = tpu.memref_squeeze %dma_start3A_941 : memref<1x64x128xf32, #tpu.memory_space<vmem>> -> memref<64x128xf32, #tpu.memory_space<vmem>>
      %dma_start3A_943 = arith.constant 0 : i32
      %dma_start3A_944 = tpu.memref_slice %arg8[%cond3A_543, %dma_start3A_943] : memref<16x64xi32, #tpu.memory_space<vmem>> -> memref<1x64xi32, #tpu.memory_space<vmem>>
      %dma_start3A_945 = tpu.memref_squeeze %dma_start3A_944 : memref<1x64xi32, #tpu.memory_space<vmem>> -> memref<64xi32, #tpu.memory_space<vmem>>
      %dma_start3A_946 = arith.constant 0 : i32
      %dma_start3A_947 = arith.constant 0 : i32
      %dma_start3A_948 = tpu.memref_slice %arg12[%dma_start3A_946, %dma_start3A_947] : memref<8208x128xf32, #tpu.memory_space<vmem_shared>> -> memref<8208x128xf32, #tpu.memory_space<vmem_shared>>
      tpu.enqueue_indirect_dma source(%dma_start3A_948 : memref<8208x128xf32, #tpu.memory_space<vmem_shared>>) target(%dma_start3A_942 : memref<64x128xf32, #tpu.memory_space<vmem>>) offsets(%dma_start3A_945 : memref<64xi32, #tpu.memory_space<vmem>>) semaphore(%arg13 : memref<!tpu.dma_semaphore, #tpu.memory_space<semaphore_mem>>)
    } else {
    }
    %add3A_547 = arith.constant 512 : i32
    %add3A_548 = arith.addi %mul3A_32, %add3A_547 : i32
    %add3A_549 = arith.constant 1 : i32
    %add3A_550 = arith.addi %sub3A_54, %add3A_549 : i32
    %le3A_551 = arith.cmpi sle, %add3A_548, %add3A_550 : i32
    %convert_element_type3A_552 = arith.extui %le3A_551 : i1 to i32
    %cond3A_553 = arith.constant 8 : i32
    %cond3A_554 = arith.constant 0 : i32
    %cond3A_555 = arith.constant 0 : i32
    %cond3A_556 = arith.cmpi ne, %convert_element_type3A_552, %cond3A_555 : i32
    scf.if %cond3A_556 {
      %dma_wait3A_939 = arith.constant 0 : i32
      %dma_wait3A_940 = arith.constant 0 : i32
      %dma_wait3A_941 = tpu.memref_slice %arg9[%cond3A_554, %dma_wait3A_939, %dma_wait3A_940] : memref<4x64x128xf32, #tpu.memory_space<vmem>> -> memref<1x64x128xf32, #tpu.memory_space<vmem>>
      %dma_wait3A_942 = tpu.memref_squeeze %dma_wait3A_941 : memref<1x64x128xf32, #tpu.memory_space<vmem>> -> memref<64x128xf32, #tpu.memory_space<vmem>>
      %dma_wait3A_943 = arith.constant 0 : i32
      %dma_wait3A_944 = tpu.memref_slice %arg8[%cond3A_553, %dma_wait3A_943] : memref<16x64xi32, #tpu.memory_space<vmem>> -> memref<1x64xi32, #tpu.memory_space<vmem>>
      %dma_wait3A_945 = tpu.memref_squeeze %dma_wait3A_944 : memref<1x64xi32, #tpu.memory_space<vmem>> -> memref<64xi32, #tpu.memory_space<vmem>>
      %dma_wait3A_946 = arith.constant 0 : i32
      %dma_wait3A_947 = arith.constant 0 : i32
      %dma_wait3A_948 = tpu.memref_slice %arg12[%dma_wait3A_946, %dma_wait3A_947] : memref<8208x128xf32, #tpu.memory_space<vmem_shared>> -> memref<8208x128xf32, #tpu.memory_space<vmem_shared>>
      tpu.wait_indirect_dma semaphore(%arg13 : memref<!tpu.dma_semaphore, #tpu.memory_space<semaphore_mem>>) src(%dma_wait3A_948 : memref<8208x128xf32, #tpu.memory_space<vmem_shared>>) dst(%dma_wait3A_942 : memref<64x128xf32, #tpu.memory_space<vmem>>)
    } else {
    }
    %add3A_557 = arith.constant 512 : i32
    %add3A_558 = arith.addi %mul3A_78, %add3A_557 : i32
    %add3A_559 = arith.constant 512 : i32
    %add3A_560 = arith.addi %mul3A_32, %add3A_559 : i32
    %add3A_561 = arith.constant 1 : i32
    %add3A_562 = arith.addi %sub3A_54, %add3A_561 : i32
    %le3A_563 = arith.cmpi sle, %add3A_560, %add3A_562 : i32
    %convert_element_type3A_564 = arith.extui %le3A_563 : i1 to i32
    %cond3A_565 = arith.constant 0 : i32
    %cond3A_566 = arith.constant 0 : i32
    %cond3A_567 = arith.cmpi ne, %convert_element_type3A_564, %cond3A_566 : i32
    scf.if %cond3A_567 {
      %dma_start3A_939 = arith.constant 0 : i32
      %dma_start3A_940 = arith.constant 0 : i32
      %dma_start3A_941 = tpu.memref_slice %arg9[%cond3A_565, %dma_start3A_939, %dma_start3A_940] : memref<4x64x128xf32, #tpu.memory_space<vmem>> -> memref<1x64x128xf32, #tpu.memory_space<vmem>>
      %dma_start3A_942 = tpu.memref_squeeze %dma_start3A_941 : memref<1x64x128xf32, #tpu.memory_space<vmem>> -> memref<64x128xf32, #tpu.memory_space<vmem>>
      %dma_start3A_943 = arith.constant 0 : i32
      %dma_start3A_944 = tpu.memref_slice %arg5[%add3A_558, %dma_start3A_943] : memref<32768x128xf32, #tpu.memory_space<hbm>> -> memref<64x128xf32, #tpu.memory_space<hbm>>
      %dma_start3A_945 = arith.constant 0 : i32
      %dma_start3A_946 = tpu.memref_slice %arg5[%add3A_558, %dma_start3A_945] : memref<32768x128xf32, #tpu.memory_space<hbm>> -> memref<64x128xf32, #tpu.memory_space<hbm>>
      %dma_start3A_947 = arith.constant 0 : i32
      %dma_start3A_948 = arith.constant 0 : i32
      %dma_start3A_949 = tpu.memref_slice %arg9[%cond3A_565, %dma_start3A_947, %dma_start3A_948] : memref<4x64x128xf32, #tpu.memory_space<vmem>> -> memref<1x64x128xf32, #tpu.memory_space<vmem>>
      %dma_start3A_950 = tpu.memref_squeeze %dma_start3A_949 : memref<1x64x128xf32, #tpu.memory_space<vmem>> -> memref<64x128xf32, #tpu.memory_space<vmem>>
      tpu.enqueue_dma source(%dma_start3A_950 : memref<64x128xf32, #tpu.memory_space<vmem>>) target(%dma_start3A_946 : memref<64x128xf32, #tpu.memory_space<hbm>>) target_semaphore(%arg14 : memref<!tpu.dma_semaphore, #tpu.memory_space<semaphore_mem>>)
    } else {
    }
    %add3A_568 = arith.constant 512 : i32
    %add3A_569 = arith.addi %mul3A_32, %add3A_568 : i32
    %add3A_570 = arith.constant 1 : i32
    %add3A_571 = arith.addi %sub3A_54, %add3A_570 : i32
    %le3A_572 = arith.cmpi sle, %add3A_569, %add3A_571 : i32
    %not3A_573 = arith.constant true
    %not3A_574 = arith.xori %le3A_572, %not3A_573 : i1
    %convert_element_type3A_575 = arith.extui %not3A_574 : i1 to i32
    %cond3A_576 = arith.constant 0 : i32
    %cond3A_577 = arith.cmpi ne, %convert_element_type3A_575, %cond3A_576 : i32
    scf.if %cond3A_577 {
      %dma_start3A_939 = arith.constant 0 : i32
      %dma_start3A_940 = tpu.memref_slice %arg5[%add3A_558, %dma_start3A_939] : memref<32768x128xf32, #tpu.memory_space<hbm>> -> memref<64x128xf32, #tpu.memory_space<hbm>>
      %dma_start3A_941 = arith.constant 0 : i32
      %dma_start3A_942 = tpu.memref_slice %arg5[%add3A_558, %dma_start3A_941] : memref<32768x128xf32, #tpu.memory_space<hbm>> -> memref<64x128xf32, #tpu.memory_space<hbm>>
      tpu.enqueue_dma source(%arg11 : memref<64x128xf32, #tpu.memory_space<vmem>>) target(%dma_start3A_942 : memref<64x128xf32, #tpu.memory_space<hbm>>) target_semaphore(%arg14 : memref<!tpu.dma_semaphore, #tpu.memory_space<semaphore_mem>>)
    } else {
    }
    %dma_wait3A_578 = arith.constant 0 : i32
    %dma_wait3A_579 = arith.constant 0 : i32
    %dma_wait3A_580 = arith.constant 0 : i32
    %dma_wait3A_581 = tpu.memref_slice %arg9[%dma_wait3A_578, %dma_wait3A_579, %dma_wait3A_580] : memref<4x64x128xf32, #tpu.memory_space<vmem>> -> memref<1x64x128xf32, #tpu.memory_space<vmem>>
    %dma_wait3A_582 = tpu.memref_squeeze %dma_wait3A_581 : memref<1x64x128xf32, #tpu.memory_space<vmem>> -> memref<64x128xf32, #tpu.memory_space<vmem>>
    %dma_wait3A_583 = arith.constant 0 : i32
    %dma_wait3A_584 = tpu.memref_slice %arg5[%add3A_558, %dma_wait3A_583] : memref<32768x128xf32, #tpu.memory_space<hbm>> -> memref<64x128xf32, #tpu.memory_space<hbm>>
    %dma_wait3A_585 = arith.constant 0 : i32
    %dma_wait3A_586 = tpu.memref_slice %arg5[%add3A_558, %dma_wait3A_585] : memref<32768x128xf32, #tpu.memory_space<hbm>> -> memref<64x128xf32, #tpu.memory_space<hbm>>
    %dma_wait3A_587 = arith.constant 0 : i32
    %dma_wait3A_588 = arith.constant 0 : i32
    %dma_wait3A_589 = tpu.memref_slice %arg9[%dma_wait3A_578, %dma_wait3A_587, %dma_wait3A_588] : memref<4x64x128xf32, #tpu.memory_space<vmem>> -> memref<1x64x128xf32, #tpu.memory_space<vmem>>
    %dma_wait3A_590 = tpu.memref_squeeze %dma_wait3A_589 : memref<1x64x128xf32, #tpu.memory_space<vmem>> -> memref<64x128xf32, #tpu.memory_space<vmem>>
    tpu.wait_dma2 semaphore(%arg14 : memref<!tpu.dma_semaphore, #tpu.memory_space<semaphore_mem>>) src(%dma_wait3A_590 : memref<64x128xf32, #tpu.memory_space<vmem>>) dst(%dma_wait3A_586 : memref<64x128xf32, #tpu.memory_space<hbm>>)
    %add3A_591 = arith.constant 768 : i32
    %add3A_592 = arith.addi %mul3A_32, %add3A_591 : i32
    %add3A_593 = arith.constant 1 : i32
    %add3A_594 = arith.addi %sub3A_54, %add3A_593 : i32
    %le3A_595 = arith.cmpi sle, %add3A_592, %add3A_594 : i32
    %convert_element_type3A_596 = arith.extui %le3A_595 : i1 to i32
    %cond3A_597 = arith.constant 12 : i32
    %cond3A_598 = arith.constant 0 : i32
    %cond3A_599 = arith.constant 0 : i32
    %cond3A_600 = arith.cmpi ne, %convert_element_type3A_596, %cond3A_599 : i32
    scf.if %cond3A_600 {
      %dma_start3A_939 = arith.constant 0 : i32
      %dma_start3A_940 = arith.constant 0 : i32
      %dma_start3A_941 = tpu.memref_slice %arg9[%cond3A_598, %dma_start3A_939, %dma_start3A_940] : memref<4x64x128xf32, #tpu.memory_space<vmem>> -> memref<1x64x128xf32, #tpu.memory_space<vmem>>
      %dma_start3A_942 = tpu.memref_squeeze %dma_start3A_941 : memref<1x64x128xf32, #tpu.memory_space<vmem>> -> memref<64x128xf32, #tpu.memory_space<vmem>>
      %dma_start3A_943 = arith.constant 0 : i32
      %dma_start3A_944 = tpu.memref_slice %arg8[%cond3A_597, %dma_start3A_943] : memref<16x64xi32, #tpu.memory_space<vmem>> -> memref<1x64xi32, #tpu.memory_space<vmem>>
      %dma_start3A_945 = tpu.memref_squeeze %dma_start3A_944 : memref<1x64xi32, #tpu.memory_space<vmem>> -> memref<64xi32, #tpu.memory_space<vmem>>
      %dma_start3A_946 = arith.constant 0 : i32
      %dma_start3A_947 = arith.constant 0 : i32
      %dma_start3A_948 = tpu.memref_slice %arg12[%dma_start3A_946, %dma_start3A_947] : memref<8208x128xf32, #tpu.memory_space<vmem_shared>> -> memref<8208x128xf32, #tpu.memory_space<vmem_shared>>
      tpu.enqueue_indirect_dma source(%dma_start3A_948 : memref<8208x128xf32, #tpu.memory_space<vmem_shared>>) target(%dma_start3A_942 : memref<64x128xf32, #tpu.memory_space<vmem>>) offsets(%dma_start3A_945 : memref<64xi32, #tpu.memory_space<vmem>>) semaphore(%arg13 : memref<!tpu.dma_semaphore, #tpu.memory_space<semaphore_mem>>)
    } else {
    }
    %add3A_601 = arith.constant 576 : i32
    %add3A_602 = arith.addi %mul3A_32, %add3A_601 : i32
    %add3A_603 = arith.constant 1 : i32
    %add3A_604 = arith.addi %sub3A_54, %add3A_603 : i32
    %le3A_605 = arith.cmpi sle, %add3A_602, %add3A_604 : i32
    %convert_element_type3A_606 = arith.extui %le3A_605 : i1 to i32
    %cond3A_607 = arith.constant 9 : i32
    %cond3A_608 = arith.constant 1 : i32
    %cond3A_609 = arith.constant 0 : i32
    %cond3A_610 = arith.cmpi ne, %convert_element_type3A_606, %cond3A_609 : i32
    scf.if %cond3A_610 {
      %dma_wait3A_939 = arith.constant 0 : i32
      %dma_wait3A_940 = arith.constant 0 : i32
      %dma_wait3A_941 = tpu.memref_slice %arg9[%cond3A_608, %dma_wait3A_939, %dma_wait3A_940] : memref<4x64x128xf32, #tpu.memory_space<vmem>> -> memref<1x64x128xf32, #tpu.memory_space<vmem>>
      %dma_wait3A_942 = tpu.memref_squeeze %dma_wait3A_941 : memref<1x64x128xf32, #tpu.memory_space<vmem>> -> memref<64x128xf32, #tpu.memory_space<vmem>>
      %dma_wait3A_943 = arith.constant 0 : i32
      %dma_wait3A_944 = tpu.memref_slice %arg8[%cond3A_607, %dma_wait3A_943] : memref<16x64xi32, #tpu.memory_space<vmem>> -> memref<1x64xi32, #tpu.memory_space<vmem>>
      %dma_wait3A_945 = tpu.memref_squeeze %dma_wait3A_944 : memref<1x64xi32, #tpu.memory_space<vmem>> -> memref<64xi32, #tpu.memory_space<vmem>>
      %dma_wait3A_946 = arith.constant 0 : i32
      %dma_wait3A_947 = arith.constant 0 : i32
      %dma_wait3A_948 = tpu.memref_slice %arg12[%dma_wait3A_946, %dma_wait3A_947] : memref<8208x128xf32, #tpu.memory_space<vmem_shared>> -> memref<8208x128xf32, #tpu.memory_space<vmem_shared>>
      tpu.wait_indirect_dma semaphore(%arg13 : memref<!tpu.dma_semaphore, #tpu.memory_space<semaphore_mem>>) src(%dma_wait3A_948 : memref<8208x128xf32, #tpu.memory_space<vmem_shared>>) dst(%dma_wait3A_942 : memref<64x128xf32, #tpu.memory_space<vmem>>)
    } else {
    }
    %add3A_611 = arith.constant 576 : i32
    %add3A_612 = arith.addi %mul3A_78, %add3A_611 : i32
    %add3A_613 = arith.constant 576 : i32
    %add3A_614 = arith.addi %mul3A_32, %add3A_613 : i32
    %add3A_615 = arith.constant 1 : i32
    %add3A_616 = arith.addi %sub3A_54, %add3A_615 : i32
    %le3A_617 = arith.cmpi sle, %add3A_614, %add3A_616 : i32
    %convert_element_type3A_618 = arith.extui %le3A_617 : i1 to i32
    %cond3A_619 = arith.constant 1 : i32
    %cond3A_620 = arith.constant 0 : i32
    %cond3A_621 = arith.cmpi ne, %convert_element_type3A_618, %cond3A_620 : i32
    scf.if %cond3A_621 {
      %dma_start3A_939 = arith.constant 0 : i32
      %dma_start3A_940 = arith.constant 0 : i32
      %dma_start3A_941 = tpu.memref_slice %arg9[%cond3A_619, %dma_start3A_939, %dma_start3A_940] : memref<4x64x128xf32, #tpu.memory_space<vmem>> -> memref<1x64x128xf32, #tpu.memory_space<vmem>>
      %dma_start3A_942 = tpu.memref_squeeze %dma_start3A_941 : memref<1x64x128xf32, #tpu.memory_space<vmem>> -> memref<64x128xf32, #tpu.memory_space<vmem>>
      %dma_start3A_943 = arith.constant 0 : i32
      %dma_start3A_944 = tpu.memref_slice %arg5[%add3A_612, %dma_start3A_943] : memref<32768x128xf32, #tpu.memory_space<hbm>> -> memref<64x128xf32, #tpu.memory_space<hbm>>
      %dma_start3A_945 = arith.constant 0 : i32
      %dma_start3A_946 = tpu.memref_slice %arg5[%add3A_612, %dma_start3A_945] : memref<32768x128xf32, #tpu.memory_space<hbm>> -> memref<64x128xf32, #tpu.memory_space<hbm>>
      %dma_start3A_947 = arith.constant 0 : i32
      %dma_start3A_948 = arith.constant 0 : i32
      %dma_start3A_949 = tpu.memref_slice %arg9[%cond3A_619, %dma_start3A_947, %dma_start3A_948] : memref<4x64x128xf32, #tpu.memory_space<vmem>> -> memref<1x64x128xf32, #tpu.memory_space<vmem>>
      %dma_start3A_950 = tpu.memref_squeeze %dma_start3A_949 : memref<1x64x128xf32, #tpu.memory_space<vmem>> -> memref<64x128xf32, #tpu.memory_space<vmem>>
      tpu.enqueue_dma source(%dma_start3A_950 : memref<64x128xf32, #tpu.memory_space<vmem>>) target(%dma_start3A_946 : memref<64x128xf32, #tpu.memory_space<hbm>>) target_semaphore(%arg14 : memref<!tpu.dma_semaphore, #tpu.memory_space<semaphore_mem>>)
    } else {
    }
    %add3A_622 = arith.constant 576 : i32
    %add3A_623 = arith.addi %mul3A_32, %add3A_622 : i32
    %add3A_624 = arith.constant 1 : i32
    %add3A_625 = arith.addi %sub3A_54, %add3A_624 : i32
    %le3A_626 = arith.cmpi sle, %add3A_623, %add3A_625 : i32
    %not3A_627 = arith.constant true
    %not3A_628 = arith.xori %le3A_626, %not3A_627 : i1
    %convert_element_type3A_629 = arith.extui %not3A_628 : i1 to i32
    %cond3A_630 = arith.constant 0 : i32
    %cond3A_631 = arith.cmpi ne, %convert_element_type3A_629, %cond3A_630 : i32
    scf.if %cond3A_631 {
      %dma_start3A_939 = arith.constant 0 : i32
      %dma_start3A_940 = tpu.memref_slice %arg5[%add3A_612, %dma_start3A_939] : memref<32768x128xf32, #tpu.memory_space<hbm>> -> memref<64x128xf32, #tpu.memory_space<hbm>>
      %dma_start3A_941 = arith.constant 0 : i32
      %dma_start3A_942 = tpu.memref_slice %arg5[%add3A_612, %dma_start3A_941] : memref<32768x128xf32, #tpu.memory_space<hbm>> -> memref<64x128xf32, #tpu.memory_space<hbm>>
      tpu.enqueue_dma source(%arg11 : memref<64x128xf32, #tpu.memory_space<vmem>>) target(%dma_start3A_942 : memref<64x128xf32, #tpu.memory_space<hbm>>) target_semaphore(%arg14 : memref<!tpu.dma_semaphore, #tpu.memory_space<semaphore_mem>>)
    } else {
    }
    %dma_wait3A_632 = arith.constant 1 : i32
    %dma_wait3A_633 = arith.constant 0 : i32
    %dma_wait3A_634 = arith.constant 0 : i32
    %dma_wait3A_635 = tpu.memref_slice %arg9[%dma_wait3A_632, %dma_wait3A_633, %dma_wait3A_634] : memref<4x64x128xf32, #tpu.memory_space<vmem>> -> memref<1x64x128xf32, #tpu.memory_space<vmem>>
    %dma_wait3A_636 = tpu.memref_squeeze %dma_wait3A_635 : memref<1x64x128xf32, #tpu.memory_space<vmem>> -> memref<64x128xf32, #tpu.memory_space<vmem>>
    %dma_wait3A_637 = arith.constant 0 : i32
    %dma_wait3A_638 = tpu.memref_slice %arg5[%add3A_612, %dma_wait3A_637] : memref<32768x128xf32, #tpu.memory_space<hbm>> -> memref<64x128xf32, #tpu.memory_space<hbm>>
    %dma_wait3A_639 = arith.constant 0 : i32
    %dma_wait3A_640 = tpu.memref_slice %arg5[%add3A_612, %dma_wait3A_639] : memref<32768x128xf32, #tpu.memory_space<hbm>> -> memref<64x128xf32, #tpu.memory_space<hbm>>
    %dma_wait3A_641 = arith.constant 0 : i32
    %dma_wait3A_642 = arith.constant 0 : i32
    %dma_wait3A_643 = tpu.memref_slice %arg9[%dma_wait3A_632, %dma_wait3A_641, %dma_wait3A_642] : memref<4x64x128xf32, #tpu.memory_space<vmem>> -> memref<1x64x128xf32, #tpu.memory_space<vmem>>
    %dma_wait3A_644 = tpu.memref_squeeze %dma_wait3A_643 : memref<1x64x128xf32, #tpu.memory_space<vmem>> -> memref<64x128xf32, #tpu.memory_space<vmem>>
    tpu.wait_dma2 semaphore(%arg14 : memref<!tpu.dma_semaphore, #tpu.memory_space<semaphore_mem>>) src(%dma_wait3A_644 : memref<64x128xf32, #tpu.memory_space<vmem>>) dst(%dma_wait3A_640 : memref<64x128xf32, #tpu.memory_space<hbm>>)
    %add3A_645 = arith.constant 832 : i32
    %add3A_646 = arith.addi %mul3A_32, %add3A_645 : i32
    %add3A_647 = arith.constant 1 : i32
    %add3A_648 = arith.addi %sub3A_54, %add3A_647 : i32
    %le3A_649 = arith.cmpi sle, %add3A_646, %add3A_648 : i32
    %convert_element_type3A_650 = arith.extui %le3A_649 : i1 to i32
    %cond3A_651 = arith.constant 13 : i32
    %cond3A_652 = arith.constant 1 : i32
    %cond3A_653 = arith.constant 0 : i32
    %cond3A_654 = arith.cmpi ne, %convert_element_type3A_650, %cond3A_653 : i32
    scf.if %cond3A_654 {
      %dma_start3A_939 = arith.constant 0 : i32
      %dma_start3A_940 = arith.constant 0 : i32
      %dma_start3A_941 = tpu.memref_slice %arg9[%cond3A_652, %dma_start3A_939, %dma_start3A_940] : memref<4x64x128xf32, #tpu.memory_space<vmem>> -> memref<1x64x128xf32, #tpu.memory_space<vmem>>
      %dma_start3A_942 = tpu.memref_squeeze %dma_start3A_941 : memref<1x64x128xf32, #tpu.memory_space<vmem>> -> memref<64x128xf32, #tpu.memory_space<vmem>>
      %dma_start3A_943 = arith.constant 0 : i32
      %dma_start3A_944 = tpu.memref_slice %arg8[%cond3A_651, %dma_start3A_943] : memref<16x64xi32, #tpu.memory_space<vmem>> -> memref<1x64xi32, #tpu.memory_space<vmem>>
      %dma_start3A_945 = tpu.memref_squeeze %dma_start3A_944 : memref<1x64xi32, #tpu.memory_space<vmem>> -> memref<64xi32, #tpu.memory_space<vmem>>
      %dma_start3A_946 = arith.constant 0 : i32
      %dma_start3A_947 = arith.constant 0 : i32
      %dma_start3A_948 = tpu.memref_slice %arg12[%dma_start3A_946, %dma_start3A_947] : memref<8208x128xf32, #tpu.memory_space<vmem_shared>> -> memref<8208x128xf32, #tpu.memory_space<vmem_shared>>
      tpu.enqueue_indirect_dma source(%dma_start3A_948 : memref<8208x128xf32, #tpu.memory_space<vmem_shared>>) target(%dma_start3A_942 : memref<64x128xf32, #tpu.memory_space<vmem>>) offsets(%dma_start3A_945 : memref<64xi32, #tpu.memory_space<vmem>>) semaphore(%arg13 : memref<!tpu.dma_semaphore, #tpu.memory_space<semaphore_mem>>)
    } else {
    }
    %add3A_655 = arith.constant 640 : i32
    %add3A_656 = arith.addi %mul3A_32, %add3A_655 : i32
    %add3A_657 = arith.constant 1 : i32
    %add3A_658 = arith.addi %sub3A_54, %add3A_657 : i32
    %le3A_659 = arith.cmpi sle, %add3A_656, %add3A_658 : i32
    %convert_element_type3A_660 = arith.extui %le3A_659 : i1 to i32
    %cond3A_661 = arith.constant 10 : i32
    %cond3A_662 = arith.constant 2 : i32
    %cond3A_663 = arith.constant 0 : i32
    %cond3A_664 = arith.cmpi ne, %convert_element_type3A_660, %cond3A_663 : i32
    scf.if %cond3A_664 {
      %dma_wait3A_939 = arith.constant 0 : i32
      %dma_wait3A_940 = arith.constant 0 : i32
      %dma_wait3A_941 = tpu.memref_slice %arg9[%cond3A_662, %dma_wait3A_939, %dma_wait3A_940] : memref<4x64x128xf32, #tpu.memory_space<vmem>> -> memref<1x64x128xf32, #tpu.memory_space<vmem>>
      %dma_wait3A_942 = tpu.memref_squeeze %dma_wait3A_941 : memref<1x64x128xf32, #tpu.memory_space<vmem>> -> memref<64x128xf32, #tpu.memory_space<vmem>>
      %dma_wait3A_943 = arith.constant 0 : i32
      %dma_wait3A_944 = tpu.memref_slice %arg8[%cond3A_661, %dma_wait3A_943] : memref<16x64xi32, #tpu.memory_space<vmem>> -> memref<1x64xi32, #tpu.memory_space<vmem>>
      %dma_wait3A_945 = tpu.memref_squeeze %dma_wait3A_944 : memref<1x64xi32, #tpu.memory_space<vmem>> -> memref<64xi32, #tpu.memory_space<vmem>>
      %dma_wait3A_946 = arith.constant 0 : i32
      %dma_wait3A_947 = arith.constant 0 : i32
      %dma_wait3A_948 = tpu.memref_slice %arg12[%dma_wait3A_946, %dma_wait3A_947] : memref<8208x128xf32, #tpu.memory_space<vmem_shared>> -> memref<8208x128xf32, #tpu.memory_space<vmem_shared>>
      tpu.wait_indirect_dma semaphore(%arg13 : memref<!tpu.dma_semaphore, #tpu.memory_space<semaphore_mem>>) src(%dma_wait3A_948 : memref<8208x128xf32, #tpu.memory_space<vmem_shared>>) dst(%dma_wait3A_942 : memref<64x128xf32, #tpu.memory_space<vmem>>)
    } else {
    }
    %add3A_665 = arith.constant 640 : i32
    %add3A_666 = arith.addi %mul3A_78, %add3A_665 : i32
    %add3A_667 = arith.constant 640 : i32
    %add3A_668 = arith.addi %mul3A_32, %add3A_667 : i32
    %add3A_669 = arith.constant 1 : i32
    %add3A_670 = arith.addi %sub3A_54, %add3A_669 : i32
    %le3A_671 = arith.cmpi sle, %add3A_668, %add3A_670 : i32
    %convert_element_type3A_672 = arith.extui %le3A_671 : i1 to i32
    %cond3A_673 = arith.constant 2 : i32
    %cond3A_674 = arith.constant 0 : i32
    %cond3A_675 = arith.cmpi ne, %convert_element_type3A_672, %cond3A_674 : i32
    scf.if %cond3A_675 {
      %dma_start3A_939 = arith.constant 0 : i32
      %dma_start3A_940 = arith.constant 0 : i32
      %dma_start3A_941 = tpu.memref_slice %arg9[%cond3A_673, %dma_start3A_939, %dma_start3A_940] : memref<4x64x128xf32, #tpu.memory_space<vmem>> -> memref<1x64x128xf32, #tpu.memory_space<vmem>>
      %dma_start3A_942 = tpu.memref_squeeze %dma_start3A_941 : memref<1x64x128xf32, #tpu.memory_space<vmem>> -> memref<64x128xf32, #tpu.memory_space<vmem>>
      %dma_start3A_943 = arith.constant 0 : i32
      %dma_start3A_944 = tpu.memref_slice %arg5[%add3A_666, %dma_start3A_943] : memref<32768x128xf32, #tpu.memory_space<hbm>> -> memref<64x128xf32, #tpu.memory_space<hbm>>
      %dma_start3A_945 = arith.constant 0 : i32
      %dma_start3A_946 = tpu.memref_slice %arg5[%add3A_666, %dma_start3A_945] : memref<32768x128xf32, #tpu.memory_space<hbm>> -> memref<64x128xf32, #tpu.memory_space<hbm>>
      %dma_start3A_947 = arith.constant 0 : i32
      %dma_start3A_948 = arith.constant 0 : i32
      %dma_start3A_949 = tpu.memref_slice %arg9[%cond3A_673, %dma_start3A_947, %dma_start3A_948] : memref<4x64x128xf32, #tpu.memory_space<vmem>> -> memref<1x64x128xf32, #tpu.memory_space<vmem>>
      %dma_start3A_950 = tpu.memref_squeeze %dma_start3A_949 : memref<1x64x128xf32, #tpu.memory_space<vmem>> -> memref<64x128xf32, #tpu.memory_space<vmem>>
      tpu.enqueue_dma source(%dma_start3A_950 : memref<64x128xf32, #tpu.memory_space<vmem>>) target(%dma_start3A_946 : memref<64x128xf32, #tpu.memory_space<hbm>>) target_semaphore(%arg14 : memref<!tpu.dma_semaphore, #tpu.memory_space<semaphore_mem>>)
    } else {
    }
    %add3A_676 = arith.constant 640 : i32
    %add3A_677 = arith.addi %mul3A_32, %add3A_676 : i32
    %add3A_678 = arith.constant 1 : i32
    %add3A_679 = arith.addi %sub3A_54, %add3A_678 : i32
    %le3A_680 = arith.cmpi sle, %add3A_677, %add3A_679 : i32
    %not3A_681 = arith.constant true
    %not3A_682 = arith.xori %le3A_680, %not3A_681 : i1
    %convert_element_type3A_683 = arith.extui %not3A_682 : i1 to i32
    %cond3A_684 = arith.constant 0 : i32
    %cond3A_685 = arith.cmpi ne, %convert_element_type3A_683, %cond3A_684 : i32
    scf.if %cond3A_685 {
      %dma_start3A_939 = arith.constant 0 : i32
      %dma_start3A_940 = tpu.memref_slice %arg5[%add3A_666, %dma_start3A_939] : memref<32768x128xf32, #tpu.memory_space<hbm>> -> memref<64x128xf32, #tpu.memory_space<hbm>>
      %dma_start3A_941 = arith.constant 0 : i32
      %dma_start3A_942 = tpu.memref_slice %arg5[%add3A_666, %dma_start3A_941] : memref<32768x128xf32, #tpu.memory_space<hbm>> -> memref<64x128xf32, #tpu.memory_space<hbm>>
      tpu.enqueue_dma source(%arg11 : memref<64x128xf32, #tpu.memory_space<vmem>>) target(%dma_start3A_942 : memref<64x128xf32, #tpu.memory_space<hbm>>) target_semaphore(%arg14 : memref<!tpu.dma_semaphore, #tpu.memory_space<semaphore_mem>>)
    } else {
    }
    %dma_wait3A_686 = arith.constant 2 : i32
    %dma_wait3A_687 = arith.constant 0 : i32
    %dma_wait3A_688 = arith.constant 0 : i32
    %dma_wait3A_689 = tpu.memref_slice %arg9[%dma_wait3A_686, %dma_wait3A_687, %dma_wait3A_688] : memref<4x64x128xf32, #tpu.memory_space<vmem>> -> memref<1x64x128xf32, #tpu.memory_space<vmem>>
    %dma_wait3A_690 = tpu.memref_squeeze %dma_wait3A_689 : memref<1x64x128xf32, #tpu.memory_space<vmem>> -> memref<64x128xf32, #tpu.memory_space<vmem>>
    %dma_wait3A_691 = arith.constant 0 : i32
    %dma_wait3A_692 = tpu.memref_slice %arg5[%add3A_666, %dma_wait3A_691] : memref<32768x128xf32, #tpu.memory_space<hbm>> -> memref<64x128xf32, #tpu.memory_space<hbm>>
    %dma_wait3A_693 = arith.constant 0 : i32
    %dma_wait3A_694 = tpu.memref_slice %arg5[%add3A_666, %dma_wait3A_693] : memref<32768x128xf32, #tpu.memory_space<hbm>> -> memref<64x128xf32, #tpu.memory_space<hbm>>
    %dma_wait3A_695 = arith.constant 0 : i32
    %dma_wait3A_696 = arith.constant 0 : i32
    %dma_wait3A_697 = tpu.memref_slice %arg9[%dma_wait3A_686, %dma_wait3A_695, %dma_wait3A_696] : memref<4x64x128xf32, #tpu.memory_space<vmem>> -> memref<1x64x128xf32, #tpu.memory_space<vmem>>
    %dma_wait3A_698 = tpu.memref_squeeze %dma_wait3A_697 : memref<1x64x128xf32, #tpu.memory_space<vmem>> -> memref<64x128xf32, #tpu.memory_space<vmem>>
    tpu.wait_dma2 semaphore(%arg14 : memref<!tpu.dma_semaphore, #tpu.memory_space<semaphore_mem>>) src(%dma_wait3A_698 : memref<64x128xf32, #tpu.memory_space<vmem>>) dst(%dma_wait3A_694 : memref<64x128xf32, #tpu.memory_space<hbm>>)
    %add3A_699 = arith.constant 896 : i32
    %add3A_700 = arith.addi %mul3A_32, %add3A_699 : i32
    %add3A_701 = arith.constant 1 : i32
    %add3A_702 = arith.addi %sub3A_54, %add3A_701 : i32
    %le3A_703 = arith.cmpi sle, %add3A_700, %add3A_702 : i32
    %convert_element_type3A_704 = arith.extui %le3A_703 : i1 to i32
    %cond3A_705 = arith.constant 14 : i32
    %cond3A_706 = arith.constant 2 : i32
    %cond3A_707 = arith.constant 0 : i32
    %cond3A_708 = arith.cmpi ne, %convert_element_type3A_704, %cond3A_707 : i32
    scf.if %cond3A_708 {
      %dma_start3A_939 = arith.constant 0 : i32
      %dma_start3A_940 = arith.constant 0 : i32
      %dma_start3A_941 = tpu.memref_slice %arg9[%cond3A_706, %dma_start3A_939, %dma_start3A_940] : memref<4x64x128xf32, #tpu.memory_space<vmem>> -> memref<1x64x128xf32, #tpu.memory_space<vmem>>
      %dma_start3A_942 = tpu.memref_squeeze %dma_start3A_941 : memref<1x64x128xf32, #tpu.memory_space<vmem>> -> memref<64x128xf32, #tpu.memory_space<vmem>>
      %dma_start3A_943 = arith.constant 0 : i32
      %dma_start3A_944 = tpu.memref_slice %arg8[%cond3A_705, %dma_start3A_943] : memref<16x64xi32, #tpu.memory_space<vmem>> -> memref<1x64xi32, #tpu.memory_space<vmem>>
      %dma_start3A_945 = tpu.memref_squeeze %dma_start3A_944 : memref<1x64xi32, #tpu.memory_space<vmem>> -> memref<64xi32, #tpu.memory_space<vmem>>
      %dma_start3A_946 = arith.constant 0 : i32
      %dma_start3A_947 = arith.constant 0 : i32
      %dma_start3A_948 = tpu.memref_slice %arg12[%dma_start3A_946, %dma_start3A_947] : memref<8208x128xf32, #tpu.memory_space<vmem_shared>> -> memref<8208x128xf32, #tpu.memory_space<vmem_shared>>
      tpu.enqueue_indirect_dma source(%dma_start3A_948 : memref<8208x128xf32, #tpu.memory_space<vmem_shared>>) target(%dma_start3A_942 : memref<64x128xf32, #tpu.memory_space<vmem>>) offsets(%dma_start3A_945 : memref<64xi32, #tpu.memory_space<vmem>>) semaphore(%arg13 : memref<!tpu.dma_semaphore, #tpu.memory_space<semaphore_mem>>)
    } else {
    }
    %add3A_709 = arith.constant 704 : i32
    %add3A_710 = arith.addi %mul3A_32, %add3A_709 : i32
    %add3A_711 = arith.constant 1 : i32
    %add3A_712 = arith.addi %sub3A_54, %add3A_711 : i32
    %le3A_713 = arith.cmpi sle, %add3A_710, %add3A_712 : i32
    %convert_element_type3A_714 = arith.extui %le3A_713 : i1 to i32
    %cond3A_715 = arith.constant 11 : i32
    %cond3A_716 = arith.constant 3 : i32
    %cond3A_717 = arith.constant 0 : i32
    %cond3A_718 = arith.cmpi ne, %convert_element_type3A_714, %cond3A_717 : i32
    scf.if %cond3A_718 {
      %dma_wait3A_939 = arith.constant 0 : i32
      %dma_wait3A_940 = arith.constant 0 : i32
      %dma_wait3A_941 = tpu.memref_slice %arg9[%cond3A_716, %dma_wait3A_939, %dma_wait3A_940] : memref<4x64x128xf32, #tpu.memory_space<vmem>> -> memref<1x64x128xf32, #tpu.memory_space<vmem>>
      %dma_wait3A_942 = tpu.memref_squeeze %dma_wait3A_941 : memref<1x64x128xf32, #tpu.memory_space<vmem>> -> memref<64x128xf32, #tpu.memory_space<vmem>>
      %dma_wait3A_943 = arith.constant 0 : i32
      %dma_wait3A_944 = tpu.memref_slice %arg8[%cond3A_715, %dma_wait3A_943] : memref<16x64xi32, #tpu.memory_space<vmem>> -> memref<1x64xi32, #tpu.memory_space<vmem>>
      %dma_wait3A_945 = tpu.memref_squeeze %dma_wait3A_944 : memref<1x64xi32, #tpu.memory_space<vmem>> -> memref<64xi32, #tpu.memory_space<vmem>>
      %dma_wait3A_946 = arith.constant 0 : i32
      %dma_wait3A_947 = arith.constant 0 : i32
      %dma_wait3A_948 = tpu.memref_slice %arg12[%dma_wait3A_946, %dma_wait3A_947] : memref<8208x128xf32, #tpu.memory_space<vmem_shared>> -> memref<8208x128xf32, #tpu.memory_space<vmem_shared>>
      tpu.wait_indirect_dma semaphore(%arg13 : memref<!tpu.dma_semaphore, #tpu.memory_space<semaphore_mem>>) src(%dma_wait3A_948 : memref<8208x128xf32, #tpu.memory_space<vmem_shared>>) dst(%dma_wait3A_942 : memref<64x128xf32, #tpu.memory_space<vmem>>)
    } else {
    }
    %add3A_719 = arith.constant 704 : i32
    %add3A_720 = arith.addi %mul3A_78, %add3A_719 : i32
    %add3A_721 = arith.constant 704 : i32
    %add3A_722 = arith.addi %mul3A_32, %add3A_721 : i32
    %add3A_723 = arith.constant 1 : i32
    %add3A_724 = arith.addi %sub3A_54, %add3A_723 : i32
    %le3A_725 = arith.cmpi sle, %add3A_722, %add3A_724 : i32
    %convert_element_type3A_726 = arith.extui %le3A_725 : i1 to i32
    %cond3A_727 = arith.constant 3 : i32
    %cond3A_728 = arith.constant 0 : i32
    %cond3A_729 = arith.cmpi ne, %convert_element_type3A_726, %cond3A_728 : i32
    scf.if %cond3A_729 {
      %dma_start3A_939 = arith.constant 0 : i32
      %dma_start3A_940 = arith.constant 0 : i32
      %dma_start3A_941 = tpu.memref_slice %arg9[%cond3A_727, %dma_start3A_939, %dma_start3A_940] : memref<4x64x128xf32, #tpu.memory_space<vmem>> -> memref<1x64x128xf32, #tpu.memory_space<vmem>>
      %dma_start3A_942 = tpu.memref_squeeze %dma_start3A_941 : memref<1x64x128xf32, #tpu.memory_space<vmem>> -> memref<64x128xf32, #tpu.memory_space<vmem>>
      %dma_start3A_943 = arith.constant 0 : i32
      %dma_start3A_944 = tpu.memref_slice %arg5[%add3A_720, %dma_start3A_943] : memref<32768x128xf32, #tpu.memory_space<hbm>> -> memref<64x128xf32, #tpu.memory_space<hbm>>
      %dma_start3A_945 = arith.constant 0 : i32
      %dma_start3A_946 = tpu.memref_slice %arg5[%add3A_720, %dma_start3A_945] : memref<32768x128xf32, #tpu.memory_space<hbm>> -> memref<64x128xf32, #tpu.memory_space<hbm>>
      %dma_start3A_947 = arith.constant 0 : i32
      %dma_start3A_948 = arith.constant 0 : i32
      %dma_start3A_949 = tpu.memref_slice %arg9[%cond3A_727, %dma_start3A_947, %dma_start3A_948] : memref<4x64x128xf32, #tpu.memory_space<vmem>> -> memref<1x64x128xf32, #tpu.memory_space<vmem>>
      %dma_start3A_950 = tpu.memref_squeeze %dma_start3A_949 : memref<1x64x128xf32, #tpu.memory_space<vmem>> -> memref<64x128xf32, #tpu.memory_space<vmem>>
      tpu.enqueue_dma source(%dma_start3A_950 : memref<64x128xf32, #tpu.memory_space<vmem>>) target(%dma_start3A_946 : memref<64x128xf32, #tpu.memory_space<hbm>>) target_semaphore(%arg14 : memref<!tpu.dma_semaphore, #tpu.memory_space<semaphore_mem>>)
    } else {
    }
    %add3A_730 = arith.constant 704 : i32
    %add3A_731 = arith.addi %mul3A_32, %add3A_730 : i32
    %add3A_732 = arith.constant 1 : i32
    %add3A_733 = arith.addi %sub3A_54, %add3A_732 : i32
    %le3A_734 = arith.cmpi sle, %add3A_731, %add3A_733 : i32
    %not3A_735 = arith.constant true
    %not3A_736 = arith.xori %le3A_734, %not3A_735 : i1
    %convert_element_type3A_737 = arith.extui %not3A_736 : i1 to i32
    %cond3A_738 = arith.constant 0 : i32
    %cond3A_739 = arith.cmpi ne, %convert_element_type3A_737, %cond3A_738 : i32
    scf.if %cond3A_739 {
      %dma_start3A_939 = arith.constant 0 : i32
      %dma_start3A_940 = tpu.memref_slice %arg5[%add3A_720, %dma_start3A_939] : memref<32768x128xf32, #tpu.memory_space<hbm>> -> memref<64x128xf32, #tpu.memory_space<hbm>>
      %dma_start3A_941 = arith.constant 0 : i32
      %dma_start3A_942 = tpu.memref_slice %arg5[%add3A_720, %dma_start3A_941] : memref<32768x128xf32, #tpu.memory_space<hbm>> -> memref<64x128xf32, #tpu.memory_space<hbm>>
      tpu.enqueue_dma source(%arg11 : memref<64x128xf32, #tpu.memory_space<vmem>>) target(%dma_start3A_942 : memref<64x128xf32, #tpu.memory_space<hbm>>) target_semaphore(%arg14 : memref<!tpu.dma_semaphore, #tpu.memory_space<semaphore_mem>>)
    } else {
    }
    %dma_wait3A_740 = arith.constant 3 : i32
    %dma_wait3A_741 = arith.constant 0 : i32
    %dma_wait3A_742 = arith.constant 0 : i32
    %dma_wait3A_743 = tpu.memref_slice %arg9[%dma_wait3A_740, %dma_wait3A_741, %dma_wait3A_742] : memref<4x64x128xf32, #tpu.memory_space<vmem>> -> memref<1x64x128xf32, #tpu.memory_space<vmem>>
    %dma_wait3A_744 = tpu.memref_squeeze %dma_wait3A_743 : memref<1x64x128xf32, #tpu.memory_space<vmem>> -> memref<64x128xf32, #tpu.memory_space<vmem>>
    %dma_wait3A_745 = arith.constant 0 : i32
    %dma_wait3A_746 = tpu.memref_slice %arg5[%add3A_720, %dma_wait3A_745] : memref<32768x128xf32, #tpu.memory_space<hbm>> -> memref<64x128xf32, #tpu.memory_space<hbm>>
    %dma_wait3A_747 = arith.constant 0 : i32
    %dma_wait3A_748 = tpu.memref_slice %arg5[%add3A_720, %dma_wait3A_747] : memref<32768x128xf32, #tpu.memory_space<hbm>> -> memref<64x128xf32, #tpu.memory_space<hbm>>
    %dma_wait3A_749 = arith.constant 0 : i32
    %dma_wait3A_750 = arith.constant 0 : i32
    %dma_wait3A_751 = tpu.memref_slice %arg9[%dma_wait3A_740, %dma_wait3A_749, %dma_wait3A_750] : memref<4x64x128xf32, #tpu.memory_space<vmem>> -> memref<1x64x128xf32, #tpu.memory_space<vmem>>
    %dma_wait3A_752 = tpu.memref_squeeze %dma_wait3A_751 : memref<1x64x128xf32, #tpu.memory_space<vmem>> -> memref<64x128xf32, #tpu.memory_space<vmem>>
    tpu.wait_dma2 semaphore(%arg14 : memref<!tpu.dma_semaphore, #tpu.memory_space<semaphore_mem>>) src(%dma_wait3A_752 : memref<64x128xf32, #tpu.memory_space<vmem>>) dst(%dma_wait3A_748 : memref<64x128xf32, #tpu.memory_space<hbm>>)
    %add3A_753 = arith.constant 960 : i32
    %add3A_754 = arith.addi %mul3A_32, %add3A_753 : i32
    %add3A_755 = arith.constant 1 : i32
    %add3A_756 = arith.addi %sub3A_54, %add3A_755 : i32
    %le3A_757 = arith.cmpi sle, %add3A_754, %add3A_756 : i32
    %convert_element_type3A_758 = arith.extui %le3A_757 : i1 to i32
    %cond3A_759 = arith.constant 15 : i32
    %cond3A_760 = arith.constant 3 : i32
    %cond3A_761 = arith.constant 0 : i32
    %cond3A_762 = arith.cmpi ne, %convert_element_type3A_758, %cond3A_761 : i32
    scf.if %cond3A_762 {
      %dma_start3A_939 = arith.constant 0 : i32
      %dma_start3A_940 = arith.constant 0 : i32
      %dma_start3A_941 = tpu.memref_slice %arg9[%cond3A_760, %dma_start3A_939, %dma_start3A_940] : memref<4x64x128xf32, #tpu.memory_space<vmem>> -> memref<1x64x128xf32, #tpu.memory_space<vmem>>
      %dma_start3A_942 = tpu.memref_squeeze %dma_start3A_941 : memref<1x64x128xf32, #tpu.memory_space<vmem>> -> memref<64x128xf32, #tpu.memory_space<vmem>>
      %dma_start3A_943 = arith.constant 0 : i32
      %dma_start3A_944 = tpu.memref_slice %arg8[%cond3A_759, %dma_start3A_943] : memref<16x64xi32, #tpu.memory_space<vmem>> -> memref<1x64xi32, #tpu.memory_space<vmem>>
      %dma_start3A_945 = tpu.memref_squeeze %dma_start3A_944 : memref<1x64xi32, #tpu.memory_space<vmem>> -> memref<64xi32, #tpu.memory_space<vmem>>
      %dma_start3A_946 = arith.constant 0 : i32
      %dma_start3A_947 = arith.constant 0 : i32
      %dma_start3A_948 = tpu.memref_slice %arg12[%dma_start3A_946, %dma_start3A_947] : memref<8208x128xf32, #tpu.memory_space<vmem_shared>> -> memref<8208x128xf32, #tpu.memory_space<vmem_shared>>
      tpu.enqueue_indirect_dma source(%dma_start3A_948 : memref<8208x128xf32, #tpu.memory_space<vmem_shared>>) target(%dma_start3A_942 : memref<64x128xf32, #tpu.memory_space<vmem>>) offsets(%dma_start3A_945 : memref<64xi32, #tpu.memory_space<vmem>>) semaphore(%arg13 : memref<!tpu.dma_semaphore, #tpu.memory_space<semaphore_mem>>)
    } else {
    }
    %add3A_763 = arith.constant 768 : i32
    %add3A_764 = arith.addi %mul3A_32, %add3A_763 : i32
    %add3A_765 = arith.constant 1 : i32
    %add3A_766 = arith.addi %sub3A_54, %add3A_765 : i32
    %le3A_767 = arith.cmpi sle, %add3A_764, %add3A_766 : i32
    %convert_element_type3A_768 = arith.extui %le3A_767 : i1 to i32
    %cond3A_769 = arith.constant 12 : i32
    %cond3A_770 = arith.constant 0 : i32
    %cond3A_771 = arith.constant 0 : i32
    %cond3A_772 = arith.cmpi ne, %convert_element_type3A_768, %cond3A_771 : i32
    scf.if %cond3A_772 {
      %dma_wait3A_939 = arith.constant 0 : i32
      %dma_wait3A_940 = arith.constant 0 : i32
      %dma_wait3A_941 = tpu.memref_slice %arg9[%cond3A_770, %dma_wait3A_939, %dma_wait3A_940] : memref<4x64x128xf32, #tpu.memory_space<vmem>> -> memref<1x64x128xf32, #tpu.memory_space<vmem>>
      %dma_wait3A_942 = tpu.memref_squeeze %dma_wait3A_941 : memref<1x64x128xf32, #tpu.memory_space<vmem>> -> memref<64x128xf32, #tpu.memory_space<vmem>>
      %dma_wait3A_943 = arith.constant 0 : i32
      %dma_wait3A_944 = tpu.memref_slice %arg8[%cond3A_769, %dma_wait3A_943] : memref<16x64xi32, #tpu.memory_space<vmem>> -> memref<1x64xi32, #tpu.memory_space<vmem>>
      %dma_wait3A_945 = tpu.memref_squeeze %dma_wait3A_944 : memref<1x64xi32, #tpu.memory_space<vmem>> -> memref<64xi32, #tpu.memory_space<vmem>>
      %dma_wait3A_946 = arith.constant 0 : i32
      %dma_wait3A_947 = arith.constant 0 : i32
      %dma_wait3A_948 = tpu.memref_slice %arg12[%dma_wait3A_946, %dma_wait3A_947] : memref<8208x128xf32, #tpu.memory_space<vmem_shared>> -> memref<8208x128xf32, #tpu.memory_space<vmem_shared>>
      tpu.wait_indirect_dma semaphore(%arg13 : memref<!tpu.dma_semaphore, #tpu.memory_space<semaphore_mem>>) src(%dma_wait3A_948 : memref<8208x128xf32, #tpu.memory_space<vmem_shared>>) dst(%dma_wait3A_942 : memref<64x128xf32, #tpu.memory_space<vmem>>)
    } else {
    }
    %add3A_773 = arith.constant 768 : i32
    %add3A_774 = arith.addi %mul3A_78, %add3A_773 : i32
    %add3A_775 = arith.constant 768 : i32
    %add3A_776 = arith.addi %mul3A_32, %add3A_775 : i32
    %add3A_777 = arith.constant 1 : i32
    %add3A_778 = arith.addi %sub3A_54, %add3A_777 : i32
    %le3A_779 = arith.cmpi sle, %add3A_776, %add3A_778 : i32
    %convert_element_type3A_780 = arith.extui %le3A_779 : i1 to i32
    %cond3A_781 = arith.constant 0 : i32
    %cond3A_782 = arith.constant 0 : i32
    %cond3A_783 = arith.cmpi ne, %convert_element_type3A_780, %cond3A_782 : i32
    scf.if %cond3A_783 {
      %dma_start3A_939 = arith.constant 0 : i32
      %dma_start3A_940 = arith.constant 0 : i32
      %dma_start3A_941 = tpu.memref_slice %arg9[%cond3A_781, %dma_start3A_939, %dma_start3A_940] : memref<4x64x128xf32, #tpu.memory_space<vmem>> -> memref<1x64x128xf32, #tpu.memory_space<vmem>>
      %dma_start3A_942 = tpu.memref_squeeze %dma_start3A_941 : memref<1x64x128xf32, #tpu.memory_space<vmem>> -> memref<64x128xf32, #tpu.memory_space<vmem>>
      %dma_start3A_943 = arith.constant 0 : i32
      %dma_start3A_944 = tpu.memref_slice %arg5[%add3A_774, %dma_start3A_943] : memref<32768x128xf32, #tpu.memory_space<hbm>> -> memref<64x128xf32, #tpu.memory_space<hbm>>
      %dma_start3A_945 = arith.constant 0 : i32
      %dma_start3A_946 = tpu.memref_slice %arg5[%add3A_774, %dma_start3A_945] : memref<32768x128xf32, #tpu.memory_space<hbm>> -> memref<64x128xf32, #tpu.memory_space<hbm>>
      %dma_start3A_947 = arith.constant 0 : i32
      %dma_start3A_948 = arith.constant 0 : i32
      %dma_start3A_949 = tpu.memref_slice %arg9[%cond3A_781, %dma_start3A_947, %dma_start3A_948] : memref<4x64x128xf32, #tpu.memory_space<vmem>> -> memref<1x64x128xf32, #tpu.memory_space<vmem>>
      %dma_start3A_950 = tpu.memref_squeeze %dma_start3A_949 : memref<1x64x128xf32, #tpu.memory_space<vmem>> -> memref<64x128xf32, #tpu.memory_space<vmem>>
      tpu.enqueue_dma source(%dma_start3A_950 : memref<64x128xf32, #tpu.memory_space<vmem>>) target(%dma_start3A_946 : memref<64x128xf32, #tpu.memory_space<hbm>>) target_semaphore(%arg14 : memref<!tpu.dma_semaphore, #tpu.memory_space<semaphore_mem>>)
    } else {
    }
    %add3A_784 = arith.constant 768 : i32
    %add3A_785 = arith.addi %mul3A_32, %add3A_784 : i32
    %add3A_786 = arith.constant 1 : i32
    %add3A_787 = arith.addi %sub3A_54, %add3A_786 : i32
    %le3A_788 = arith.cmpi sle, %add3A_785, %add3A_787 : i32
    %not3A_789 = arith.constant true
    %not3A_790 = arith.xori %le3A_788, %not3A_789 : i1
    %convert_element_type3A_791 = arith.extui %not3A_790 : i1 to i32
    %cond3A_792 = arith.constant 0 : i32
    %cond3A_793 = arith.cmpi ne, %convert_element_type3A_791, %cond3A_792 : i32
    scf.if %cond3A_793 {
      %dma_start3A_939 = arith.constant 0 : i32
      %dma_start3A_940 = tpu.memref_slice %arg5[%add3A_774, %dma_start3A_939] : memref<32768x128xf32, #tpu.memory_space<hbm>> -> memref<64x128xf32, #tpu.memory_space<hbm>>
      %dma_start3A_941 = arith.constant 0 : i32
      %dma_start3A_942 = tpu.memref_slice %arg5[%add3A_774, %dma_start3A_941] : memref<32768x128xf32, #tpu.memory_space<hbm>> -> memref<64x128xf32, #tpu.memory_space<hbm>>
      tpu.enqueue_dma source(%arg11 : memref<64x128xf32, #tpu.memory_space<vmem>>) target(%dma_start3A_942 : memref<64x128xf32, #tpu.memory_space<hbm>>) target_semaphore(%arg14 : memref<!tpu.dma_semaphore, #tpu.memory_space<semaphore_mem>>)
    } else {
    }
    %add3A_794 = arith.constant 832 : i32
    %add3A_795 = arith.addi %mul3A_32, %add3A_794 : i32
    %add3A_796 = arith.constant 1 : i32
    %add3A_797 = arith.addi %sub3A_54, %add3A_796 : i32
    %le3A_798 = arith.cmpi sle, %add3A_795, %add3A_797 : i32
    %convert_element_type3A_799 = arith.extui %le3A_798 : i1 to i32
    %cond3A_800 = arith.constant 13 : i32
    %cond3A_801 = arith.constant 1 : i32
    %cond3A_802 = arith.constant 0 : i32
    %cond3A_803 = arith.cmpi ne, %convert_element_type3A_799, %cond3A_802 : i32
    scf.if %cond3A_803 {
      %dma_wait3A_939 = arith.constant 0 : i32
      %dma_wait3A_940 = arith.constant 0 : i32
      %dma_wait3A_941 = tpu.memref_slice %arg9[%cond3A_801, %dma_wait3A_939, %dma_wait3A_940] : memref<4x64x128xf32, #tpu.memory_space<vmem>> -> memref<1x64x128xf32, #tpu.memory_space<vmem>>
      %dma_wait3A_942 = tpu.memref_squeeze %dma_wait3A_941 : memref<1x64x128xf32, #tpu.memory_space<vmem>> -> memref<64x128xf32, #tpu.memory_space<vmem>>
      %dma_wait3A_943 = arith.constant 0 : i32
      %dma_wait3A_944 = tpu.memref_slice %arg8[%cond3A_800, %dma_wait3A_943] : memref<16x64xi32, #tpu.memory_space<vmem>> -> memref<1x64xi32, #tpu.memory_space<vmem>>
      %dma_wait3A_945 = tpu.memref_squeeze %dma_wait3A_944 : memref<1x64xi32, #tpu.memory_space<vmem>> -> memref<64xi32, #tpu.memory_space<vmem>>
      %dma_wait3A_946 = arith.constant 0 : i32
      %dma_wait3A_947 = arith.constant 0 : i32
      %dma_wait3A_948 = tpu.memref_slice %arg12[%dma_wait3A_946, %dma_wait3A_947] : memref<8208x128xf32, #tpu.memory_space<vmem_shared>> -> memref<8208x128xf32, #tpu.memory_space<vmem_shared>>
      tpu.wait_indirect_dma semaphore(%arg13 : memref<!tpu.dma_semaphore, #tpu.memory_space<semaphore_mem>>) src(%dma_wait3A_948 : memref<8208x128xf32, #tpu.memory_space<vmem_shared>>) dst(%dma_wait3A_942 : memref<64x128xf32, #tpu.memory_space<vmem>>)
    } else {
    }
    %add3A_804 = arith.constant 832 : i32
    %add3A_805 = arith.addi %mul3A_78, %add3A_804 : i32
    %add3A_806 = arith.constant 832 : i32
    %add3A_807 = arith.addi %mul3A_32, %add3A_806 : i32
    %add3A_808 = arith.constant 1 : i32
    %add3A_809 = arith.addi %sub3A_54, %add3A_808 : i32
    %le3A_810 = arith.cmpi sle, %add3A_807, %add3A_809 : i32
    %convert_element_type3A_811 = arith.extui %le3A_810 : i1 to i32
    %cond3A_812 = arith.constant 1 : i32
    %cond3A_813 = arith.constant 0 : i32
    %cond3A_814 = arith.cmpi ne, %convert_element_type3A_811, %cond3A_813 : i32
    scf.if %cond3A_814 {
      %dma_start3A_939 = arith.constant 0 : i32
      %dma_start3A_940 = arith.constant 0 : i32
      %dma_start3A_941 = tpu.memref_slice %arg9[%cond3A_812, %dma_start3A_939, %dma_start3A_940] : memref<4x64x128xf32, #tpu.memory_space<vmem>> -> memref<1x64x128xf32, #tpu.memory_space<vmem>>
      %dma_start3A_942 = tpu.memref_squeeze %dma_start3A_941 : memref<1x64x128xf32, #tpu.memory_space<vmem>> -> memref<64x128xf32, #tpu.memory_space<vmem>>
      %dma_start3A_943 = arith.constant 0 : i32
      %dma_start3A_944 = tpu.memref_slice %arg5[%add3A_805, %dma_start3A_943] : memref<32768x128xf32, #tpu.memory_space<hbm>> -> memref<64x128xf32, #tpu.memory_space<hbm>>
      %dma_start3A_945 = arith.constant 0 : i32
      %dma_start3A_946 = tpu.memref_slice %arg5[%add3A_805, %dma_start3A_945] : memref<32768x128xf32, #tpu.memory_space<hbm>> -> memref<64x128xf32, #tpu.memory_space<hbm>>
      %dma_start3A_947 = arith.constant 0 : i32
      %dma_start3A_948 = arith.constant 0 : i32
      %dma_start3A_949 = tpu.memref_slice %arg9[%cond3A_812, %dma_start3A_947, %dma_start3A_948] : memref<4x64x128xf32, #tpu.memory_space<vmem>> -> memref<1x64x128xf32, #tpu.memory_space<vmem>>
      %dma_start3A_950 = tpu.memref_squeeze %dma_start3A_949 : memref<1x64x128xf32, #tpu.memory_space<vmem>> -> memref<64x128xf32, #tpu.memory_space<vmem>>
      tpu.enqueue_dma source(%dma_start3A_950 : memref<64x128xf32, #tpu.memory_space<vmem>>) target(%dma_start3A_946 : memref<64x128xf32, #tpu.memory_space<hbm>>) target_semaphore(%arg14 : memref<!tpu.dma_semaphore, #tpu.memory_space<semaphore_mem>>)
    } else {
    }
    %add3A_815 = arith.constant 832 : i32
    %add3A_816 = arith.addi %mul3A_32, %add3A_815 : i32
    %add3A_817 = arith.constant 1 : i32
    %add3A_818 = arith.addi %sub3A_54, %add3A_817 : i32
    %le3A_819 = arith.cmpi sle, %add3A_816, %add3A_818 : i32
    %not3A_820 = arith.constant true
    %not3A_821 = arith.xori %le3A_819, %not3A_820 : i1
    %convert_element_type3A_822 = arith.extui %not3A_821 : i1 to i32
    %cond3A_823 = arith.constant 0 : i32
    %cond3A_824 = arith.cmpi ne, %convert_element_type3A_822, %cond3A_823 : i32
    scf.if %cond3A_824 {
      %dma_start3A_939 = arith.constant 0 : i32
      %dma_start3A_940 = tpu.memref_slice %arg5[%add3A_805, %dma_start3A_939] : memref<32768x128xf32, #tpu.memory_space<hbm>> -> memref<64x128xf32, #tpu.memory_space<hbm>>
      %dma_start3A_941 = arith.constant 0 : i32
      %dma_start3A_942 = tpu.memref_slice %arg5[%add3A_805, %dma_start3A_941] : memref<32768x128xf32, #tpu.memory_space<hbm>> -> memref<64x128xf32, #tpu.memory_space<hbm>>
      tpu.enqueue_dma source(%arg11 : memref<64x128xf32, #tpu.memory_space<vmem>>) target(%dma_start3A_942 : memref<64x128xf32, #tpu.memory_space<hbm>>) target_semaphore(%arg14 : memref<!tpu.dma_semaphore, #tpu.memory_space<semaphore_mem>>)
    } else {
    }
    %add3A_825 = arith.constant 896 : i32
    %add3A_826 = arith.addi %mul3A_32, %add3A_825 : i32
    %add3A_827 = arith.constant 1 : i32
    %add3A_828 = arith.addi %sub3A_54, %add3A_827 : i32
    %le3A_829 = arith.cmpi sle, %add3A_826, %add3A_828 : i32
    %convert_element_type3A_830 = arith.extui %le3A_829 : i1 to i32
    %cond3A_831 = arith.constant 14 : i32
    %cond3A_832 = arith.constant 2 : i32
    %cond3A_833 = arith.constant 0 : i32
    %cond3A_834 = arith.cmpi ne, %convert_element_type3A_830, %cond3A_833 : i32
    scf.if %cond3A_834 {
      %dma_wait3A_939 = arith.constant 0 : i32
      %dma_wait3A_940 = arith.constant 0 : i32
      %dma_wait3A_941 = tpu.memref_slice %arg9[%cond3A_832, %dma_wait3A_939, %dma_wait3A_940] : memref<4x64x128xf32, #tpu.memory_space<vmem>> -> memref<1x64x128xf32, #tpu.memory_space<vmem>>
      %dma_wait3A_942 = tpu.memref_squeeze %dma_wait3A_941 : memref<1x64x128xf32, #tpu.memory_space<vmem>> -> memref<64x128xf32, #tpu.memory_space<vmem>>
      %dma_wait3A_943 = arith.constant 0 : i32
      %dma_wait3A_944 = tpu.memref_slice %arg8[%cond3A_831, %dma_wait3A_943] : memref<16x64xi32, #tpu.memory_space<vmem>> -> memref<1x64xi32, #tpu.memory_space<vmem>>
      %dma_wait3A_945 = tpu.memref_squeeze %dma_wait3A_944 : memref<1x64xi32, #tpu.memory_space<vmem>> -> memref<64xi32, #tpu.memory_space<vmem>>
      %dma_wait3A_946 = arith.constant 0 : i32
      %dma_wait3A_947 = arith.constant 0 : i32
      %dma_wait3A_948 = tpu.memref_slice %arg12[%dma_wait3A_946, %dma_wait3A_947] : memref<8208x128xf32, #tpu.memory_space<vmem_shared>> -> memref<8208x128xf32, #tpu.memory_space<vmem_shared>>
      tpu.wait_indirect_dma semaphore(%arg13 : memref<!tpu.dma_semaphore, #tpu.memory_space<semaphore_mem>>) src(%dma_wait3A_948 : memref<8208x128xf32, #tpu.memory_space<vmem_shared>>) dst(%dma_wait3A_942 : memref<64x128xf32, #tpu.memory_space<vmem>>)
    } else {
    }
    %add3A_835 = arith.constant 896 : i32
    %add3A_836 = arith.addi %mul3A_78, %add3A_835 : i32
    %add3A_837 = arith.constant 896 : i32
    %add3A_838 = arith.addi %mul3A_32, %add3A_837 : i32
    %add3A_839 = arith.constant 1 : i32
    %add3A_840 = arith.addi %sub3A_54, %add3A_839 : i32
    %le3A_841 = arith.cmpi sle, %add3A_838, %add3A_840 : i32
    %convert_element_type3A_842 = arith.extui %le3A_841 : i1 to i32
    %cond3A_843 = arith.constant 2 : i32
    %cond3A_844 = arith.constant 0 : i32
    %cond3A_845 = arith.cmpi ne, %convert_element_type3A_842, %cond3A_844 : i32
    scf.if %cond3A_845 {
      %dma_start3A_939 = arith.constant 0 : i32
      %dma_start3A_940 = arith.constant 0 : i32
      %dma_start3A_941 = tpu.memref_slice %arg9[%cond3A_843, %dma_start3A_939, %dma_start3A_940] : memref<4x64x128xf32, #tpu.memory_space<vmem>> -> memref<1x64x128xf32, #tpu.memory_space<vmem>>
      %dma_start3A_942 = tpu.memref_squeeze %dma_start3A_941 : memref<1x64x128xf32, #tpu.memory_space<vmem>> -> memref<64x128xf32, #tpu.memory_space<vmem>>
      %dma_start3A_943 = arith.constant 0 : i32
      %dma_start3A_944 = tpu.memref_slice %arg5[%add3A_836, %dma_start3A_943] : memref<32768x128xf32, #tpu.memory_space<hbm>> -> memref<64x128xf32, #tpu.memory_space<hbm>>
      %dma_start3A_945 = arith.constant 0 : i32
      %dma_start3A_946 = tpu.memref_slice %arg5[%add3A_836, %dma_start3A_945] : memref<32768x128xf32, #tpu.memory_space<hbm>> -> memref<64x128xf32, #tpu.memory_space<hbm>>
      %dma_start3A_947 = arith.constant 0 : i32
      %dma_start3A_948 = arith.constant 0 : i32
      %dma_start3A_949 = tpu.memref_slice %arg9[%cond3A_843, %dma_start3A_947, %dma_start3A_948] : memref<4x64x128xf32, #tpu.memory_space<vmem>> -> memref<1x64x128xf32, #tpu.memory_space<vmem>>
      %dma_start3A_950 = tpu.memref_squeeze %dma_start3A_949 : memref<1x64x128xf32, #tpu.memory_space<vmem>> -> memref<64x128xf32, #tpu.memory_space<vmem>>
      tpu.enqueue_dma source(%dma_start3A_950 : memref<64x128xf32, #tpu.memory_space<vmem>>) target(%dma_start3A_946 : memref<64x128xf32, #tpu.memory_space<hbm>>) target_semaphore(%arg14 : memref<!tpu.dma_semaphore, #tpu.memory_space<semaphore_mem>>)
    } else {
    }
    %add3A_846 = arith.constant 896 : i32
    %add3A_847 = arith.addi %mul3A_32, %add3A_846 : i32
    %add3A_848 = arith.constant 1 : i32
    %add3A_849 = arith.addi %sub3A_54, %add3A_848 : i32
    %le3A_850 = arith.cmpi sle, %add3A_847, %add3A_849 : i32
    %not3A_851 = arith.constant true
    %not3A_852 = arith.xori %le3A_850, %not3A_851 : i1
    %convert_element_type3A_853 = arith.extui %not3A_852 : i1 to i32
    %cond3A_854 = arith.constant 0 : i32
    %cond3A_855 = arith.cmpi ne, %convert_element_type3A_853, %cond3A_854 : i32
    scf.if %cond3A_855 {
      %dma_start3A_939 = arith.constant 0 : i32
      %dma_start3A_940 = tpu.memref_slice %arg5[%add3A_836, %dma_start3A_939] : memref<32768x128xf32, #tpu.memory_space<hbm>> -> memref<64x128xf32, #tpu.memory_space<hbm>>
      %dma_start3A_941 = arith.constant 0 : i32
      %dma_start3A_942 = tpu.memref_slice %arg5[%add3A_836, %dma_start3A_941] : memref<32768x128xf32, #tpu.memory_space<hbm>> -> memref<64x128xf32, #tpu.memory_space<hbm>>
      tpu.enqueue_dma source(%arg11 : memref<64x128xf32, #tpu.memory_space<vmem>>) target(%dma_start3A_942 : memref<64x128xf32, #tpu.memory_space<hbm>>) target_semaphore(%arg14 : memref<!tpu.dma_semaphore, #tpu.memory_space<semaphore_mem>>)
    } else {
    }
    %add3A_856 = arith.constant 960 : i32
    %add3A_857 = arith.addi %mul3A_32, %add3A_856 : i32
    %add3A_858 = arith.constant 1 : i32
    %add3A_859 = arith.addi %sub3A_54, %add3A_858 : i32
    %le3A_860 = arith.cmpi sle, %add3A_857, %add3A_859 : i32
    %convert_element_type3A_861 = arith.extui %le3A_860 : i1 to i32
    %cond3A_862 = arith.constant 15 : i32
    %cond3A_863 = arith.constant 3 : i32
    %cond3A_864 = arith.constant 0 : i32
    %cond3A_865 = arith.cmpi ne, %convert_element_type3A_861, %cond3A_864 : i32
    scf.if %cond3A_865 {
      %dma_wait3A_939 = arith.constant 0 : i32
      %dma_wait3A_940 = arith.constant 0 : i32
      %dma_wait3A_941 = tpu.memref_slice %arg9[%cond3A_863, %dma_wait3A_939, %dma_wait3A_940] : memref<4x64x128xf32, #tpu.memory_space<vmem>> -> memref<1x64x128xf32, #tpu.memory_space<vmem>>
      %dma_wait3A_942 = tpu.memref_squeeze %dma_wait3A_941 : memref<1x64x128xf32, #tpu.memory_space<vmem>> -> memref<64x128xf32, #tpu.memory_space<vmem>>
      %dma_wait3A_943 = arith.constant 0 : i32
      %dma_wait3A_944 = tpu.memref_slice %arg8[%cond3A_862, %dma_wait3A_943] : memref<16x64xi32, #tpu.memory_space<vmem>> -> memref<1x64xi32, #tpu.memory_space<vmem>>
      %dma_wait3A_945 = tpu.memref_squeeze %dma_wait3A_944 : memref<1x64xi32, #tpu.memory_space<vmem>> -> memref<64xi32, #tpu.memory_space<vmem>>
      %dma_wait3A_946 = arith.constant 0 : i32
      %dma_wait3A_947 = arith.constant 0 : i32
      %dma_wait3A_948 = tpu.memref_slice %arg12[%dma_wait3A_946, %dma_wait3A_947] : memref<8208x128xf32, #tpu.memory_space<vmem_shared>> -> memref<8208x128xf32, #tpu.memory_space<vmem_shared>>
      tpu.wait_indirect_dma semaphore(%arg13 : memref<!tpu.dma_semaphore, #tpu.memory_space<semaphore_mem>>) src(%dma_wait3A_948 : memref<8208x128xf32, #tpu.memory_space<vmem_shared>>) dst(%dma_wait3A_942 : memref<64x128xf32, #tpu.memory_space<vmem>>)
    } else {
    }
    %add3A_866 = arith.constant 960 : i32
    %add3A_867 = arith.addi %mul3A_78, %add3A_866 : i32
    %add3A_868 = arith.constant 960 : i32
    %add3A_869 = arith.addi %mul3A_32, %add3A_868 : i32
    %add3A_870 = arith.constant 1 : i32
    %add3A_871 = arith.addi %sub3A_54, %add3A_870 : i32
    %le3A_872 = arith.cmpi sle, %add3A_869, %add3A_871 : i32
    %convert_element_type3A_873 = arith.extui %le3A_872 : i1 to i32
    %cond3A_874 = arith.constant 3 : i32
    %cond3A_875 = arith.constant 0 : i32
    %cond3A_876 = arith.cmpi ne, %convert_element_type3A_873, %cond3A_875 : i32
    scf.if %cond3A_876 {
      %dma_start3A_939 = arith.constant 0 : i32
      %dma_start3A_940 = arith.constant 0 : i32
      %dma_start3A_941 = tpu.memref_slice %arg9[%cond3A_874, %dma_start3A_939, %dma_start3A_940] : memref<4x64x128xf32, #tpu.memory_space<vmem>> -> memref<1x64x128xf32, #tpu.memory_space<vmem>>
      %dma_start3A_942 = tpu.memref_squeeze %dma_start3A_941 : memref<1x64x128xf32, #tpu.memory_space<vmem>> -> memref<64x128xf32, #tpu.memory_space<vmem>>
      %dma_start3A_943 = arith.constant 0 : i32
      %dma_start3A_944 = tpu.memref_slice %arg5[%add3A_867, %dma_start3A_943] : memref<32768x128xf32, #tpu.memory_space<hbm>> -> memref<64x128xf32, #tpu.memory_space<hbm>>
      %dma_start3A_945 = arith.constant 0 : i32
      %dma_start3A_946 = tpu.memref_slice %arg5[%add3A_867, %dma_start3A_945] : memref<32768x128xf32, #tpu.memory_space<hbm>> -> memref<64x128xf32, #tpu.memory_space<hbm>>
      %dma_start3A_947 = arith.constant 0 : i32
      %dma_start3A_948 = arith.constant 0 : i32
      %dma_start3A_949 = tpu.memref_slice %arg9[%cond3A_874, %dma_start3A_947, %dma_start3A_948] : memref<4x64x128xf32, #tpu.memory_space<vmem>> -> memref<1x64x128xf32, #tpu.memory_space<vmem>>
      %dma_start3A_950 = tpu.memref_squeeze %dma_start3A_949 : memref<1x64x128xf32, #tpu.memory_space<vmem>> -> memref<64x128xf32, #tpu.memory_space<vmem>>
      tpu.enqueue_dma source(%dma_start3A_950 : memref<64x128xf32, #tpu.memory_space<vmem>>) target(%dma_start3A_946 : memref<64x128xf32, #tpu.memory_space<hbm>>) target_semaphore(%arg14 : memref<!tpu.dma_semaphore, #tpu.memory_space<semaphore_mem>>)
    } else {
    }
    %add3A_877 = arith.constant 960 : i32
    %add3A_878 = arith.addi %mul3A_32, %add3A_877 : i32
    %add3A_879 = arith.constant 1 : i32
    %add3A_880 = arith.addi %sub3A_54, %add3A_879 : i32
    %le3A_881 = arith.cmpi sle, %add3A_878, %add3A_880 : i32
    %not3A_882 = arith.constant true
    %not3A_883 = arith.xori %le3A_881, %not3A_882 : i1
    %convert_element_type3A_884 = arith.extui %not3A_883 : i1 to i32
    %cond3A_885 = arith.constant 0 : i32
    %cond3A_886 = arith.cmpi ne, %convert_element_type3A_884, %cond3A_885 : i32
    scf.if %cond3A_886 {
      %dma_start3A_939 = arith.constant 0 : i32
      %dma_start3A_940 = tpu.memref_slice %arg5[%add3A_867, %dma_start3A_939] : memref<32768x128xf32, #tpu.memory_space<hbm>> -> memref<64x128xf32, #tpu.memory_space<hbm>>
      %dma_start3A_941 = arith.constant 0 : i32
      %dma_start3A_942 = tpu.memref_slice %arg5[%add3A_867, %dma_start3A_941] : memref<32768x128xf32, #tpu.memory_space<hbm>> -> memref<64x128xf32, #tpu.memory_space<hbm>>
      tpu.enqueue_dma source(%arg11 : memref<64x128xf32, #tpu.memory_space<vmem>>) target(%dma_start3A_942 : memref<64x128xf32, #tpu.memory_space<hbm>>) target_semaphore(%arg14 : memref<!tpu.dma_semaphore, #tpu.memory_space<semaphore_mem>>)
    } else {
    }
    %dma_wait3A_887 = arith.constant 0 : i32
    %dma_wait3A_888 = arith.constant 0 : i32
    %dma_wait3A_889 = arith.constant 0 : i32
    %dma_wait3A_890 = tpu.memref_slice %arg9[%dma_wait3A_887, %dma_wait3A_888, %dma_wait3A_889] : memref<4x64x128xf32, #tpu.memory_space<vmem>> -> memref<1x64x128xf32, #tpu.memory_space<vmem>>
    %dma_wait3A_891 = tpu.memref_squeeze %dma_wait3A_890 : memref<1x64x128xf32, #tpu.memory_space<vmem>> -> memref<64x128xf32, #tpu.memory_space<vmem>>
    %dma_wait3A_892 = arith.constant 0 : i32
    %dma_wait3A_893 = tpu.memref_slice %arg5[%add3A_774, %dma_wait3A_892] : memref<32768x128xf32, #tpu.memory_space<hbm>> -> memref<64x128xf32, #tpu.memory_space<hbm>>
    %dma_wait3A_894 = arith.constant 0 : i32
    %dma_wait3A_895 = tpu.memref_slice %arg5[%add3A_774, %dma_wait3A_894] : memref<32768x128xf32, #tpu.memory_space<hbm>> -> memref<64x128xf32, #tpu.memory_space<hbm>>
    %dma_wait3A_896 = arith.constant 0 : i32
    %dma_wait3A_897 = arith.constant 0 : i32
    %dma_wait3A_898 = tpu.memref_slice %arg9[%dma_wait3A_887, %dma_wait3A_896, %dma_wait3A_897] : memref<4x64x128xf32, #tpu.memory_space<vmem>> -> memref<1x64x128xf32, #tpu.memory_space<vmem>>
    %dma_wait3A_899 = tpu.memref_squeeze %dma_wait3A_898 : memref<1x64x128xf32, #tpu.memory_space<vmem>> -> memref<64x128xf32, #tpu.memory_space<vmem>>
    tpu.wait_dma2 semaphore(%arg14 : memref<!tpu.dma_semaphore, #tpu.memory_space<semaphore_mem>>) src(%dma_wait3A_899 : memref<64x128xf32, #tpu.memory_space<vmem>>) dst(%dma_wait3A_895 : memref<64x128xf32, #tpu.memory_space<hbm>>)
    %dma_wait3A_900 = arith.constant 1 : i32
    %dma_wait3A_901 = arith.constant 0 : i32
    %dma_wait3A_902 = arith.constant 0 : i32
    %dma_wait3A_903 = tpu.memref_slice %arg9[%dma_wait3A_900, %dma_wait3A_901, %dma_wait3A_902] : memref<4x64x128xf32, #tpu.memory_space<vmem>> -> memref<1x64x128xf32, #tpu.memory_space<vmem>>
    %dma_wait3A_904 = tpu.memref_squeeze %dma_wait3A_903 : memref<1x64x128xf32, #tpu.memory_space<vmem>> -> memref<64x128xf32, #tpu.memory_space<vmem>>
    %dma_wait3A_905 = arith.constant 0 : i32
    %dma_wait3A_906 = tpu.memref_slice %arg5[%add3A_805, %dma_wait3A_905] : memref<32768x128xf32, #tpu.memory_space<hbm>> -> memref<64x128xf32, #tpu.memory_space<hbm>>
    %dma_wait3A_907 = arith.constant 0 : i32
    %dma_wait3A_908 = tpu.memref_slice %arg5[%add3A_805, %dma_wait3A_907] : memref<32768x128xf32, #tpu.memory_space<hbm>> -> memref<64x128xf32, #tpu.memory_space<hbm>>
    %dma_wait3A_909 = arith.constant 0 : i32
    %dma_wait3A_910 = arith.constant 0 : i32
    %dma_wait3A_911 = tpu.memref_slice %arg9[%dma_wait3A_900, %dma_wait3A_909, %dma_wait3A_910] : memref<4x64x128xf32, #tpu.memory_space<vmem>> -> memref<1x64x128xf32, #tpu.memory_space<vmem>>
    %dma_wait3A_912 = tpu.memref_squeeze %dma_wait3A_911 : memref<1x64x128xf32, #tpu.memory_space<vmem>> -> memref<64x128xf32, #tpu.memory_space<vmem>>
    tpu.wait_dma2 semaphore(%arg14 : memref<!tpu.dma_semaphore, #tpu.memory_space<semaphore_mem>>) src(%dma_wait3A_912 : memref<64x128xf32, #tpu.memory_space<vmem>>) dst(%dma_wait3A_908 : memref<64x128xf32, #tpu.memory_space<hbm>>)
    %dma_wait3A_913 = arith.constant 2 : i32
    %dma_wait3A_914 = arith.constant 0 : i32
    %dma_wait3A_915 = arith.constant 0 : i32
    %dma_wait3A_916 = tpu.memref_slice %arg9[%dma_wait3A_913, %dma_wait3A_914, %dma_wait3A_915] : memref<4x64x128xf32, #tpu.memory_space<vmem>> -> memref<1x64x128xf32, #tpu.memory_space<vmem>>
    %dma_wait3A_917 = tpu.memref_squeeze %dma_wait3A_916 : memref<1x64x128xf32, #tpu.memory_space<vmem>> -> memref<64x128xf32, #tpu.memory_space<vmem>>
    %dma_wait3A_918 = arith.constant 0 : i32
    %dma_wait3A_919 = tpu.memref_slice %arg5[%add3A_836, %dma_wait3A_918] : memref<32768x128xf32, #tpu.memory_space<hbm>> -> memref<64x128xf32, #tpu.memory_space<hbm>>
    %dma_wait3A_920 = arith.constant 0 : i32
    %dma_wait3A_921 = tpu.memref_slice %arg5[%add3A_836, %dma_wait3A_920] : memref<32768x128xf32, #tpu.memory_space<hbm>> -> memref<64x128xf32, #tpu.memory_space<hbm>>
    %dma_wait3A_922 = arith.constant 0 : i32
    %dma_wait3A_923 = arith.constant 0 : i32
    %dma_wait3A_924 = tpu.memref_slice %arg9[%dma_wait3A_913, %dma_wait3A_922, %dma_wait3A_923] : memref<4x64x128xf32, #tpu.memory_space<vmem>> -> memref<1x64x128xf32, #tpu.memory_space<vmem>>
    %dma_wait3A_925 = tpu.memref_squeeze %dma_wait3A_924 : memref<1x64x128xf32, #tpu.memory_space<vmem>> -> memref<64x128xf32, #tpu.memory_space<vmem>>
    tpu.wait_dma2 semaphore(%arg14 : memref<!tpu.dma_semaphore, #tpu.memory_space<semaphore_mem>>) src(%dma_wait3A_925 : memref<64x128xf32, #tpu.memory_space<vmem>>) dst(%dma_wait3A_921 : memref<64x128xf32, #tpu.memory_space<hbm>>)
    %dma_wait3A_926 = arith.constant 3 : i32
    %dma_wait3A_927 = arith.constant 0 : i32
    %dma_wait3A_928 = arith.constant 0 : i32
    %dma_wait3A_929 = tpu.memref_slice %arg9[%dma_wait3A_926, %dma_wait3A_927, %dma_wait3A_928] : memref<4x64x128xf32, #tpu.memory_space<vmem>> -> memref<1x64x128xf32, #tpu.memory_space<vmem>>
    %dma_wait3A_930 = tpu.memref_squeeze %dma_wait3A_929 : memref<1x64x128xf32, #tpu.memory_space<vmem>> -> memref<64x128xf32, #tpu.memory_space<vmem>>
    %dma_wait3A_931 = arith.constant 0 : i32
    %dma_wait3A_932 = tpu.memref_slice %arg5[%add3A_867, %dma_wait3A_931] : memref<32768x128xf32, #tpu.memory_space<hbm>> -> memref<64x128xf32, #tpu.memory_space<hbm>>
    %dma_wait3A_933 = arith.constant 0 : i32
    %dma_wait3A_934 = tpu.memref_slice %arg5[%add3A_867, %dma_wait3A_933] : memref<32768x128xf32, #tpu.memory_space<hbm>> -> memref<64x128xf32, #tpu.memory_space<hbm>>
    %dma_wait3A_935 = arith.constant 0 : i32
    %dma_wait3A_936 = arith.constant 0 : i32
    %dma_wait3A_937 = tpu.memref_slice %arg9[%dma_wait3A_926, %dma_wait3A_935, %dma_wait3A_936] : memref<4x64x128xf32, #tpu.memory_space<vmem>> -> memref<1x64x128xf32, #tpu.memory_space<vmem>>
    %dma_wait3A_938 = tpu.memref_squeeze %dma_wait3A_937 : memref<1x64x128xf32, #tpu.memory_space<vmem>> -> memref<64x128xf32, #tpu.memory_space<vmem>>
    tpu.wait_dma2 semaphore(%arg14 : memref<!tpu.dma_semaphore, #tpu.memory_space<semaphore_mem>>) src(%dma_wait3A_938 : memref<64x128xf32, #tpu.memory_space<vmem>>) dst(%dma_wait3A_934 : memref<64x128xf32, #tpu.memory_space<hbm>>)
    return
  }
}

</mosaic_0001>

<sc_bundles>
// kernel: kernel.3.cloned.1.call-start
scs
__scs_entry_jumppad:
0x0: {  	(pc) =	sbr.rel $0x88, $3  }
0x1: {  	(tag) =	ssettag $0x0;
	lr =	simm.s32 $0x1  }
0x2: {  	[smem:$0x3F9E] =	sst lr;
	_ =	strace $0xD0000000  }
0x3: {  	_ = 	snop  }
0x4: {  	_ = 	snop  }
0x5: {  	_ = 	snop  }
0x6: {  	_ = 	snop  }
0x7: {  	_ = 	snop  }
__scs_overlays_trampoline_lowered:
0x8: {  	[smem:$0x3FAD] =	sst s0  }
0x9: {  	[smem:$0x3FAE] =	sst s1  }
0xa: {  	[smem:$0x3FAF] =	sst s2  }
0xb: {  	[smem:$0x3FB0] =	sst s3  }
0xc: {  	[smem:$0x3FB1] =	sst s4  }
0xd: {  	[smem:$0x3FB2] =	sst s5  }
0xe: {  	[smem:$0x3FB3] =	sst s6  }
0xf: {  	[smem:$0x3FB4] =	sst s7  }
0x10: {  	[smem:$0x3FB5] =	sst s8  }
0x11: {  	[smem:$0x3FB6] =	sst s9;
	s0 =	simm.s32 @!p0 $0x0  }
0x12: {  	s1 =	sld [smem:$0x3F9C];
	s0 =	simm.s32 @p0 $0x1  }
0x13: {  	[smem:$0x3FB7] =	sst s0;
	s0 =	simm.s32 @!p1 $0x0  }
0x14: {  	s2 =	sld [smem:$0x3F9B];
	s0 =	simm.s32 @p1 $0x1  }
0x15: {  	[smem:$0x3FB8] =	sst s0;
	s0 =	simm.s32 @!p2 $0x0  }
0x16: {  	s3 =	sld [smem:$0x3FDB];
	s0 =	simm.s32 @p2 $0x1  }
0x17: {  	s4 =	simm.s32 $0x1BF5;
	[smem:$0x3FBA] =	sst s0  }
0x18: {  	s0 =	sld [smem:$0x3F9D];
	_ =	swait.ge [sflag:s4], $0x0  }
0x19: {  	s7 =	sld [smem:$0x3F9E]  }
0x1a: {  	s8 =	sadd.s32 $0xFFFFE003, lr  }
0x1b: {  	s9 =	sadd.s32 $0xFFFFFEF7, lr;
	s5 =	simm.s32 $0xFFFFFFFF;
	p2 =	slt.u32 s8, $0xFFFFF086  }
0x1c: {  	p1 =	slt.u32 s9, $0xF7A;
	s5 =	simm.s32 @!p2 $0x0  }
0x1d: {  	s5 =	simm.s32 @p1 $0x1;
	p0 =	seq.s32 s7, s2  }
0x1e: {  	s7 =	smul.u32 @!p0 $0xF7A, s2;
	p2 =	seq.s32 @!p0 s5, $0x0  }
0x1f: {  	s9 =	smul.u32 $0xF7A, s1;
	s8 =	simm.s32 @!p0 $0x1BF5;
	p2 =	por !p2, p0  }
0x20: {  	[sflag:s8] =	ssyncset.s32 @!p0 $0xFFFFF086;
	s6 =	sadd.s32 @!p0 s3, s7;
	s7 =	simm.s32 @!p0 $0x108  }
0x21: {  	s3 =	sadd.s32 s3, s9;
	s6 =	sadd.s32 @!p0 $0x88, s6;
	s7 =	simm.s32 @p2 $0x1082  }
0x22: {  	[simem:s7], [sflag:s8] =	dma.local @!p0 [hbm:s6], $0xF7A  }
0x23: {  	s9 =	sor.u32 $0xD0000000, s2;
	s6 =	simm.s32 $0x108;
	_ =	swait.ge @!p0 [sflag:s8], $0x0  }
0x24: {  	s3 =	sadd.s32 $0x88, s3;
	s6 =	simm.s32 @!p1 $0x1082;
	[sflag:s4] =	ssyncset.s32 $0xFFFFF086  }
0x25: {  	[simem:s6], [sflag:s4] =	dma.local [hbm:s3], $0xF7A  }
0x26: {  	[smem:$0x3F9E] =	sst s1;
	(tag) =	ssettag s2;
	_ =	strace s9  }
0x27: {  	s1 =	sld [smem:$0x3FAE]  }
0x28: {  	s2 =	sld [smem:$0x3FAF]  }
0x29: {  	s4 =	sld [smem:$0x3FB1]  }
0x2a: {  	p0 =	seq.s32 s5, $0x0;
	s5 =	sld [smem:$0x3FB2]  }
0x2b: {  	s6 =	sld [smem:$0x3FB3]  }
0x2c: {  	s7 =	sld [smem:$0x3FB4]  }
0x2d: {  	s3 =	simm.s32 $0x108;
	s8 =	sld [smem:$0x3FB5]  }
0x2e: {  	s3 =	simm.s32 @!p0 $0x1082;
	s9 =	sld [smem:$0x3FB6]  }
0x2f: {  	lr =	sadd.s32 s0, s3;
	s0 =	sld [smem:$0x3FAD]  }
0x30: {  	s3 =	sld [smem:$0x3FB0]  }
0x31: {  	[smem:$0x3FB9] =	sst s10  }
0x32: {  	s10 =	sld [smem:$0x3FB7];
	_ =	sdelay $0x3  }
0x33: {  	p0 =	seq.s32 s10, $0x1;
	s10 =	sld [smem:$0x3FB9];
	_ =	sdelay $0x3  }
0x34: {  	[smem:$0x3FB9] =	sst s10  }
0x35: {  	s10 =	sld [smem:$0x3FB8];
	_ =	sdelay $0x3  }
0x36: {  	p1 =	seq.s32 s10, $0x1;
	s10 =	sld [smem:$0x3FB9];
	_ =	sdelay $0x3  }
0x37: {  	[smem:$0x3FB9] =	sst s10  }
0x38: {  	s10 =	sld [smem:$0x3FBA]  }
0x39: {  	_ = 	snop;
	(pc) =	sbr.ind lr, $3  }
0x3a: {  	_ = 	snop  }
0x3b: {  	_ = 	snop  }
0x3c: {  	p2 =	seq.s32 s10, $0x1;
	s10 =	sld [smem:$0x3FB9]  }
0x3d: {  	_ =	shalt  }
0x3e: {  	_ =	shalt  }
0x3f: {  	_ =	shalt  }
0x40: {  	_ =	shalt  }
0x41: {  	_ =	shalt  }
0x42: {  	_ =	shalt  }
0x43: {  	_ =	shalt  }
0x44: {  	_ =	shalt  }
0x45: {  	_ =	shalt  }
0x46: {  	_ =	shalt  }
0x47: {  	_ =	shalt  }
0x48: {  	_ =	shalt  }
0x49: {  	_ =	shalt  }
0x4a: {  	_ =	shalt  }
0x4b: {  	_ =	shalt  }
0x4c: {  	_ =	shalt  }
0x4d: {  	_ =	shalt  }
0x4e: {  	_ =	shalt  }
0x4f: {  	_ =	shalt  }
0x50: {  	_ =	shalt  }
0x51: {  	_ =	shalt  }
0x52: {  	_ =	shalt  }
0x53: {  	_ =	shalt  }
0x54: {  	_ =	shalt  }
0x55: {  	_ =	shalt  }
0x56: {  	_ =	shalt  }
0x57: {  	_ =	shalt  }
0x58: {  	_ =	shalt  }
0x59: {  	_ =	shalt  }
0x5a: {  	_ =	shalt  }
0x5b: {  	_ =	shalt  }
0x5c: {  	_ =	shalt  }
0x5d: {  	_ =	shalt  }
0x5e: {  	_ =	shalt  }
0x5f: {  	_ =	shalt  }
0x60: {  	_ =	shalt  }
0x61: {  	_ =	shalt  }
0x62: {  	_ =	shalt  }
0x63: {  	_ =	shalt  }
0x64: {  	_ =	shalt  }
0x65: {  	_ =	shalt  }
0x66: {  	_ =	shalt  }
0x67: {  	_ =	shalt  }
0x68: {  	_ =	shalt  }
0x69: {  	_ =	shalt  }
0x6a: {  	_ =	shalt  }
0x6b: {  	_ =	shalt  }
0x6c: {  	_ =	shalt  }
0x6d: {  	_ =	shalt  }
0x6e: {  	_ =	shalt  }
0x6f: {  	_ =	shalt  }
0x70: {  	_ =	shalt  }
0x71: {  	_ =	shalt  }
0x72: {  	_ =	shalt  }
0x73: {  	_ =	shalt  }
0x74: {  	_ =	shalt  }
0x75: {  	_ =	shalt  }
0x76: {  	_ =	shalt  }
0x77: {  	_ =	shalt  }
0x78: {  	_ =	shalt  }
0x79: {  	_ =	shalt  }
0x7a: {  	_ =	shalt  }
0x7b: {  	_ =	shalt  }
0x7c: {  	_ =	shalt  }
0x7d: {  	_ =	shalt  }
0x7e: {  	_ =	shalt  }
0x7f: {  	_ =	shalt  }
0x80: {  	_ =	shalt  }
0x81: {  	_ =	shalt  }
0x82: {  	_ =	shalt  }
0x83: {  	_ =	shalt  }
0x84: {  	_ =	shalt  }
0x85: {  	_ =	shalt  }
0x86: {  	_ =	shalt  }
0x87: {  	_ =	shalt  }
.Lfunc_end0:
.L_simem_size_0:
called_computation_lowered:
.L_overlay_start_0:
0x88: {  	s2 =	sld [smem:$0x3FD9]  }
0x89: {  	s3 =	sld [smem:$0x3FFE];
	_ =	sdelay $0x1  }
0x8a: {  	s1 =	srdreg.scid  }
0x8b: {  	s0 =	sand.u32 $0x1, s1  }
0x8c: {  	s18 =	sshll.u32 s0, $0xA;
	s2 =	sadd.s32 s3, s2  }
0x8d: {  	s2 =	sadd.s32 s2, s18  }
0x8e: {  	[smem:$0x3FC5] =	sst s2  }
0x8f: {  	_ = 	snop  }
0x90: {  	s2 =	sld [smem:$0x3FC9]  }
0x91: {  	s19 =	sld [smem:$0x3FC8]  }
0x92: {  	s4 =	sld [smem:$0x3FC7]  }
0x93: {  	s5 =	sld [smem:$0x3FD0];
	(tm) =	ssettm $0x1  }
0x94: {  	s6 =	sld [smem:$0x3FFB];
	_ =	sdelay $0x3  }
0x95: {  	_ =	strace s6  }
0x96: {  	s6 =	sld [smem:$0x3FFC];
	_ =	sdelay $0x3  }
0x97: {  	_ =	strace s6  }
0x98: {  	s6 =	sld [smem:$0x3FFD];
	_ =	sdelay $0x3  }
0x99: {  	_ =	strace s6  }
0x9a: {  	_ =	strace $0x8FFFFFFF  }
0x9b: {  	s20 =	sld [smem:$0x3FDB];
	_ =	sdelay $0x1  }
0x9c: {  	s7 =	simm.s32 $_scs_section_size  }
0x9d: {  	s8 =	simm.s32 $_size__tile_overlayer_lowered;
	s9 =	simm.s32 $_tile_overlayer_lowered  }
0x9e: {  	s23 =	simm.s32 $0x1BFF;
	s22 =	sshll.u32 s9, $0x1;
	s6 =	sadd.s32 s7, s20  }
0x9f: {  	s10 =	simm.s32 $0x0;
	s21 =	sshll.u32 s8, $0x1;
	s8 =	sadd.s32 s22, s6  }
0xa0: {  	[timem:s10], [sflag:s23] =	dma.local [hbm:s8], s21  }
0xa1: {  	_ =	swait.ge [sflag:s23], s21  }
0xa2: {  	s7 =	ssub.s32 $0x0, s21;
	[sflag:s23] =	ssyncset.done $0x0  }
0xa3: {  	[sflag:s23] =	ssyncadd.s32 s7;
	_ =	sdelay $0x1  }
0xa4: {  	s24 =	simm.s32 $0x1B8B  }
0xa5: {  	_ =	swait.ge [sflag:s24], $0x1  }
0xa6: {  	[sflag:s24] =	ssyncset.done $0x0  }
0xa7: {  	s25 =	simm.s32 $0x1B8E;
	[sflag:s24] =	ssyncadd.s32 $0xFFFFFFFF  }
0xa8: {  	s26 =	simm.s32 $execute0_lowered;
	[smem:$0x3FD2] =	sst s25  }
0xa9: {  	s7 =	sshll.u32 s26, $0x1;
	_ =	strace $0x80000046;
	[dreg:$0x1] =	wrdreg $0xFFFFFFFF  }
0xaa: {  	s28 =	simm.s32 $_size_execute0_lowered;
	s6 =	sadd.s32 s6, s7;
	[dreg:$0x0] =	wrdreg $0x0  }
0xab: {  	s7 =	sshll.u32 s28, $0x1;
	[dreg:$0x2] =	wrdreg s6  }
0xac: {  	[dreg:$0x3] =	wrdreg s7  }
0xad: {  	[dreg:$0x4] =	wrdreg $0xC0  }
0xae: {  	_ =	task [dreg:s10], $0x5FFFF  }
0xaf: {  	[dreg:$0x1] =	wrdreg $0xFFFFFFFF  }
0xb0: {  	[dreg:$0x0] =	wrdreg $0x60  }
0xb1: {  	[dreg:$0x2] =	wrdreg s2  }
0xb2: {  	[dreg:$0x3] =	wrdreg s19  }
0xb3: {  	[dreg:$0x4] =	wrdreg s4  }
0xb4: {  	[dreg:$0x5] =	wrdreg s5  }
0xb5: {  	[dreg:$0x6] =	wrdreg $0xAD800  }
0xb6: {  	[dreg:$0x7] =	wrdreg $0x9  }
0xb7: {  	_ =	task.clear_ibuf [dreg:s10], $0x8FFFF;
	_ =	strace $0x90000046  }
0xb8: {  	s29 =	simm.s32 $0x9;
	_ =	strace $0x80000048  }
0xb9: {  	_ =	swait.ge [sflag:s29], $0x1  }
0xba: {  	[sflag:s29] =	ssyncadd.s32 $0xFFFFFFFF  }
0xbb: {  	_ =	strace $0x90000048  }
0xbc: {  	_ =	sfence  }
0xbd: {  	s30 =	sld [smem:$0x0];
	_ =	sdelay $0x2  }
0xbe: {  	s31 =	sshll.u32 s1, $0xD;
	s1 =	sshrl.u32 s1, $0x2  }
0xbf: {  	s3 =	sand.u32 $0x4000, s31;
	s1 =	sadd.s32 s1, s30  }
0xc0: {  	s0 =	sor.u32 s3, s0;
	s1 =	sshll.u32 s1, $0x11  }
0xc1: {  	s0 =	sor.u32 s1, s0  }
0xc2: {  	s0 =	sadd.s32 $0x8F2B, s0  }
0xc3: {  	[sflag:s0] =	ssyncadd.remote.s32 $0x1  }
0xc4: {  	_ =	sfence.sel $0xFFFF  }
0xc5: {  	[dreg:$0x0] =	wrdreg $0xFFFFFFFF;
	(pc) =	sbr.abs _section_cstart, $3  }
0xc6: {  	[dreg:$0x1] =	wrdreg $0xFFFFFFFF  }
0xc7: {  	_ =	task.clear_ibuf [dreg:s10], $0x2FFFF;
	_ =	strace $0x9FFFFFFF  }
0xc8: {  	(tm) =	ssettm $0x7FFFFFFF  }
0xc9: {  	_ =	shalt  }
tec
execute0_lowered:
.L_overlay_start_1:
0x0: {  	(tag) =	ssettag $0x1  }
0x1: {  	s10 =	rddreg [dreg:$0x2]  }
0x2: {  	s0 =	rddreg [dreg:$0x3];
	s1 =	srdreg.scid  }
0x3: {  	s5 =	rddreg [dreg:$0x4];
	s8 =	stileid.u32  }
0x4: {  	s6 =	simm.s32 $0x0;
	s4 =	simm.s32 $0x1;
	s1 =	sand.u32 $0x1, s1  }
0x5: {  	s3 =	sand.u32 $0x1, s8;
	[smem:$0x7FF] =	sst s6;
	s26 =	sshll.u32 s8, $0xA  }
0x6: {  	s28 =	sshll.u32 s8, $0x10;
	s21 =	sor.u32 $0x2000, s8;
	s30 =	sshll.u32 s8, $0xD  }
0x7: {  	s2 =	sshll.u32 s1, $0x4;
	p1 =	seq.s32 s3, $0x1;
	_ =	strace $0x80000047  }
0x8: {  	s1 =	ssub.s32 $0x2, s1;
	s7 =	sand.u32 $0x400, s26;
	s29 =	sadd.s32 s28, s5  }
0x9: {  	s9 =	sshll.u32 s21, $0x7;
	v1 =	vmov s21;
	s21 =	simm.s32 $0x3;
	s12 =	sor.u32 $0x80, s7  }
0xa: {  	s2 =	sor.u32 s8, s2;
	s13 =	sor.u32 $0xC0, s7;
	[dreg:$0xb] =	wrdreg s12  }
0xb: {  	s24 =	sshrl.u32 s1, $0x1;
	s14 =	sor.u32 $0x100, s7;
	[dreg:$0xc] =	wrdreg s13  }
0xc: {  	s8 =	sshll.u32 s8, $0x6;
	s17 =	sor.u32 $0x140, s7;
	[dreg:$0xd] =	wrdreg s14  }
0xd: {  	s19 =	sor.u32 $0x180, s7;
	s23 =	sshrl.u32 s29, $0x3;
	[dreg:$0xf] =	wrdreg s17  }
0xe: {  	s26 =	sor.u32 $0x200, s7;
	s29 =	sor.u32 $0x240, s7;
	[dreg:$0x11] =	wrdreg s19  }
0xf: {  	p0 =	seq.s32 s2, $0x0;
	s1 =	ssub.s32 s1, s24;
	[dreg:$0x14] =	wrdreg s23  }
0x10: {  	s25 =	sshrl.u32 s2, $0x1;
	s31 =	sor.u32 $0x1C03, s8;
	[dreg:$0x17] =	wrdreg s26  }
0x11: {  	s8 =	sadd.s32 s9, s5;
	s9 =	sadd.s32 $0xFFFFFFFF, s7;
	[dreg:$0x19] =	wrdreg s29  }
0x12: {  	s2 =	sshll.u32 s2, $0xE;
	s24 =	sor.u32 $0x1C0, s7;
	[dreg:$0x7] =	wrdreg s31  }
0x13: {  	s12 =	sor.u32 $0x3C0, s7;
	s19 =	simm.s32 $0x4;
	[dreg:$0x8] =	wrdreg s8  }
0x14: {  	s23 =	simm.s32 $0x0;
	p0 =	por !p0, !p1;
	[dreg:$0x9] =	wrdreg s9  }
0x15: {  	s15 =	sadd.s32 s0, s2;
	s22 =	smax.u32 s1, $0x1;
	[dreg:$0x15] =	wrdreg s24  }
0x16: {  	s31 =	sor.u32 $0x280, s7;
	s2 =	sor.u32 $0x300, s7;
	s8 =	sor.u32 $0x340, s7  }
0x17: {  	p0 =	por !p0, !p0;
	s16 =	sadd.s32 $0x400, s15;
	s18 =	sadd.s32 $0x800, s15  }
0x18: {  	s20 =	sadd.s32 $0xC00, s15;
	[dreg:$0x13] =	wrdreg s22;
	s28 =	sadd.s32 $0x1400, s15  }
0x19: {  	[dreg:$0x1b] =	wrdreg s31;
	s1 =	sadd.s32 $0x1C00, s15;
	s0 =	sadd.s32 $0x2000, s15  }
0x1a: {  	s3 =	sadd.s32 $0x2400, s15;
	s9 =	sadd.s32 $0x2800, s15;
	[dreg:$0xe] =	wrdreg s16  }
0x1b: {  	s13 =	sadd.s32 $0x3000, s15;
	s14 =	sadd.s32 $0x3400, s15;
	[dreg:$0x10] =	wrdreg s18  }
0x1c: {  	s17 =	sadd.s32 $0x3C00, s15;
	s4 =	simm.s32 @!p0 $0x0;
	[dreg:$0x12] =	wrdreg s20  }
0x1d: {  	[dreg:$0x18] =	wrdreg s28;
	s11 =	ssub.s32 s25, s4;
	s4 =	sadd.s32 s10, s30  }
0x1e: {  	s22 =	simm.s32 $0x2;
	s10 =	sor.u32 $0x40, s7;
	[dreg:$0x6] =	wrdreg s4  }
0x1f: {  	s16 =	sadd.s32 $0x3800, s15;
	s25 =	sadd.s32 $0x1000, s15;
	[dreg:$0xa] =	wrdreg s10;
	v0 =	vmov s11  }
0x20: {  	s18 =	simm.s32 $0x8D00;
	s30 =	sadd.s32 $0x1800, s15;
	[dreg:$0x16] =	wrdreg s25;
	v2 =	vadd.s32 $0x1, v0  }
0x21: {  	s20 =	simm.s32 $0x80;
	p0 =	seq.s32 s11, $0xF;
	[dreg:$0x1a] =	wrdreg s30;
	vm0 =	vlt.s32 v2, $0xF  }
0x22: {  	v3 =	vlaneseq.u32;
	s4 =	sor.u32 $0x2C0, s7;
	s10 =	sor.u32 $0x380, s7;
	s11 =	sadd.s32 $0x2C00, s15;
	v2 =	vnsel vm0, $0xF, v2  }
.LBB2_1:
0x23: {  	s24 =	rddreg [dreg:$0x6]  }
0x24: {  	s25 =	rddreg [dreg:$0x7]  }
0x25: {  	s26 =	rddreg [dreg:$0x14]  }
0x26: {  	[spmem:s26], [sflag:s25] =	dma.local [hbm:s24], $0x2000  }
0x27: {  	s24 =	rddreg [dreg:$0x2]  }
0x28: {  	[tilespmem:s18], [sflag:$0x4] =	stream.linear.gather [hbm4b:s24+s6], $0x80, $0x38;
	[tilespmem:$0x1AE00] =	vst v63  }
0x29: {  	_ =	swait.ge [sflag:s19], $0x80  }
0x2a: {  	[sflag:s19] =	ssyncset.done $0x0  }
0x2b: {  	s26 =	rddreg [dreg:$0x8];
	[sflag:s19] =	ssyncadd.s32 $0xFFFFFF80  }
0x2c: {  	[spmem:s26] =	stream.linear.scatter [tilespmem:s18], [sflag:$0x4], $0x80, $0x38;
	[tilespmem:$0x1AE00] =	vst v63  }
0x2d: {  	_ =	swait.ge [sflag:s19], $0x80  }
0x2e: {  	[sflag:s19] =	ssyncset.done $0x0  }
0x2f: {  	[sflag:s19] =	ssyncadd.s32 $0xFFFFFF80  }
0x30: {  	s29 =	rddreg [dreg:$0x1]  }
0x31: {  	[tilespmem:s6], [sflag:$0x4] =	stream.linear.gather [hbm4b:s29+s6], $0x10, $0x38;
	[tilespmem:$0x1AE00] =	vst v63  }
0x32: {  	_ =	swait.ge [sflag:s19], $0x10  }
0x33: {  	[sflag:s19] =	ssyncset.done $0x0  }
0x34: {  	[sflag:s19] =	ssyncadd.s32 $0xFFFFFFF0  }
0x35: {  	v4 =	vld.idx.msk [tilespmem:v0+s6+$0x0], $0xffff;
	_ =	sdelay $0x4  }
0x36: {  	(v2sf) =	vpush v4, $0x0;
	_ =	sdelay $0xe  }
0x37: {  	s30 =	rddreg [dreg:$0x9];
	s24 =	spop (v2sf)  }
0x38: {  	s25 =	sadd.s32 s24, s30  }
0x39: {  	s25 =	sand.u32 $0xFFFFFFF8, s25  }
0x3a: {  	p1 =	sgt.s32 s25, $0x0  }
0x3b: {  	s25 =	simm.s32 @!p1 $0x0  }
0x3c: {  	s25 =	smin.u32 s25, $0x3BF8  }
0x3d: {  	s28 =	rddreg [dreg:$0x0];
	s31 =	sshrl.u32 s25, $0x3  }
0x3e: {  	s26 =	sadd.s32 s28, s31  }
0x3f: {  	v5 =	vld.idx.msk [tilespmem:v2+s6+$0x0], $0xffff;
	[tilespmem:s20], [sflag:$0x4] =	stream.linear.gather [hbm4b:s26+s6], $0x408, $0x38  }
0x40: {  	_ =	swait.ge [sflag:s19], $0x408  }
0x41: {  	[sflag:s19] =	ssyncset.done $0x0  }
0x42: {  	[sflag:s19] =	ssyncadd.s32 $0xFFFFFBF8  }
0x43: {  	s28 =	simm.s32 $0x0;
	s26 =	simm.s32 $0x200;
	v6 =	vld [tilespmem:$0x8D00]  }
.LBB2_2:
0x44: {  	p1 =	seq.s32 s26, $0x7E00;
	_ =	sdelay $0x2  }
0x45: {  	s29 =	sshra.s32 s28, $0x2;
	s28 =	smov.u32 s26  }
0x46: {  	[tilespmem:s29+$0x8D80] =	vst v6  }
0x47: {  	v6 =	vld [tilespmem:$0x8D10];
	_ =	sdelay $0x4  }
0x48: {  	[tilespmem:s29+$0x8D90] =	vst v6  }
0x49: {  	v6 =	vld [tilespmem:$0x8D20];
	_ =	sdelay $0x4  }
0x4a: {  	[tilespmem:s29+$0x8DA0] =	vst v6  }
0x4b: {  	v6 =	vld [tilespmem:$0x8D30];
	_ =	sdelay $0x4  }
0x4c: {  	[tilespmem:s29+$0x8DB0] =	vst v6  }
0x4d: {  	v6 =	vld [tilespmem:$0x8D40];
	_ =	sdelay $0x4  }
0x4e: {  	[tilespmem:s29+$0x8DC0] =	vst v6  }
0x4f: {  	v6 =	vld [tilespmem:$0x8D50];
	_ =	sdelay $0x4  }
0x50: {  	[tilespmem:s29+$0x8DD0] =	vst v6  }
0x51: {  	v6 =	vld [tilespmem:$0x8D60];
	_ =	sdelay $0x4  }
0x52: {  	[tilespmem:s29+$0x8DE0] =	vst v6  }
0x53: {  	v6 =	vld [tilespmem:$0x8D70];
	_ =	sdelay $0x1  }
.Ltmp0:
0x54: {  	(pc) =	sbr.rel @!p1 .LBB2_2-.Ltmp0, $3  }
0x55: {  	_ =	sdelay $0x1  }
0x56: {  	[tilespmem:s29+$0x8DF0] =	vst v6  }
0x57: {  	s26 =	sadd.s32 $0x200, s26;
	v6 =	vld [tilespmem:$0x8D00]  }
0x58: {  	_ =	sdelay $0x2  }
0x59: {  	s26 =	sshra.s32 s28, $0x2  }
0x5a: {  	[tilespmem:s26+$0x8D80] =	vst v6  }
0x5b: {  	v6 =	vld [tilespmem:$0x8D10];
	_ =	sdelay $0x4  }
0x5c: {  	[tilespmem:s26+$0x8D90] =	vst v6  }
0x5d: {  	v6 =	vld [tilespmem:$0x8D20];
	_ =	sdelay $0x4  }
0x5e: {  	[tilespmem:s26+$0x8DA0] =	vst v6  }
0x5f: {  	v6 =	vld [tilespmem:$0x8D30];
	_ =	sdelay $0x4  }
0x60: {  	[tilespmem:s26+$0x8DB0] =	vst v6  }
0x61: {  	v6 =	vld [tilespmem:$0x8D40];
	_ =	sdelay $0x4  }
0x62: {  	[tilespmem:s26+$0x8DC0] =	vst v6  }
0x63: {  	v6 =	vld [tilespmem:$0x8D50];
	_ =	sdelay $0x4  }
0x64: {  	[tilespmem:s26+$0x8DD0] =	vst v6  }
0x65: {  	(v2sf) =	vpush v5, $0x0;
	v6 =	vld [tilespmem:$0x8D60];
	_ =	sdelay $0x4  }
0x66: {  	v4 =	vadd.s32 $0xFFFFFFFF, v4;
	[tilespmem:s26+$0x8DE0] =	vst v6  }
0x67: {  	s31 =	sadd.s32 $0x0, s7;
	v7 =	vbroadcast v4, $0x0;
	v6 =	vld [tilespmem:$0x8D70]  }
0x68: {  	v8 =	vor.u32 s31, v3  }
0x69: {  	v9 =	vadd.s32 v8, v7  }
0x6a: {  	vm0 =	vgt.s32 v9, $0x0  }
0x6b: {  	v9 =	vnsel vm0, $0x0, v9  }
0x6c: {  	v9 =	vmin.u32 v9, $0x3FFF;
	[tilespmem:s26+$0x8DF0] =	vst v6;
	v6 =	vmov s25  }
0x6d: {  	v9 =	vsub.s32 v9, v6;
	_ =	sdelay $0x1  }
0x6e: {  	s28 =	sadd.s32 $0x10, s31  }
0x6f: {  	v10 =	vor.u32 s28, v3;
	s26 =	spop (v2sf)  }
0x70: {  	v11 =	vadd.s32 v10, v7;
	s26 =	simm.s32 @p0 $0x4000  }
0x71: {  	vm0 =	vgt.s32 v11, $0x0;
	s26 =	ssub.s32 s26, s24;
	v9 =	vld.idx.msk [tilespmem:v9+s20+$0x0], $0xffff  }
0x72: {  	v11 =	vnsel vm0, $0x0, v11;
	s24 =	sadd.s32 $0x1, s26  }
0x73: {  	v11 =	vmin.u32 v11, $0x3FFF;
	v5 =	vmov s24  }
0x74: {  	v11 =	vsub.s32 v11, v6;
	v4 =	vmov s26;
	vm0 =	veq.s32 v8, v5  }
0x75: {  	v12 =	vmov s31;
	s28 =	sadd.s32 $0x20, s31;
	vm1 =	vgt.s32 v8, v4;
	v8 =	vsel vm0, $0x3, v1  }
0x76: {  	v63 =	vor.u32 s28, v3;
	vm0 =	veq.s32 v12, v3;
	v8 =	vsel vm1, v8, v9  }
0x77: {  	s25 =	simm.s32 $0x520;
	v9 =	vadd.s32 v63, v7;
	v8 =	vsel vm0, $0x2, v8  }
0x78: {  	vm0 =	vgt.s32 v9, $0x0;
	[tilespmem:s25+$0xFFFFFFE0] =	vst v8  }
0x79: {  	v8 =	vnsel vm0, $0x0, v9;
	v11 =	vld.idx.msk [tilespmem:v11+s20+$0x0], $0xffff  }
0x7a: {  	v8 =	vmin.u32 v8, $0x3FFF  }
0x7b: {  	v9 =	vsub.s32 v8, v6  }
0x7c: {  	s26 =	sadd.s32 $0x30, s31;
	vm0 =	veq.s32 v10, v5  }
0x7d: {  	vm1 =	vgt.s32 v10, v4;
	v10 =	vsel vm0, $0x3, v1;
	v8 =	vor.u32 s26, v3  }
0x7e: {  	v13 =	vadd.s32 v8, v7;
	v10 =	vsel vm1, v10, v11  }
0x7f: {  	vm0 =	vgt.s32 v13, $0x0;
	[tilespmem:s25+$0xFFFFFFF0] =	vst v10  }
0x80: {  	v11 =	vnsel vm0, $0x0, v13;
	v10 =	vld.idx.msk [tilespmem:v9+s20+$0x0], $0xffff  }
0x81: {  	v11 =	vmin.u32 v11, $0x3FFF  }
0x82: {  	v9 =	vsub.s32 v11, v6  }
0x83: {  	vm1 =	veq.s32 v63, v5  }
0x84: {  	s28 =	simm.s32 $0x80;
	s26 =	sadd.s32 $0x40, s7;
	vm0 =	vgt.s32 v63, v4;
	v11 =	vsel vm1, $0x3, v1  }
.LBB2_4:
0x85: {  	p1 =	sne.s32 s28, $0x3C0;
	v12 =	vor.u32 s26, v3;
	v10 =	vsel vm0, v11, v10  }
0x86: {  	v11 =	vadd.s32 v12, v7;
	[tilespmem:s25+$0x0] =	vst v10  }
0x87: {  	vm0 =	vgt.s32 v11, $0x0;
	v9 =	vld.idx.msk [tilespmem:v9+s20+$0x0], $0xffff  }
0x88: {  	v10 =	vnsel vm0, $0x0, v11  }
0x89: {  	v10 =	vmin.u32 v10, $0x3FFF  }
0x8a: {  	v10 =	vsub.s32 v10, v6  }
0x8b: {  	vm0 =	veq.s32 v8, v5  }
0x8c: {  	vm1 =	vgt.s32 v8, v4;
	v8 =	vsel vm0, $0x3, v1  }
0x8d: {  	s29 =	sadd.s32 $0x10, s26;
	v8 =	vsel vm1, v8, v9  }
0x8e: {  	v9 =	vor.u32 s29, v3;
	[tilespmem:s25+$0x10] =	vst v8  }
0x8f: {  	v8 =	vld.idx.msk [tilespmem:v10+s20+$0x0], $0xffff;
	v10 =	vadd.s32 v9, v7  }
0x90: {  	vm0 =	vgt.s32 v10, $0x0  }
0x91: {  	v10 =	vnsel vm0, $0x0, v10  }
0x92: {  	v10 =	vmin.u32 v10, $0x3FFF  }
0x93: {  	vm0 =	veq.s32 v12, v5;
	v10 =	vsub.s32 v10, v6  }
0x94: {  	v11 =	vmov s26;
	vm1 =	vgt.s32 v12, v4;
	v12 =	vsel vm0, $0x3, v1  }
0x95: {  	s29 =	sadd.s32 $0x20, s26;
	vm0 =	veq.s32 v11, v3;
	v8 =	vsel vm1, v12, v8  }
0x96: {  	s25 =	sadd.s32 $0x80, s25;
	v11 =	vor.u32 s29, v3;
	v8 =	vsel vm0, $0x2, v8  }
0x97: {  	[tilespmem:s25+$0xFFFFFFE0] =	vst v8;
	v8 =	vadd.s32 v11, v7  }
0x98: {  	v10 =	vld.idx.msk [tilespmem:v10+s20+$0x0], $0xffff;
	vm0 =	vgt.s32 v8, $0x0  }
0x99: {  	v8 =	vnsel vm0, $0x0, v8  }
0x9a: {  	v8 =	vmin.u32 v8, $0x3FFF  }
0x9b: {  	v12 =	vsub.s32 v8, v6  }
0x9c: {  	vm0 =	veq.s32 v9, v5  }
0x9d: {  	s26 =	sadd.s32 $0x30, s26;
	vm1 =	vgt.s32 v9, v4;
	v8 =	vsel vm0, $0x3, v1  }
0x9e: {  	v9 =	vsel vm1, v8, v10;
	v8 =	vor.u32 s26, v3  }
0x9f: {  	[tilespmem:s25+$0xFFFFFFF0] =	vst v9;
	v9 =	vadd.s32 v8, v7  }
0xa0: {  	v10 =	vld.idx.msk [tilespmem:v12+s20+$0x0], $0xffff;
	vm0 =	vgt.s32 v9, $0x0  }
.Ltmp1:
0xa1: {  	v9 =	vnsel vm0, $0x0, v9;
	(pc) =	sbr.rel @p1 .LBB2_4-.Ltmp1, $4  }
0xa2: {  	v9 =	vmin.u32 v9, $0x3FFF  }
0xa3: {  	v9 =	vsub.s32 v9, v6  }
0xa4: {  	vm1 =	veq.s32 v11, v5  }
0xa5: {  	s26 =	sadd.s32 s28, s7;
	s28 =	sadd.s32 $0x40, s28;
	vm0 =	vgt.s32 v11, v4;
	v11 =	vsel vm1, $0x3, v1  }
0xa6: {  	_ = 	snop  }
0xa7: {  	v12 =	vor.u32 s26, v3  }
0xa8: {  	v10 =	vsel vm0, v11, v10;
	v49 =	vadd.s32 v12, v7  }
0xa9: {  	[tilespmem:s25+$0x0] =	vst v10;
	vm14 =	vgt.s32 v49, $0x0  }
0xaa: {  	v9 =	vld.idx.msk [tilespmem:v9+s20+$0x0], $0xffff;
	v50 =	vnsel vm14, $0x0, v49  }
0xab: {  	v10 =	vmin.u32 v50, $0x3FFF  }
0xac: {  	v10 =	vsub.s32 v10, v6  }
0xad: {  	vm15 =	veq.s32 v8, v5  }
0xae: {  	vm1 =	vgt.s32 v8, v4;
	s28 =	sadd.s32 $0x10, s26;
	v51 =	vsel vm15, $0x3, v1  }
0xaf: {  	v52 =	vor.u32 s28, v3;
	v8 =	vsel vm1, v51, v9  }
0xb0: {  	v53 =	vadd.s32 v52, v7;
	[tilespmem:s25+$0x10] =	vst v8  }
0xb1: {  	vm4 =	vgt.s32 v53, $0x0;
	v10 =	vld.idx.msk [tilespmem:v10+s20+$0x0], $0xffff  }
0xb2: {  	v8 =	vnsel vm4, $0x0, v53  }
0xb3: {  	v8 =	vmin.u32 v8, $0x3FFF  }
0xb4: {  	vm5 =	veq.s32 v12, v5;
	v8 =	vsub.s32 v8, v6  }
0xb5: {  	v54 =	vmov s26;
	s31 =	sadd.s32 $0x20, s26;
	vm6 =	vgt.s32 v12, v4;
	v55 =	vsel vm5, $0x3, v1  }
0xb6: {  	vm7 =	veq.s32 v54, v3;
	v56 =	vor.u32 s31, v3;
	v10 =	vsel vm6, v55, v10  }
0xb7: {  	s28 =	sadd.s32 $0x80, s25;
	v57 =	vadd.s32 v56, v7;
	v10 =	vsel vm7, $0x2, v10  }
0xb8: {  	vm8 =	vgt.s32 v57, $0x0;
	[tilespmem:s28+$0xFFFFFFE0] =	vst v10  }
0xb9: {  	v58 =	vnsel vm8, $0x0, v57;
	v8 =	vld.idx.msk [tilespmem:v8+s20+$0x0], $0xffff  }
0xba: {  	v10 =	vmin.u32 v58, $0x3FFF  }
0xbb: {  	v10 =	vsub.s32 v10, v6  }
0xbc: {  	s29 =	sadd.s32 $0x30, s26;
	vm9 =	veq.s32 v52, v5  }
0xbd: {  	v60 =	vor.u32 s29, v3;
	vm10 =	vgt.s32 v52, v4;
	v59 =	vsel vm9, $0x3, v1  }
0xbe: {  	v61 =	vadd.s32 v60, v7;
	v8 =	vsel vm10, v59, v8  }
0xbf: {  	vm11 =	vgt.s32 v61, $0x0;
	[tilespmem:s28+$0xFFFFFFF0] =	vst v8  }
0xc0: {  	v7 =	vnsel vm11, $0x0, v61;
	v8 =	vld.idx.msk [tilespmem:v10+s20+$0x0], $0xffff  }
0xc1: {  	v7 =	vmin.u32 v7, $0x3FFF  }
0xc2: {  	v62 =	vsub.s32 v7, v6  }
0xc3: {  	vm12 =	veq.s32 v56, v5  }
0xc4: {  	vm13 =	vgt.s32 v56, v4;
	v63 =	vsel vm12, $0x3, v1  }
0xc5: {  	v7 =	vsel vm13, v63, v8  }
0xc6: {  	[tilespmem:s28+$0x0] =	vst v7  }
0xc7: {  	v6 =	vld.idx.msk [tilespmem:v62+s20+$0x0], $0xffff;
	_ =	sdelay $0x2  }
0xc8: {  	vm14 =	veq.s32 v60, v5  }
0xc9: {  	vm15 =	vgt.s32 v60, v4;
	v4 =	vsel vm14, $0x3, v1  }
0xca: {  	v4 =	vsel vm15, v4, v6  }
0xcb: {  	[tilespmem:s28+$0x10] =	vst v4  }
0xcc: {  	_ =	swait.ge [sflag:s21], $0x2000  }
0xcd: {  	p2 =	sgt.s32 s7, s24;
	[sflag:s21] =	ssyncset.done $0x0  }
0xce: {  	s26 =	simm.s32 @!p2 $0x500;
	[sflag:s21] =	ssyncadd.s32 $0xFFFFE000  }
0xcf: {  	s25 =	simm.s32 @!p2 $0x40;
	s28 =	simm.s32 @!p2 $0xD00;
	[bflag:$0x0] =	sbarrier.arrive $0xFFFF  }
0xd0: {  	[tilespmem:s28], [sflag:$0x1] =	stream.indirect.gather @!p2 [spmem:s5], $0x80, s26, s25, $0xb8;
	[tilespmem:$0x1AE00] =	vst v63  }
0xd1: {  	s30 =	rddreg [dreg:$0xa]  }
0xd2: {  	s31 =	rddreg [dreg:$0xb]  }
0xd3: {  	p3 =	sgt.s32 s30, s24;
	p4 =	sgt.s32 s31, s24  }
0xd4: {  	s25 =	simm.s32 @!p3 $0x40;
	s26 =	simm.s32 @!p3 $0x580;
	s29 =	simm.s32 @!p3 $0x2D00  }
0xd5: {  	[tilespmem:s29], [sflag:$0x1] =	stream.indirect.gather @!p3 [spmem:s5], $0x80, s26, s25, $0xb8;
	[tilespmem:$0x1AE00] =	vst v63  }
0xd6: {  	s30 =	simm.s32 @!p4 $0x4D00;
	s25 =	simm.s32 @!p4 $0x40;
	s26 =	simm.s32 @!p4 $0x600  }
0xd7: {  	[tilespmem:s30], [sflag:$0x1] =	stream.indirect.gather @!p4 [spmem:s5], $0x80, s26, s25, $0xb8;
	[tilespmem:$0x1AE00] =	vst v63  }
0xd8: {  	s26 =	rddreg [dreg:$0xc]  }
0xd9: {  	p1 =	sgt.s32 s26, s24  }
0xda: {  	s25 =	simm.s32 @!p1 $0x40;
	s26 =	simm.s32 @!p1 $0x680;
	s31 =	simm.s32 @!p1 $0x6D00  }
0xdb: {  	[tilespmem:s31], [sflag:$0x1] =	stream.indirect.gather @!p1 [spmem:s5], $0x80, s26, s25, $0xb8;
	[tilespmem:$0x1AE00] =	vst v63  }
0xdc: {  	s25 =	simm.s32 @!p2 $0x1  }
0xdd: {  	_ =	swait.ge @!p2 [sflag:s25], $0x2000  }
0xde: {  	[sflag:s25] =	ssyncset.done @!p2 $0x0  }
0xdf: {  	s28 =	simm.s32 @p2 $0x8D80;
	[sflag:s25] =	ssyncadd.s32 @!p2 $0xFFFFE000  }
0xe0: {  	[hbm4b:s15+s6] =	stream.linear.scatter [tilespmem:s28], [sflag:$0x2], $0x2000, $0x38;
	[tilespmem:$0x1AE00] =	vst v63  }
0xe1: {  	_ =	swait.ge [sflag:s22], $0x2000  }
0xe2: {  	[sflag:s22] =	ssyncset.done $0x0;
	s28 =	rddreg [dreg:$0xd]  }
0xe3: {  	[sflag:s22] =	ssyncadd.s32 $0xFFFFE000;
	p2 =	sgt.s32 s28, s24  }
0xe4: {  	s25 =	simm.s32 @!p2 $0x40;
	s26 =	simm.s32 @!p2 $0x700;
	s28 =	simm.s32 @!p2 $0xD00  }
0xe5: {  	[tilespmem:s28], [sflag:$0x1] =	stream.indirect.gather @!p2 [spmem:s5], $0x80, s26, s25, $0xb8;
	[tilespmem:$0x1AE00] =	vst v63  }
0xe6: {  	s25 =	simm.s32 @!p3 $0x1  }
0xe7: {  	_ =	swait.ge @!p3 [sflag:s25], $0x2000  }
0xe8: {  	[sflag:s25] =	ssyncset.done @!p3 $0x0  }
0xe9: {  	s29 =	simm.s32 @p3 $0x8D80;
	s26 =	rddreg [dreg:$0xe];
	[sflag:s25] =	ssyncadd.s32 @!p3 $0xFFFFE000  }
0xea: {  	[hbm4b:s26+s6] =	stream.linear.scatter [tilespmem:s29], [sflag:$0x2], $0x2000, $0x38;
	[tilespmem:$0x1AE00] =	vst v63  }
0xeb: {  	_ =	swait.ge [sflag:s22], $0x2000  }
0xec: {  	[sflag:s22] =	ssyncset.done $0x0;
	s29 =	rddreg [dreg:$0xf]  }
0xed: {  	[sflag:s22] =	ssyncadd.s32 $0xFFFFE000;
	p3 =	sgt.s32 s29, s24  }
0xee: {  	s25 =	simm.s32 @!p3 $0x40;
	s26 =	simm.s32 @!p3 $0x780;
	s29 =	simm.s32 @!p3 $0x2D00  }
0xef: {  	[tilespmem:s29], [sflag:$0x1] =	stream.indirect.gather @!p3 [spmem:s5], $0x80, s26, s25, $0xb8;
	[tilespmem:$0x1AE00] =	vst v63  }
0xf0: {  	s25 =	simm.s32 @!p4 $0x1  }
0xf1: {  	_ =	swait.ge @!p4 [sflag:s25], $0x2000  }
0xf2: {  	[sflag:s25] =	ssyncset.done @!p4 $0x0  }
0xf3: {  	s30 =	simm.s32 @p4 $0x8D80;
	s26 =	rddreg [dreg:$0x10];
	[sflag:s25] =	ssyncadd.s32 @!p4 $0xFFFFE000  }
0xf4: {  	[hbm4b:s26+s6] =	stream.linear.scatter [tilespmem:s30], [sflag:$0x2], $0x2000, $0x38;
	[tilespmem:$0x1AE00] =	vst v63  }
0xf5: {  	_ =	swait.ge [sflag:s22], $0x2000  }
0xf6: {  	[sflag:s22] =	ssyncset.done $0x0;
	s30 =	rddreg [dreg:$0x11]  }
0xf7: {  	[sflag:s22] =	ssyncadd.s32 $0xFFFFE000;
	p4 =	sgt.s32 s30, s24  }
0xf8: {  	s25 =	simm.s32 @!p4 $0x40;
	s26 =	simm.s32 @!p4 $0x800;
	s30 =	simm.s32 @!p4 $0x4D00  }
0xf9: {  	[tilespmem:s30], [sflag:$0x1] =	stream.indirect.gather @!p4 [spmem:s5], $0x80, s26, s25, $0xb8;
	[tilespmem:$0x1AE00] =	vst v63  }
0xfa: {  	s25 =	simm.s32 @!p1 $0x1  }
0xfb: {  	_ =	swait.ge @!p1 [sflag:s25], $0x2000  }
0xfc: {  	[sflag:s25] =	ssyncset.done @!p1 $0x0  }
0xfd: {  	s31 =	simm.s32 @p1 $0x8D80;
	s26 =	rddreg [dreg:$0x12];
	[sflag:s25] =	ssyncadd.s32 @!p1 $0xFFFFE000  }
0xfe: {  	[hbm4b:s26+s6] =	stream.linear.scatter [tilespmem:s31], [sflag:$0x2], $0x2000, $0x38;
	[tilespmem:$0x1AE00] =	vst v63  }
0xff: {  	_ =	swait.ge [sflag:s22], $0x2000  }
0x100: {  	[sflag:s22] =	ssyncset.done $0x0;
	s31 =	rddreg [dreg:$0x15]  }
0x101: {  	[sflag:s22] =	ssyncadd.s32 $0xFFFFE000;
	p1 =	sgt.s32 s31, s24  }
0x102: {  	s25 =	simm.s32 @!p1 $0x40;
	s26 =	simm.s32 @!p1 $0x880;
	s31 =	simm.s32 @!p1 $0x6D00  }
0x103: {  	[tilespmem:s31], [sflag:$0x1] =	stream.indirect.gather @!p1 [spmem:s5], $0x80, s26, s25, $0xb8;
	[tilespmem:$0x1AE00] =	vst v63  }
0x104: {  	s25 =	simm.s32 @!p2 $0x1  }
0x105: {  	_ =	swait.ge @!p2 [sflag:s25], $0x2000  }
0x106: {  	[sflag:s25] =	ssyncset.done @!p2 $0x0  }
0x107: {  	s28 =	simm.s32 @p2 $0x8D80;
	s26 =	rddreg [dreg:$0x16];
	[sflag:s25] =	ssyncadd.s32 @!p2 $0xFFFFE000  }
0x108: {  	[hbm4b:s26+s6] =	stream.linear.scatter [tilespmem:s28], [sflag:$0x2], $0x2000, $0x38;
	[tilespmem:$0x1AE00] =	vst v63  }
0x109: {  	_ =	swait.ge [sflag:s22], $0x2000  }
0x10a: {  	[sflag:s22] =	ssyncset.done $0x0;
	s28 =	rddreg [dreg:$0x17]  }
0x10b: {  	[sflag:s22] =	ssyncadd.s32 $0xFFFFE000;
	p2 =	sgt.s32 s28, s24  }
0x10c: {  	s25 =	simm.s32 @!p2 $0x40;
	s26 =	simm.s32 @!p2 $0x900;
	s28 =	simm.s32 @!p2 $0xD00  }
0x10d: {  	[tilespmem:s28], [sflag:$0x1] =	stream.indirect.gather @!p2 [spmem:s5], $0x80, s26, s25, $0xb8;
	[tilespmem:$0x1AE00] =	vst v63  }
0x10e: {  	s25 =	simm.s32 @!p3 $0x1  }
0x10f: {  	_ =	swait.ge @!p3 [sflag:s25], $0x2000  }
0x110: {  	[sflag:s25] =	ssyncset.done @!p3 $0x0  }
0x111: {  	s29 =	simm.s32 @p3 $0x8D80;
	s26 =	rddreg [dreg:$0x18];
	[sflag:s25] =	ssyncadd.s32 @!p3 $0xFFFFE000  }
0x112: {  	[hbm4b:s26+s6] =	stream.linear.scatter [tilespmem:s29], [sflag:$0x2], $0x2000, $0x38;
	[tilespmem:$0x1AE00] =	vst v63  }
0x113: {  	_ =	swait.ge [sflag:s22], $0x2000  }
0x114: {  	[sflag:s22] =	ssyncset.done $0x0;
	s29 =	rddreg [dreg:$0x19]  }
0x115: {  	[sflag:s22] =	ssyncadd.s32 $0xFFFFE000;
	p3 =	sgt.s32 s29, s24  }
0x116: {  	s25 =	simm.s32 @!p3 $0x40;
	s26 =	simm.s32 @!p3 $0x980;
	s29 =	simm.s32 @!p3 $0x2D00  }
0x117: {  	[tilespmem:s29], [sflag:$0x1] =	stream.indirect.gather @!p3 [spmem:s5], $0x80, s26, s25, $0xb8;
	[tilespmem:$0x1AE00] =	vst v63  }
0x118: {  	s25 =	simm.s32 @!p4 $0x1  }
0x119: {  	_ =	swait.ge @!p4 [sflag:s25], $0x2000  }
0x11a: {  	[sflag:s25] =	ssyncset.done @!p4 $0x0  }
0x11b: {  	s30 =	simm.s32 @p4 $0x8D80;
	s26 =	rddreg [dreg:$0x1a];
	[sflag:s25] =	ssyncadd.s32 @!p4 $0xFFFFE000  }
0x11c: {  	[hbm4b:s26+s6] =	stream.linear.scatter [tilespmem:s30], [sflag:$0x2], $0x2000, $0x38;
	[tilespmem:$0x1AE00] =	vst v63  }
0x11d: {  	_ =	swait.ge [sflag:s22], $0x2000  }
0x11e: {  	[sflag:s22] =	ssyncset.done $0x0;
	s30 =	rddreg [dreg:$0x1b]  }
0x11f: {  	[sflag:s22] =	ssyncadd.s32 $0xFFFFE000;
	p4 =	sgt.s32 s30, s24  }
0x120: {  	s25 =	simm.s32 @!p4 $0x40;
	s26 =	simm.s32 @!p4 $0xA00;
	s30 =	simm.s32 @!p4 $0x4D00  }
0x121: {  	[tilespmem:s30], [sflag:$0x1] =	stream.indirect.gather @!p4 [spmem:s5], $0x80, s26, s25, $0xb8;
	[tilespmem:$0x1AE00] =	vst v63  }
0x122: {  	s25 =	simm.s32 @!p1 $0x1  }
0x123: {  	_ =	swait.ge @!p1 [sflag:s25], $0x2000  }
0x124: {  	[sflag:s25] =	ssyncset.done @!p1 $0x0  }
0x125: {  	s31 =	simm.s32 @p1 $0x8D80;
	[sflag:s25] =	ssyncadd.s32 @!p1 $0xFFFFE000  }
0x126: {  	[hbm4b:s1+s6] =	stream.linear.scatter [tilespmem:s31], [sflag:$0x2], $0x2000, $0x38;
	[tilespmem:$0x1AE00] =	vst v63  }
0x127: {  	p1 =	sgt.s32 s4, s24;
	_ =	swait.ge [sflag:s22], $0x2000  }
0x128: {  	s25 =	simm.s32 @!p1 $0x40;
	[sflag:s22] =	ssyncset.done $0x0  }
0x129: {  	s26 =	simm.s32 @!p1 $0xA80;
	s31 =	simm.s32 @!p1 $0x6D00;
	[sflag:s22] =	ssyncadd.s32 $0xFFFFE000  }
0x12a: {  	[tilespmem:s31], [sflag:$0x1] =	stream.indirect.gather @!p1 [spmem:s5], $0x80, s26, s25, $0xb8;
	[tilespmem:$0x1AE00] =	vst v63  }
0x12b: {  	s25 =	simm.s32 @!p2 $0x1  }
0x12c: {  	_ =	swait.ge @!p2 [sflag:s25], $0x2000  }
0x12d: {  	[sflag:s25] =	ssyncset.done @!p2 $0x0  }
0x12e: {  	s28 =	simm.s32 @p2 $0x8D80;
	[sflag:s25] =	ssyncadd.s32 @!p2 $0xFFFFE000  }
0x12f: {  	[hbm4b:s0+s6] =	stream.linear.scatter [tilespmem:s28], [sflag:$0x2], $0x2000, $0x38;
	[tilespmem:$0x1AE00] =	vst v63  }
0x130: {  	p2 =	sgt.s32 s2, s24;
	_ =	swait.ge [sflag:s22], $0x2000  }
0x131: {  	s25 =	simm.s32 @!p2 $0x40;
	[sflag:s22] =	ssyncset.done $0x0  }
0x132: {  	s26 =	simm.s32 @!p2 $0xB00;
	s28 =	simm.s32 @!p2 $0xD00;
	[sflag:s22] =	ssyncadd.s32 $0xFFFFE000  }
0x133: {  	[tilespmem:s28], [sflag:$0x1] =	stream.indirect.gather @!p2 [spmem:s5], $0x80, s26, s25, $0xb8;
	[tilespmem:$0x1AE00] =	vst v63  }
0x134: {  	s25 =	simm.s32 @!p3 $0x1  }
0x135: {  	_ =	swait.ge @!p3 [sflag:s25], $0x2000  }
0x136: {  	[sflag:s25] =	ssyncset.done @!p3 $0x0  }
0x137: {  	s29 =	simm.s32 @p3 $0x8D80;
	[sflag:s25] =	ssyncadd.s32 @!p3 $0xFFFFE000  }
0x138: {  	[hbm4b:s3+s6] =	stream.linear.scatter [tilespmem:s29], [sflag:$0x2], $0x2000, $0x38;
	[tilespmem:$0x1AE00] =	vst v63  }
0x139: {  	p3 =	sgt.s32 s8, s24;
	_ =	swait.ge [sflag:s22], $0x2000  }
0x13a: {  	s25 =	simm.s32 @!p3 $0x40;
	[sflag:s22] =	ssyncset.done $0x0  }
0x13b: {  	s26 =	simm.s32 @!p3 $0xB80;
	s29 =	simm.s32 @!p3 $0x2D00;
	[sflag:s22] =	ssyncadd.s32 $0xFFFFE000  }
0x13c: {  	[tilespmem:s29], [sflag:$0x1] =	stream.indirect.gather @!p3 [spmem:s5], $0x80, s26, s25, $0xb8;
	[tilespmem:$0x1AE00] =	vst v63  }
0x13d: {  	s25 =	simm.s32 @!p4 $0x1  }
0x13e: {  	_ =	swait.ge @!p4 [sflag:s25], $0x2000  }
0x13f: {  	[sflag:s25] =	ssyncset.done @!p4 $0x0  }
0x140: {  	s30 =	simm.s32 @p4 $0x8D80;
	[sflag:s25] =	ssyncadd.s32 @!p4 $0xFFFFE000  }
0x141: {  	[hbm4b:s9+s6] =	stream.linear.scatter [tilespmem:s30], [sflag:$0x2], $0x2000, $0x38;
	[tilespmem:$0x1AE00] =	vst v63  }
0x142: {  	p4 =	sgt.s32 s10, s24;
	_ =	swait.ge [sflag:s22], $0x2000  }
0x143: {  	s25 =	simm.s32 @!p4 $0x40;
	[sflag:s22] =	ssyncset.done $0x0  }
0x144: {  	s26 =	simm.s32 @!p4 $0xC00;
	s30 =	simm.s32 @!p4 $0x4D00;
	[sflag:s22] =	ssyncadd.s32 $0xFFFFE000  }
0x145: {  	[tilespmem:s30], [sflag:$0x1] =	stream.indirect.gather @!p4 [spmem:s5], $0x80, s26, s25, $0xb8;
	[tilespmem:$0x1AE00] =	vst v63  }
0x146: {  	s25 =	simm.s32 @!p1 $0x1  }
0x147: {  	_ =	swait.ge @!p1 [sflag:s25], $0x2000  }
0x148: {  	[sflag:s25] =	ssyncset.done @!p1 $0x0  }
0x149: {  	s31 =	simm.s32 @p1 $0x8D80;
	[sflag:s25] =	ssyncadd.s32 @!p1 $0xFFFFE000  }
0x14a: {  	[hbm4b:s11+s6] =	stream.linear.scatter [tilespmem:s31], [sflag:$0x2], $0x2000, $0x38;
	[tilespmem:$0x1AE00] =	vst v63  }
0x14b: {  	p1 =	sgt.s32 s12, s24;
	_ =	swait.ge [sflag:s22], $0x2000  }
0x14c: {  	s24 =	simm.s32 @!p1 $0x40;
	[sflag:s22] =	ssyncset.done $0x0  }
0x14d: {  	s25 =	simm.s32 @!p1 $0xC80;
	s26 =	simm.s32 @!p1 $0x6D00;
	[sflag:s22] =	ssyncadd.s32 $0xFFFFE000  }
0x14e: {  	[tilespmem:s26], [sflag:$0x1] =	stream.indirect.gather @!p1 [spmem:s5], $0x80, s25, s24, $0xb8;
	[tilespmem:$0x1AE00] =	vst v63  }
0x14f: {  	s24 =	simm.s32 @!p2 $0x1  }
0x150: {  	_ =	swait.ge @!p2 [sflag:s24], $0x2000  }
0x151: {  	[sflag:s24] =	ssyncset.done @!p2 $0x0  }
0x152: {  	s28 =	simm.s32 @p2 $0x8D80;
	[sflag:s24] =	ssyncadd.s32 @!p2 $0xFFFFE000;
	s24 =	simm.s32 @!p3 $0x1  }
0x153: {  	[hbm4b:s13+s6] =	stream.linear.scatter [tilespmem:s28], [sflag:$0x2], $0x2000, $0x38;
	[tilespmem:$0x1AE00] =	vst v63  }
0x154: {  	_ =	swait.ge @!p3 [sflag:s24], $0x2000  }
0x155: {  	[sflag:s24] =	ssyncset.done @!p3 $0x0  }
0x156: {  	s29 =	simm.s32 @p3 $0x8D80;
	[sflag:s24] =	ssyncadd.s32 @!p3 $0xFFFFE000;
	s24 =	simm.s32 @!p4 $0x1  }
0x157: {  	[hbm4b:s14+s6] =	stream.linear.scatter [tilespmem:s29], [sflag:$0x2], $0x2000, $0x38;
	[tilespmem:$0x1AE00] =	vst v63  }
0x158: {  	_ =	swait.ge @!p4 [sflag:s24], $0x2000  }
0x159: {  	[sflag:s24] =	ssyncset.done @!p4 $0x0  }
0x15a: {  	s30 =	simm.s32 @p4 $0x8D80;
	[sflag:s24] =	ssyncadd.s32 @!p4 $0xFFFFE000;
	s24 =	simm.s32 @!p1 $0x1  }
0x15b: {  	[hbm4b:s16+s6] =	stream.linear.scatter [tilespmem:s30], [sflag:$0x2], $0x2000, $0x38;
	[tilespmem:$0x1AE00] =	vst v63  }
0x15c: {  	_ =	swait.ge @!p1 [sflag:s24], $0x2000  }
0x15d: {  	[sflag:s24] =	ssyncset.done @!p1 $0x0  }
0x15e: {  	s26 =	simm.s32 @p1 $0x8D80;
	[sflag:s24] =	ssyncadd.s32 @!p1 $0xFFFFE000  }
0x15f: {  	[hbm4b:s17+s6] =	stream.linear.scatter [tilespmem:s26], [sflag:$0x2], $0x2000, $0x38;
	[tilespmem:$0x1AE00] =	vst v63  }
0x160: {  	_ =	swait.ge [sflag:s22], $0x2000  }
0x161: {  	[sflag:s22] =	ssyncset.done $0x0  }
0x162: {  	[sflag:s22] =	ssyncadd.s32 $0xFFFFE000  }
0x163: {  	_ =	swait.ge [sflag:s22], $0x2000  }
0x164: {  	[sflag:s22] =	ssyncset.done $0x0  }
0x165: {  	[sflag:s22] =	ssyncadd.s32 $0xFFFFE000  }
0x166: {  	_ =	swait.ge [sflag:s22], $0x2000  }
0x167: {  	[sflag:s22] =	ssyncset.done $0x0  }
0x168: {  	[sflag:s22] =	ssyncadd.s32 $0xFFFFE000  }
0x169: {  	_ =	swait.ge [sflag:s22], $0x2000  }
0x16a: {  	s23 =	sadd.s32 $0x1, s23;
	s31 =	rddreg [dreg:$0x13]  }
0x16b: {  	p1 =	sne.s32 s23, s31  }
.Ltmp2:
0x16c: {  	_ = 	snop;
	(pc) =	sbr.rel @p1 .LBB2_1-.Ltmp2, $3  }
0x16d: {  	_ =	sdelay $0x1  }
0x16e: {  	[sflag:s22] =	ssyncset.done $0x0  }
0x16f: {  	[sflag:s22] =	ssyncadd.s32 $0xFFFFE000  }
0x170: {  	_ =	sfence.sel $0x180000  }
0x171: {  	[bflag:$0x0] =	sbarrier.arrive $0xFFFF  }
0x172: {  	_ =	strace $0x90000047  }
0x173: {  	s0 =	stileid.u32;
	[bflag:$0x2] =	sbarrier.arrive $0xFFFF  }
0x174: {  	p0 =	sne.s32 s0, $0x0;
	s0 =	rddreg [dreg:$0x5]  }
0x175: {  	s0 =	sadd.s32 @!p0 $0x100000, s0  }
0x176: {  	[sflag:s0] =	ssyncadd.tile.s32 @!p0 $0x1;
	_ =	shalt  }
.Lfunc_end2:
_tile_overlayer_lowered:
.L_overlay_start_2:
0x177: {  	(tag) =	ssettag $0x2  }
0x178: {  	s0 =	rddreg [dreg:$0x0];
	s2 =	stileid.u32  }
0x179: {  	s1 =	rddreg [dreg:$0x1];
	p0 =	sne.s32 s2, $0x0  }
0x17a: {  	s3 =	rddreg [dreg:$0x2];
	[bflag:$0x3] =	sbarrier.arrive $0xFFFF;
	s2 =	simm.s32 @!p0 $0x1C04  }
0x17b: {  	[timem:s3], [sflag:s2] =	dma.local @!p0 [hbm:s0], s1  }
0x17c: {  	s0 =	simm.s32 @!p0 $0x4  }
0x17d: {  	_ =	swait.ge @!p0 [sflag:s0], s1  }
0x17e: {  	s1 =	ssub.s32 @!p0 $0x0, s1;
	[sflag:s0] =	ssyncset.done @!p0 $0x0  }
0x17f: {  	[sflag:s0] =	ssyncadd.s32 @!p0 s1  }
0x180: {  	[bflag:$0x3] =	sbarrier.arrive $0xFFFF  }
0x181: {  	_ =	shalt  }

</sc_bundles>
